<compile_context>
chip_gen: v7x
topology: tpu7x:2x2x1
jax: 0.10.2.dev20260603
libtpu: 0.0.44.dev20260713+nightly
codegen_flags: <defaults>
</compile_context>

<pallas_src>
import jax
import jax.numpy as jnp
from jax import lax
from jax.experimental import pallas as pl
from jax.experimental.pallas import tpu as pltpu
from jax.experimental.pallas import tpu_sc as plsc

B = 16384
NC, NS = 2, 16
NW = NC * NS
BPW = B // NW
CHUNK = 128
NCHUNK = BPW // CHUNK

D_S, D_M, D_E = 6, 54, 6
D_OUT = D_S + D_M + D_E
P_S, P_M, P_E = 8, 56, 8
RB = 8

_mesh = plsc.VectorSubcoreMesh(
    core_axis_name="c", subcore_axis_name="s", num_cores=NC, num_subcores=NS
)

_MAGIC = {6: 10923, 54: 1214}


def _patterns(iota, width, col_off):
    out = []
    for v in range((RB * width) // 16):
        q = v * 16 + iota
        b = (q * _MAGIC[width]) >> 16
        j = q - b * width
        d = b * D_OUT + col_off + j
        out.append((b, j, d))
    return out


_SCRATCH = [
    pltpu.VMEM((NCHUNK, CHUNK), jnp.int32),
    pltpu.VMEM((NCHUNK, CHUNK), jnp.int32),
    pltpu.VMEM((NCHUNK, CHUNK), jnp.int32),
    pltpu.VMEM((BPW, P_S), jnp.float32),
    pltpu.VMEM((BPW, P_M), jnp.float32),
    pltpu.VMEM((BPW, P_E), jnp.float32),
    pltpu.VMEM((BPW * D_OUT,), jnp.float32),
    pltpu.SemaphoreType.DMA,
]


def _se3_body(s_hbm, m_hbm, e_hbm, is_hbm, im_hbm, ie_hbm, out_hbm,
              is_v, im_v, ie_v, s_v, m_v, e_v, out_v, sem):
    wid = lax.axis_index("s") * NC + lax.axis_index("c")
    base = wid * BPW

    for j in range(NCHUNK):
        off = base + j * CHUNK
        pltpu.sync_copy(is_hbm.at[pl.ds(off, CHUNK)], is_v.at[j])
        pltpu.sync_copy(im_hbm.at[pl.ds(off, CHUNK)], im_v.at[j])
        pltpu.sync_copy(ie_hbm.at[pl.ds(off, CHUNK)], ie_v.at[j])

    copies = []
    for j in range(NCHUNK):
        rows = pl.ds(j * CHUNK, CHUNK)
        copies.append(pltpu.async_copy(s_hbm.at[is_v.at[j]], s_v.at[rows], sem))
        copies.append(pltpu.async_copy(m_hbm.at[im_v.at[j]], m_v.at[rows], sem))
        copies.append(pltpu.async_copy(e_hbm.at[ie_v.at[j]], e_v.at[rows], sem))
    for c in copies:
        c.wait()

    iota = lax.iota(jnp.int32, 16)
    tables = [(s_v, _patterns(iota, D_S, 0)),
              (m_v, _patterns(iota, D_M, D_S)),
              (e_v, _patterns(iota, D_E, D_S + D_M))]

    def body(blk, carry):
        b0 = blk * RB
        d0 = b0 * D_OUT
        for src_v, pats in tables:
            for bc, jc, dc in pats:
                vec = plsc.load_gather(src_v, [b0 + bc, jc])
                plsc.store_scatter(out_v, [d0 + dc], vec)
        return carry

    lax.fori_loop(0, BPW // RB, body, 0)

    pltpu.sync_copy(out_v, out_hbm.at[pl.ds(base * D_OUT, BPW * D_OUT)])


_se3_lookup = pl.kernel(
    _se3_body,
    out_type=jax.ShapeDtypeStruct((B * D_OUT,), jnp.float32),
    mesh=_mesh,
    compiler_params=pltpu.CompilerParams(
        use_tc_tiling_on_sc=False, needs_layout_passes=False),
    scratch_types=_SCRATCH,
)


def _widen(t, extra):
    return jnp.concatenate([t, t[:, :extra]], axis=1)


def kernel(start_table, mid_table, end_table, idx_start, idx_mid, idx_end):
    flat = _se3_lookup(
        _widen(start_table, P_S - D_S),
        _widen(mid_table, P_M - D_M),
        _widen(end_table, P_E - D_E),
        idx_start.astype(jnp.int32), idx_mid.astype(jnp.int32),
        idx_end.astype(jnp.int32),
    )
    return flat.reshape(B, D_OUT)

# --- scband reference (transcript-rebuilt; emitter-appended) ---
"""Pipeline reference for scband-se3-43001212567952 (READ-ONLY COPY).

The authoritative reference and input builder live on the scoring server;
editing this copy changes nothing except your own understanding.
"""

import jax, jax.numpy as jnp
import numpy as np

SHAPE_1 = 1000000
SEG = 10
BATCH = 16384


def setup_inputs(seed: int = 0) -> dict:
    key = jax.random.key(seed)
    k1, k2, k3, k4, k5, k6 = jax.random.split(key, 6)
    n = SHAPE_1 // SEG  # 100000 rows
    start_table = jax.random.normal(k1, (n, 6 * 1), dtype=jnp.float32)
    mid_table = jax.random.normal(k2, (n, 6 * (SEG - 1)), dtype=jnp.float32)
    end_table = jax.random.normal(k3, (n * 3 + 1, 6 * 1), dtype=jnp.float32)
    idx_start = jax.random.randint(k4, (BATCH,), 0, n, dtype=jnp.int64 if jax.config.jax_enable_x64 else jnp.int32)
    idx_mid = jax.random.randint(k5, (BATCH,), 0, n, dtype=jnp.int64 if jax.config.jax_enable_x64 else jnp.int32)
    idx_end = jax.random.randint(k6, (BATCH,), 0, n * 3 + 1, dtype=jnp.int64 if jax.config.jax_enable_x64 else jnp.int32)
    return {
        "start_table": start_table,
        "mid_table": mid_table,
        "end_table": end_table,
        "idx_start": idx_start,
        "idx_mid": idx_mid,
        "idx_end": idx_end,
    }


def reference(start_table, mid_table, end_table, idx_start, idx_mid, idx_end):
    # Embedding lookups for the three SE3 trajectory-segment tables
    s = jnp.take(start_table, idx_start, axis=0)  # [B, 6]
    m = jnp.take(mid_table, idx_mid, axis=0)      # [B, 6*(SEG-1)]
    e = jnp.take(end_table, idx_end, axis=0)      # [B, 6]
    return jnp.concatenate([s, m, e], axis=-1)    # [B, 6*(SEG+1)] = [B, 66]

if __name__ == "__main__":
    import jax
    _d = setup_inputs()
    print(jax.jit(kernel)(*tuple(_d.values())))

</pallas_src>

<mosaic_0001>
#map = affine_map<(d0, d1) -> (0, 0)>
#map1 = affine_map<(d0, d1) -> (0)>
module attributes {stable_mosaic.version = 14 : i64} {
  func.func @_se3_body(%arg0: i32, %arg1: i32, %arg2: memref<100000x8xf32, #tpu.memory_space<hbm>>, %arg3: memref<100000x56xf32, #tpu.memory_space<hbm>>, %arg4: memref<300001x8xf32, #tpu.memory_space<hbm>>, %arg5: memref<16384xi32, #tpu.memory_space<hbm>>, %arg6: memref<16384xi32, #tpu.memory_space<hbm>>, %arg7: memref<16384xi32, #tpu.memory_space<hbm>>, %arg8: memref<1081344xf32, #tpu.memory_space<hbm>>, %arg9: memref<4x128xi32, #tpu.memory_space<vmem>>, %arg10: memref<4x128xi32, #tpu.memory_space<vmem>>, %arg11: memref<4x128xi32, #tpu.memory_space<vmem>>, %arg12: memref<512x8xf32, #tpu.memory_space<vmem>>, %arg13: memref<512x56xf32, #tpu.memory_space<vmem>>, %arg14: memref<512x8xf32, #tpu.memory_space<vmem>>, %arg15: memref<33792xf32, #tpu.memory_space<vmem>>, %arg16: memref<!tpu.dma_semaphore, #tpu.memory_space<semaphore_mem>>) attributes {dimension_semantics = [#tpu.dimension_semantics<core_parallel>, #tpu.dimension_semantics<subcore_parallel>], iteration_bounds = array<i64: 2, 16>, scalar_prefetch = 0 : i64, scratch_operands = 8 : i64, tpu.core_type = #tpu.core_type<sc_vector_subcore>, window_params = [{transform_indices = #map}, {transform_indices = #map}, {transform_indices = #map}, {transform_indices = #map1}, {transform_indices = #map1}, {transform_indices = #map1}, {transform_indices = #map1}]} {
    %mul3A = arith.constant 2 : i32
    %mul3A_0 = arith.muli %arg1, %mul3A : i32
    %add3A = arith.addi %mul3A_0, %arg0 : i32
    %mul3A_1 = arith.constant 512 : i32
    %mul3A_2 = arith.muli %add3A, %mul3A_1 : i32
    %add3A_3 = arith.constant 0 : i32
    %add3A_4 = arith.addi %mul3A_2, %add3A_3 : i32
    %run_scoped3A = arith.constant 0 : i32
    "tpu.region"() ({
      %run_scoped3A_925 = tpu.sem_alloc : memref<!tpu.dma_semaphore, #tpu.memory_space<semaphore_mem>>
      %dma_start3A_926 = arith.constant 0 : i32
      %dma_start3A_927 = tpu.memref_slice %arg9[%run_scoped3A, %dma_start3A_926] : memref<4x128xi32, #tpu.memory_space<vmem>> -> memref<1x128xi32, #tpu.memory_space<vmem>>
      %dma_start3A_928 = tpu.memref_squeeze %dma_start3A_927 : memref<1x128xi32, #tpu.memory_space<vmem>> -> memref<128xi32, #tpu.memory_space<vmem>>
      %dma_start3A_929 = tpu.memref_slice %arg5[%add3A_4] : memref<16384xi32, #tpu.memory_space<hbm>> -> memref<128xi32, #tpu.memory_space<hbm>>
      %dma_start3A_930 = arith.constant 0 : i32
      %dma_start3A_931 = tpu.memref_slice %arg9[%run_scoped3A, %dma_start3A_930] : memref<4x128xi32, #tpu.memory_space<vmem>> -> memref<1x128xi32, #tpu.memory_space<vmem>>
      %dma_start3A_932 = tpu.memref_squeeze %dma_start3A_931 : memref<1x128xi32, #tpu.memory_space<vmem>> -> memref<128xi32, #tpu.memory_space<vmem>>
      %dma_start3A_933 = tpu.memref_slice %arg5[%add3A_4] : memref<16384xi32, #tpu.memory_space<hbm>> -> memref<128xi32, #tpu.memory_space<hbm>>
      tpu.enqueue_dma source(%dma_start3A_933 : memref<128xi32, #tpu.memory_space<hbm>>) target(%dma_start3A_932 : memref<128xi32, #tpu.memory_space<vmem>>) target_semaphore(%run_scoped3A_925 : memref<!tpu.dma_semaphore, #tpu.memory_space<semaphore_mem>>)
      %dma_wait3A_934 = arith.constant 0 : i32
      %dma_wait3A_935 = tpu.memref_slice %arg9[%run_scoped3A, %dma_wait3A_934] : memref<4x128xi32, #tpu.memory_space<vmem>> -> memref<1x128xi32, #tpu.memory_space<vmem>>
      %dma_wait3A_936 = tpu.memref_squeeze %dma_wait3A_935 : memref<1x128xi32, #tpu.memory_space<vmem>> -> memref<128xi32, #tpu.memory_space<vmem>>
      %dma_wait3A_937 = tpu.memref_slice %arg5[%add3A_4] : memref<16384xi32, #tpu.memory_space<hbm>> -> memref<128xi32, #tpu.memory_space<hbm>>
      %dma_wait3A_938 = arith.constant 0 : i32
      %dma_wait3A_939 = tpu.memref_slice %arg9[%run_scoped3A, %dma_wait3A_938] : memref<4x128xi32, #tpu.memory_space<vmem>> -> memref<1x128xi32, #tpu.memory_space<vmem>>
      %dma_wait3A_940 = tpu.memref_squeeze %dma_wait3A_939 : memref<1x128xi32, #tpu.memory_space<vmem>> -> memref<128xi32, #tpu.memory_space<vmem>>
      %dma_wait3A_941 = tpu.memref_slice %arg5[%add3A_4] : memref<16384xi32, #tpu.memory_space<hbm>> -> memref<128xi32, #tpu.memory_space<hbm>>
      tpu.wait_dma2 semaphore(%run_scoped3A_925 : memref<!tpu.dma_semaphore, #tpu.memory_space<semaphore_mem>>) src(%dma_wait3A_941 : memref<128xi32, #tpu.memory_space<hbm>>) dst(%dma_wait3A_940 : memref<128xi32, #tpu.memory_space<vmem>>)
      tpu.yield
    }) : () -> ()
    %run_scoped3A_5 = arith.constant 0 : i32
    "tpu.region"() ({
      %run_scoped3A_925 = tpu.sem_alloc : memref<!tpu.dma_semaphore, #tpu.memory_space<semaphore_mem>>
      %dma_start3A_926 = arith.constant 0 : i32
      %dma_start3A_927 = tpu.memref_slice %arg10[%run_scoped3A_5, %dma_start3A_926] : memref<4x128xi32, #tpu.memory_space<vmem>> -> memref<1x128xi32, #tpu.memory_space<vmem>>
      %dma_start3A_928 = tpu.memref_squeeze %dma_start3A_927 : memref<1x128xi32, #tpu.memory_space<vmem>> -> memref<128xi32, #tpu.memory_space<vmem>>
      %dma_start3A_929 = tpu.memref_slice %arg6[%add3A_4] : memref<16384xi32, #tpu.memory_space<hbm>> -> memref<128xi32, #tpu.memory_space<hbm>>
      %dma_start3A_930 = arith.constant 0 : i32
      %dma_start3A_931 = tpu.memref_slice %arg10[%run_scoped3A_5, %dma_start3A_930] : memref<4x128xi32, #tpu.memory_space<vmem>> -> memref<1x128xi32, #tpu.memory_space<vmem>>
      %dma_start3A_932 = tpu.memref_squeeze %dma_start3A_931 : memref<1x128xi32, #tpu.memory_space<vmem>> -> memref<128xi32, #tpu.memory_space<vmem>>
      %dma_start3A_933 = tpu.memref_slice %arg6[%add3A_4] : memref<16384xi32, #tpu.memory_space<hbm>> -> memref<128xi32, #tpu.memory_space<hbm>>
      tpu.enqueue_dma source(%dma_start3A_933 : memref<128xi32, #tpu.memory_space<hbm>>) target(%dma_start3A_932 : memref<128xi32, #tpu.memory_space<vmem>>) target_semaphore(%run_scoped3A_925 : memref<!tpu.dma_semaphore, #tpu.memory_space<semaphore_mem>>)
      %dma_wait3A_934 = arith.constant 0 : i32
      %dma_wait3A_935 = tpu.memref_slice %arg10[%run_scoped3A_5, %dma_wait3A_934] : memref<4x128xi32, #tpu.memory_space<vmem>> -> memref<1x128xi32, #tpu.memory_space<vmem>>
      %dma_wait3A_936 = tpu.memref_squeeze %dma_wait3A_935 : memref<1x128xi32, #tpu.memory_space<vmem>> -> memref<128xi32, #tpu.memory_space<vmem>>
      %dma_wait3A_937 = tpu.memref_slice %arg6[%add3A_4] : memref<16384xi32, #tpu.memory_space<hbm>> -> memref<128xi32, #tpu.memory_space<hbm>>
      %dma_wait3A_938 = arith.constant 0 : i32
      %dma_wait3A_939 = tpu.memref_slice %arg10[%run_scoped3A_5, %dma_wait3A_938] : memref<4x128xi32, #tpu.memory_space<vmem>> -> memref<1x128xi32, #tpu.memory_space<vmem>>
      %dma_wait3A_940 = tpu.memref_squeeze %dma_wait3A_939 : memref<1x128xi32, #tpu.memory_space<vmem>> -> memref<128xi32, #tpu.memory_space<vmem>>
      %dma_wait3A_941 = tpu.memref_slice %arg6[%add3A_4] : memref<16384xi32, #tpu.memory_space<hbm>> -> memref<128xi32, #tpu.memory_space<hbm>>
      tpu.wait_dma2 semaphore(%run_scoped3A_925 : memref<!tpu.dma_semaphore, #tpu.memory_space<semaphore_mem>>) src(%dma_wait3A_941 : memref<128xi32, #tpu.memory_space<hbm>>) dst(%dma_wait3A_940 : memref<128xi32, #tpu.memory_space<vmem>>)
      tpu.yield
    }) : () -> ()
    %run_scoped3A_6 = arith.constant 0 : i32
    "tpu.region"() ({
      %run_scoped3A_925 = tpu.sem_alloc : memref<!tpu.dma_semaphore, #tpu.memory_space<semaphore_mem>>
      %dma_start3A_926 = arith.constant 0 : i32
      %dma_start3A_927 = tpu.memref_slice %arg11[%run_scoped3A_6, %dma_start3A_926] : memref<4x128xi32, #tpu.memory_space<vmem>> -> memref<1x128xi32, #tpu.memory_space<vmem>>
      %dma_start3A_928 = tpu.memref_squeeze %dma_start3A_927 : memref<1x128xi32, #tpu.memory_space<vmem>> -> memref<128xi32, #tpu.memory_space<vmem>>
      %dma_start3A_929 = tpu.memref_slice %arg7[%add3A_4] : memref<16384xi32, #tpu.memory_space<hbm>> -> memref<128xi32, #tpu.memory_space<hbm>>
      %dma_start3A_930 = arith.constant 0 : i32
      %dma_start3A_931 = tpu.memref_slice %arg11[%run_scoped3A_6, %dma_start3A_930] : memref<4x128xi32, #tpu.memory_space<vmem>> -> memref<1x128xi32, #tpu.memory_space<vmem>>
      %dma_start3A_932 = tpu.memref_squeeze %dma_start3A_931 : memref<1x128xi32, #tpu.memory_space<vmem>> -> memref<128xi32, #tpu.memory_space<vmem>>
      %dma_start3A_933 = tpu.memref_slice %arg7[%add3A_4] : memref<16384xi32, #tpu.memory_space<hbm>> -> memref<128xi32, #tpu.memory_space<hbm>>
      tpu.enqueue_dma source(%dma_start3A_933 : memref<128xi32, #tpu.memory_space<hbm>>) target(%dma_start3A_932 : memref<128xi32, #tpu.memory_space<vmem>>) target_semaphore(%run_scoped3A_925 : memref<!tpu.dma_semaphore, #tpu.memory_space<semaphore_mem>>)
      %dma_wait3A_934 = arith.constant 0 : i32
      %dma_wait3A_935 = tpu.memref_slice %arg11[%run_scoped3A_6, %dma_wait3A_934] : memref<4x128xi32, #tpu.memory_space<vmem>> -> memref<1x128xi32, #tpu.memory_space<vmem>>
      %dma_wait3A_936 = tpu.memref_squeeze %dma_wait3A_935 : memref<1x128xi32, #tpu.memory_space<vmem>> -> memref<128xi32, #tpu.memory_space<vmem>>
      %dma_wait3A_937 = tpu.memref_slice %arg7[%add3A_4] : memref<16384xi32, #tpu.memory_space<hbm>> -> memref<128xi32, #tpu.memory_space<hbm>>
      %dma_wait3A_938 = arith.constant 0 : i32
      %dma_wait3A_939 = tpu.memref_slice %arg11[%run_scoped3A_6, %dma_wait3A_938] : memref<4x128xi32, #tpu.memory_space<vmem>> -> memref<1x128xi32, #tpu.memory_space<vmem>>
      %dma_wait3A_940 = tpu.memref_squeeze %dma_wait3A_939 : memref<1x128xi32, #tpu.memory_space<vmem>> -> memref<128xi32, #tpu.memory_space<vmem>>
      %dma_wait3A_941 = tpu.memref_slice %arg7[%add3A_4] : memref<16384xi32, #tpu.memory_space<hbm>> -> memref<128xi32, #tpu.memory_space<hbm>>
      tpu.wait_dma2 semaphore(%run_scoped3A_925 : memref<!tpu.dma_semaphore, #tpu.memory_space<semaphore_mem>>) src(%dma_wait3A_941 : memref<128xi32, #tpu.memory_space<hbm>>) dst(%dma_wait3A_940 : memref<128xi32, #tpu.memory_space<vmem>>)
      tpu.yield
    }) : () -> ()
    %add3A_7 = arith.constant 128 : i32
    %add3A_8 = arith.addi %mul3A_2, %add3A_7 : i32
    %run_scoped3A_9 = arith.constant 1 : i32
    "tpu.region"() ({
      %run_scoped3A_925 = tpu.sem_alloc : memref<!tpu.dma_semaphore, #tpu.memory_space<semaphore_mem>>
      %dma_start3A_926 = arith.constant 0 : i32
      %dma_start3A_927 = tpu.memref_slice %arg9[%run_scoped3A_9, %dma_start3A_926] : memref<4x128xi32, #tpu.memory_space<vmem>> -> memref<1x128xi32, #tpu.memory_space<vmem>>
      %dma_start3A_928 = tpu.memref_squeeze %dma_start3A_927 : memref<1x128xi32, #tpu.memory_space<vmem>> -> memref<128xi32, #tpu.memory_space<vmem>>
      %dma_start3A_929 = tpu.memref_slice %arg5[%add3A_8] : memref<16384xi32, #tpu.memory_space<hbm>> -> memref<128xi32, #tpu.memory_space<hbm>>
      %dma_start3A_930 = arith.constant 0 : i32
      %dma_start3A_931 = tpu.memref_slice %arg9[%run_scoped3A_9, %dma_start3A_930] : memref<4x128xi32, #tpu.memory_space<vmem>> -> memref<1x128xi32, #tpu.memory_space<vmem>>
      %dma_start3A_932 = tpu.memref_squeeze %dma_start3A_931 : memref<1x128xi32, #tpu.memory_space<vmem>> -> memref<128xi32, #tpu.memory_space<vmem>>
      %dma_start3A_933 = tpu.memref_slice %arg5[%add3A_8] : memref<16384xi32, #tpu.memory_space<hbm>> -> memref<128xi32, #tpu.memory_space<hbm>>
      tpu.enqueue_dma source(%dma_start3A_933 : memref<128xi32, #tpu.memory_space<hbm>>) target(%dma_start3A_932 : memref<128xi32, #tpu.memory_space<vmem>>) target_semaphore(%run_scoped3A_925 : memref<!tpu.dma_semaphore, #tpu.memory_space<semaphore_mem>>)
      %dma_wait3A_934 = arith.constant 0 : i32
      %dma_wait3A_935 = tpu.memref_slice %arg9[%run_scoped3A_9, %dma_wait3A_934] : memref<4x128xi32, #tpu.memory_space<vmem>> -> memref<1x128xi32, #tpu.memory_space<vmem>>
      %dma_wait3A_936 = tpu.memref_squeeze %dma_wait3A_935 : memref<1x128xi32, #tpu.memory_space<vmem>> -> memref<128xi32, #tpu.memory_space<vmem>>
      %dma_wait3A_937 = tpu.memref_slice %arg5[%add3A_8] : memref<16384xi32, #tpu.memory_space<hbm>> -> memref<128xi32, #tpu.memory_space<hbm>>
      %dma_wait3A_938 = arith.constant 0 : i32
      %dma_wait3A_939 = tpu.memref_slice %arg9[%run_scoped3A_9, %dma_wait3A_938] : memref<4x128xi32, #tpu.memory_space<vmem>> -> memref<1x128xi32, #tpu.memory_space<vmem>>
      %dma_wait3A_940 = tpu.memref_squeeze %dma_wait3A_939 : memref<1x128xi32, #tpu.memory_space<vmem>> -> memref<128xi32, #tpu.memory_space<vmem>>
      %dma_wait3A_941 = tpu.memref_slice %arg5[%add3A_8] : memref<16384xi32, #tpu.memory_space<hbm>> -> memref<128xi32, #tpu.memory_space<hbm>>
      tpu.wait_dma2 semaphore(%run_scoped3A_925 : memref<!tpu.dma_semaphore, #tpu.memory_space<semaphore_mem>>) src(%dma_wait3A_941 : memref<128xi32, #tpu.memory_space<hbm>>) dst(%dma_wait3A_940 : memref<128xi32, #tpu.memory_space<vmem>>)
      tpu.yield
    }) : () -> ()
    %run_scoped3A_10 = arith.constant 1 : i32
    "tpu.region"() ({
      %run_scoped3A_925 = tpu.sem_alloc : memref<!tpu.dma_semaphore, #tpu.memory_space<semaphore_mem>>
      %dma_start3A_926 = arith.constant 0 : i32
      %dma_start3A_927 = tpu.memref_slice %arg10[%run_scoped3A_10, %dma_start3A_926] : memref<4x128xi32, #tpu.memory_space<vmem>> -> memref<1x128xi32, #tpu.memory_space<vmem>>
      %dma_start3A_928 = tpu.memref_squeeze %dma_start3A_927 : memref<1x128xi32, #tpu.memory_space<vmem>> -> memref<128xi32, #tpu.memory_space<vmem>>
      %dma_start3A_929 = tpu.memref_slice %arg6[%add3A_8] : memref<16384xi32, #tpu.memory_space<hbm>> -> memref<128xi32, #tpu.memory_space<hbm>>
      %dma_start3A_930 = arith.constant 0 : i32
      %dma_start3A_931 = tpu.memref_slice %arg10[%run_scoped3A_10, %dma_start3A_930] : memref<4x128xi32, #tpu.memory_space<vmem>> -> memref<1x128xi32, #tpu.memory_space<vmem>>
      %dma_start3A_932 = tpu.memref_squeeze %dma_start3A_931 : memref<1x128xi32, #tpu.memory_space<vmem>> -> memref<128xi32, #tpu.memory_space<vmem>>
      %dma_start3A_933 = tpu.memref_slice %arg6[%add3A_8] : memref<16384xi32, #tpu.memory_space<hbm>> -> memref<128xi32, #tpu.memory_space<hbm>>
      tpu.enqueue_dma source(%dma_start3A_933 : memref<128xi32, #tpu.memory_space<hbm>>) target(%dma_start3A_932 : memref<128xi32, #tpu.memory_space<vmem>>) target_semaphore(%run_scoped3A_925 : memref<!tpu.dma_semaphore, #tpu.memory_space<semaphore_mem>>)
      %dma_wait3A_934 = arith.constant 0 : i32
      %dma_wait3A_935 = tpu.memref_slice %arg10[%run_scoped3A_10, %dma_wait3A_934] : memref<4x128xi32, #tpu.memory_space<vmem>> -> memref<1x128xi32, #tpu.memory_space<vmem>>
      %dma_wait3A_936 = tpu.memref_squeeze %dma_wait3A_935 : memref<1x128xi32, #tpu.memory_space<vmem>> -> memref<128xi32, #tpu.memory_space<vmem>>
      %dma_wait3A_937 = tpu.memref_slice %arg6[%add3A_8] : memref<16384xi32, #tpu.memory_space<hbm>> -> memref<128xi32, #tpu.memory_space<hbm>>
      %dma_wait3A_938 = arith.constant 0 : i32
      %dma_wait3A_939 = tpu.memref_slice %arg10[%run_scoped3A_10, %dma_wait3A_938] : memref<4x128xi32, #tpu.memory_space<vmem>> -> memref<1x128xi32, #tpu.memory_space<vmem>>
      %dma_wait3A_940 = tpu.memref_squeeze %dma_wait3A_939 : memref<1x128xi32, #tpu.memory_space<vmem>> -> memref<128xi32, #tpu.memory_space<vmem>>
      %dma_wait3A_941 = tpu.memref_slice %arg6[%add3A_8] : memref<16384xi32, #tpu.memory_space<hbm>> -> memref<128xi32, #tpu.memory_space<hbm>>
      tpu.wait_dma2 semaphore(%run_scoped3A_925 : memref<!tpu.dma_semaphore, #tpu.memory_space<semaphore_mem>>) src(%dma_wait3A_941 : memref<128xi32, #tpu.memory_space<hbm>>) dst(%dma_wait3A_940 : memref<128xi32, #tpu.memory_space<vmem>>)
      tpu.yield
    }) : () -> ()
    %run_scoped3A_11 = arith.constant 1 : i32
    "tpu.region"() ({
      %run_scoped3A_925 = tpu.sem_alloc : memref<!tpu.dma_semaphore, #tpu.memory_space<semaphore_mem>>
      %dma_start3A_926 = arith.constant 0 : i32
      %dma_start3A_927 = tpu.memref_slice %arg11[%run_scoped3A_11, %dma_start3A_926] : memref<4x128xi32, #tpu.memory_space<vmem>> -> memref<1x128xi32, #tpu.memory_space<vmem>>
      %dma_start3A_928 = tpu.memref_squeeze %dma_start3A_927 : memref<1x128xi32, #tpu.memory_space<vmem>> -> memref<128xi32, #tpu.memory_space<vmem>>
      %dma_start3A_929 = tpu.memref_slice %arg7[%add3A_8] : memref<16384xi32, #tpu.memory_space<hbm>> -> memref<128xi32, #tpu.memory_space<hbm>>
      %dma_start3A_930 = arith.constant 0 : i32
      %dma_start3A_931 = tpu.memref_slice %arg11[%run_scoped3A_11, %dma_start3A_930] : memref<4x128xi32, #tpu.memory_space<vmem>> -> memref<1x128xi32, #tpu.memory_space<vmem>>
      %dma_start3A_932 = tpu.memref_squeeze %dma_start3A_931 : memref<1x128xi32, #tpu.memory_space<vmem>> -> memref<128xi32, #tpu.memory_space<vmem>>
      %dma_start3A_933 = tpu.memref_slice %arg7[%add3A_8] : memref<16384xi32, #tpu.memory_space<hbm>> -> memref<128xi32, #tpu.memory_space<hbm>>
      tpu.enqueue_dma source(%dma_start3A_933 : memref<128xi32, #tpu.memory_space<hbm>>) target(%dma_start3A_932 : memref<128xi32, #tpu.memory_space<vmem>>) target_semaphore(%run_scoped3A_925 : memref<!tpu.dma_semaphore, #tpu.memory_space<semaphore_mem>>)
      %dma_wait3A_934 = arith.constant 0 : i32
      %dma_wait3A_935 = tpu.memref_slice %arg11[%run_scoped3A_11, %dma_wait3A_934] : memref<4x128xi32, #tpu.memory_space<vmem>> -> memref<1x128xi32, #tpu.memory_space<vmem>>
      %dma_wait3A_936 = tpu.memref_squeeze %dma_wait3A_935 : memref<1x128xi32, #tpu.memory_space<vmem>> -> memref<128xi32, #tpu.memory_space<vmem>>
      %dma_wait3A_937 = tpu.memref_slice %arg7[%add3A_8] : memref<16384xi32, #tpu.memory_space<hbm>> -> memref<128xi32, #tpu.memory_space<hbm>>
      %dma_wait3A_938 = arith.constant 0 : i32
      %dma_wait3A_939 = tpu.memref_slice %arg11[%run_scoped3A_11, %dma_wait3A_938] : memref<4x128xi32, #tpu.memory_space<vmem>> -> memref<1x128xi32, #tpu.memory_space<vmem>>
      %dma_wait3A_940 = tpu.memref_squeeze %dma_wait3A_939 : memref<1x128xi32, #tpu.memory_space<vmem>> -> memref<128xi32, #tpu.memory_space<vmem>>
      %dma_wait3A_941 = tpu.memref_slice %arg7[%add3A_8] : memref<16384xi32, #tpu.memory_space<hbm>> -> memref<128xi32, #tpu.memory_space<hbm>>
      tpu.wait_dma2 semaphore(%run_scoped3A_925 : memref<!tpu.dma_semaphore, #tpu.memory_space<semaphore_mem>>) src(%dma_wait3A_941 : memref<128xi32, #tpu.memory_space<hbm>>) dst(%dma_wait3A_940 : memref<128xi32, #tpu.memory_space<vmem>>)
      tpu.yield
    }) : () -> ()
    %add3A_12 = arith.constant 256 : i32
    %add3A_13 = arith.addi %mul3A_2, %add3A_12 : i32
    %run_scoped3A_14 = arith.constant 2 : i32
    "tpu.region"() ({
      %run_scoped3A_925 = tpu.sem_alloc : memref<!tpu.dma_semaphore, #tpu.memory_space<semaphore_mem>>
      %dma_start3A_926 = arith.constant 0 : i32
      %dma_start3A_927 = tpu.memref_slice %arg9[%run_scoped3A_14, %dma_start3A_926] : memref<4x128xi32, #tpu.memory_space<vmem>> -> memref<1x128xi32, #tpu.memory_space<vmem>>
      %dma_start3A_928 = tpu.memref_squeeze %dma_start3A_927 : memref<1x128xi32, #tpu.memory_space<vmem>> -> memref<128xi32, #tpu.memory_space<vmem>>
      %dma_start3A_929 = tpu.memref_slice %arg5[%add3A_13] : memref<16384xi32, #tpu.memory_space<hbm>> -> memref<128xi32, #tpu.memory_space<hbm>>
      %dma_start3A_930 = arith.constant 0 : i32
      %dma_start3A_931 = tpu.memref_slice %arg9[%run_scoped3A_14, %dma_start3A_930] : memref<4x128xi32, #tpu.memory_space<vmem>> -> memref<1x128xi32, #tpu.memory_space<vmem>>
      %dma_start3A_932 = tpu.memref_squeeze %dma_start3A_931 : memref<1x128xi32, #tpu.memory_space<vmem>> -> memref<128xi32, #tpu.memory_space<vmem>>
      %dma_start3A_933 = tpu.memref_slice %arg5[%add3A_13] : memref<16384xi32, #tpu.memory_space<hbm>> -> memref<128xi32, #tpu.memory_space<hbm>>
      tpu.enqueue_dma source(%dma_start3A_933 : memref<128xi32, #tpu.memory_space<hbm>>) target(%dma_start3A_932 : memref<128xi32, #tpu.memory_space<vmem>>) target_semaphore(%run_scoped3A_925 : memref<!tpu.dma_semaphore, #tpu.memory_space<semaphore_mem>>)
      %dma_wait3A_934 = arith.constant 0 : i32
      %dma_wait3A_935 = tpu.memref_slice %arg9[%run_scoped3A_14, %dma_wait3A_934] : memref<4x128xi32, #tpu.memory_space<vmem>> -> memref<1x128xi32, #tpu.memory_space<vmem>>
      %dma_wait3A_936 = tpu.memref_squeeze %dma_wait3A_935 : memref<1x128xi32, #tpu.memory_space<vmem>> -> memref<128xi32, #tpu.memory_space<vmem>>
      %dma_wait3A_937 = tpu.memref_slice %arg5[%add3A_13] : memref<16384xi32, #tpu.memory_space<hbm>> -> memref<128xi32, #tpu.memory_space<hbm>>
      %dma_wait3A_938 = arith.constant 0 : i32
      %dma_wait3A_939 = tpu.memref_slice %arg9[%run_scoped3A_14, %dma_wait3A_938] : memref<4x128xi32, #tpu.memory_space<vmem>> -> memref<1x128xi32, #tpu.memory_space<vmem>>
      %dma_wait3A_940 = tpu.memref_squeeze %dma_wait3A_939 : memref<1x128xi32, #tpu.memory_space<vmem>> -> memref<128xi32, #tpu.memory_space<vmem>>
      %dma_wait3A_941 = tpu.memref_slice %arg5[%add3A_13] : memref<16384xi32, #tpu.memory_space<hbm>> -> memref<128xi32, #tpu.memory_space<hbm>>
      tpu.wait_dma2 semaphore(%run_scoped3A_925 : memref<!tpu.dma_semaphore, #tpu.memory_space<semaphore_mem>>) src(%dma_wait3A_941 : memref<128xi32, #tpu.memory_space<hbm>>) dst(%dma_wait3A_940 : memref<128xi32, #tpu.memory_space<vmem>>)
      tpu.yield
    }) : () -> ()
    %run_scoped3A_15 = arith.constant 2 : i32
    "tpu.region"() ({
      %run_scoped3A_925 = tpu.sem_alloc : memref<!tpu.dma_semaphore, #tpu.memory_space<semaphore_mem>>
      %dma_start3A_926 = arith.constant 0 : i32
      %dma_start3A_927 = tpu.memref_slice %arg10[%run_scoped3A_15, %dma_start3A_926] : memref<4x128xi32, #tpu.memory_space<vmem>> -> memref<1x128xi32, #tpu.memory_space<vmem>>
      %dma_start3A_928 = tpu.memref_squeeze %dma_start3A_927 : memref<1x128xi32, #tpu.memory_space<vmem>> -> memref<128xi32, #tpu.memory_space<vmem>>
      %dma_start3A_929 = tpu.memref_slice %arg6[%add3A_13] : memref<16384xi32, #tpu.memory_space<hbm>> -> memref<128xi32, #tpu.memory_space<hbm>>
      %dma_start3A_930 = arith.constant 0 : i32
      %dma_start3A_931 = tpu.memref_slice %arg10[%run_scoped3A_15, %dma_start3A_930] : memref<4x128xi32, #tpu.memory_space<vmem>> -> memref<1x128xi32, #tpu.memory_space<vmem>>
      %dma_start3A_932 = tpu.memref_squeeze %dma_start3A_931 : memref<1x128xi32, #tpu.memory_space<vmem>> -> memref<128xi32, #tpu.memory_space<vmem>>
      %dma_start3A_933 = tpu.memref_slice %arg6[%add3A_13] : memref<16384xi32, #tpu.memory_space<hbm>> -> memref<128xi32, #tpu.memory_space<hbm>>
      tpu.enqueue_dma source(%dma_start3A_933 : memref<128xi32, #tpu.memory_space<hbm>>) target(%dma_start3A_932 : memref<128xi32, #tpu.memory_space<vmem>>) target_semaphore(%run_scoped3A_925 : memref<!tpu.dma_semaphore, #tpu.memory_space<semaphore_mem>>)
      %dma_wait3A_934 = arith.constant 0 : i32
      %dma_wait3A_935 = tpu.memref_slice %arg10[%run_scoped3A_15, %dma_wait3A_934] : memref<4x128xi32, #tpu.memory_space<vmem>> -> memref<1x128xi32, #tpu.memory_space<vmem>>
      %dma_wait3A_936 = tpu.memref_squeeze %dma_wait3A_935 : memref<1x128xi32, #tpu.memory_space<vmem>> -> memref<128xi32, #tpu.memory_space<vmem>>
      %dma_wait3A_937 = tpu.memref_slice %arg6[%add3A_13] : memref<16384xi32, #tpu.memory_space<hbm>> -> memref<128xi32, #tpu.memory_space<hbm>>
      %dma_wait3A_938 = arith.constant 0 : i32
      %dma_wait3A_939 = tpu.memref_slice %arg10[%run_scoped3A_15, %dma_wait3A_938] : memref<4x128xi32, #tpu.memory_space<vmem>> -> memref<1x128xi32, #tpu.memory_space<vmem>>
      %dma_wait3A_940 = tpu.memref_squeeze %dma_wait3A_939 : memref<1x128xi32, #tpu.memory_space<vmem>> -> memref<128xi32, #tpu.memory_space<vmem>>
      %dma_wait3A_941 = tpu.memref_slice %arg6[%add3A_13] : memref<16384xi32, #tpu.memory_space<hbm>> -> memref<128xi32, #tpu.memory_space<hbm>>
      tpu.wait_dma2 semaphore(%run_scoped3A_925 : memref<!tpu.dma_semaphore, #tpu.memory_space<semaphore_mem>>) src(%dma_wait3A_941 : memref<128xi32, #tpu.memory_space<hbm>>) dst(%dma_wait3A_940 : memref<128xi32, #tpu.memory_space<vmem>>)
      tpu.yield
    }) : () -> ()
    %run_scoped3A_16 = arith.constant 2 : i32
    "tpu.region"() ({
      %run_scoped3A_925 = tpu.sem_alloc : memref<!tpu.dma_semaphore, #tpu.memory_space<semaphore_mem>>
      %dma_start3A_926 = arith.constant 0 : i32
      %dma_start3A_927 = tpu.memref_slice %arg11[%run_scoped3A_16, %dma_start3A_926] : memref<4x128xi32, #tpu.memory_space<vmem>> -> memref<1x128xi32, #tpu.memory_space<vmem>>
      %dma_start3A_928 = tpu.memref_squeeze %dma_start3A_927 : memref<1x128xi32, #tpu.memory_space<vmem>> -> memref<128xi32, #tpu.memory_space<vmem>>
      %dma_start3A_929 = tpu.memref_slice %arg7[%add3A_13] : memref<16384xi32, #tpu.memory_space<hbm>> -> memref<128xi32, #tpu.memory_space<hbm>>
      %dma_start3A_930 = arith.constant 0 : i32
      %dma_start3A_931 = tpu.memref_slice %arg11[%run_scoped3A_16, %dma_start3A_930] : memref<4x128xi32, #tpu.memory_space<vmem>> -> memref<1x128xi32, #tpu.memory_space<vmem>>
      %dma_start3A_932 = tpu.memref_squeeze %dma_start3A_931 : memref<1x128xi32, #tpu.memory_space<vmem>> -> memref<128xi32, #tpu.memory_space<vmem>>
      %dma_start3A_933 = tpu.memref_slice %arg7[%add3A_13] : memref<16384xi32, #tpu.memory_space<hbm>> -> memref<128xi32, #tpu.memory_space<hbm>>
      tpu.enqueue_dma source(%dma_start3A_933 : memref<128xi32, #tpu.memory_space<hbm>>) target(%dma_start3A_932 : memref<128xi32, #tpu.memory_space<vmem>>) target_semaphore(%run_scoped3A_925 : memref<!tpu.dma_semaphore, #tpu.memory_space<semaphore_mem>>)
      %dma_wait3A_934 = arith.constant 0 : i32
      %dma_wait3A_935 = tpu.memref_slice %arg11[%run_scoped3A_16, %dma_wait3A_934] : memref<4x128xi32, #tpu.memory_space<vmem>> -> memref<1x128xi32, #tpu.memory_space<vmem>>
      %dma_wait3A_936 = tpu.memref_squeeze %dma_wait3A_935 : memref<1x128xi32, #tpu.memory_space<vmem>> -> memref<128xi32, #tpu.memory_space<vmem>>
      %dma_wait3A_937 = tpu.memref_slice %arg7[%add3A_13] : memref<16384xi32, #tpu.memory_space<hbm>> -> memref<128xi32, #tpu.memory_space<hbm>>
      %dma_wait3A_938 = arith.constant 0 : i32
      %dma_wait3A_939 = tpu.memref_slice %arg11[%run_scoped3A_16, %dma_wait3A_938] : memref<4x128xi32, #tpu.memory_space<vmem>> -> memref<1x128xi32, #tpu.memory_space<vmem>>
      %dma_wait3A_940 = tpu.memref_squeeze %dma_wait3A_939 : memref<1x128xi32, #tpu.memory_space<vmem>> -> memref<128xi32, #tpu.memory_space<vmem>>
      %dma_wait3A_941 = tpu.memref_slice %arg7[%add3A_13] : memref<16384xi32, #tpu.memory_space<hbm>> -> memref<128xi32, #tpu.memory_space<hbm>>
      tpu.wait_dma2 semaphore(%run_scoped3A_925 : memref<!tpu.dma_semaphore, #tpu.memory_space<semaphore_mem>>) src(%dma_wait3A_941 : memref<128xi32, #tpu.memory_space<hbm>>) dst(%dma_wait3A_940 : memref<128xi32, #tpu.memory_space<vmem>>)
      tpu.yield
    }) : () -> ()
    %add3A_17 = arith.constant 384 : i32
    %add3A_18 = arith.addi %mul3A_2, %add3A_17 : i32
    %run_scoped3A_19 = arith.constant 3 : i32
    "tpu.region"() ({
      %run_scoped3A_925 = tpu.sem_alloc : memref<!tpu.dma_semaphore, #tpu.memory_space<semaphore_mem>>
      %dma_start3A_926 = arith.constant 0 : i32
      %dma_start3A_927 = tpu.memref_slice %arg9[%run_scoped3A_19, %dma_start3A_926] : memref<4x128xi32, #tpu.memory_space<vmem>> -> memref<1x128xi32, #tpu.memory_space<vmem>>
      %dma_start3A_928 = tpu.memref_squeeze %dma_start3A_927 : memref<1x128xi32, #tpu.memory_space<vmem>> -> memref<128xi32, #tpu.memory_space<vmem>>
      %dma_start3A_929 = tpu.memref_slice %arg5[%add3A_18] : memref<16384xi32, #tpu.memory_space<hbm>> -> memref<128xi32, #tpu.memory_space<hbm>>
      %dma_start3A_930 = arith.constant 0 : i32
      %dma_start3A_931 = tpu.memref_slice %arg9[%run_scoped3A_19, %dma_start3A_930] : memref<4x128xi32, #tpu.memory_space<vmem>> -> memref<1x128xi32, #tpu.memory_space<vmem>>
      %dma_start3A_932 = tpu.memref_squeeze %dma_start3A_931 : memref<1x128xi32, #tpu.memory_space<vmem>> -> memref<128xi32, #tpu.memory_space<vmem>>
      %dma_start3A_933 = tpu.memref_slice %arg5[%add3A_18] : memref<16384xi32, #tpu.memory_space<hbm>> -> memref<128xi32, #tpu.memory_space<hbm>>
      tpu.enqueue_dma source(%dma_start3A_933 : memref<128xi32, #tpu.memory_space<hbm>>) target(%dma_start3A_932 : memref<128xi32, #tpu.memory_space<vmem>>) target_semaphore(%run_scoped3A_925 : memref<!tpu.dma_semaphore, #tpu.memory_space<semaphore_mem>>)
      %dma_wait3A_934 = arith.constant 0 : i32
      %dma_wait3A_935 = tpu.memref_slice %arg9[%run_scoped3A_19, %dma_wait3A_934] : memref<4x128xi32, #tpu.memory_space<vmem>> -> memref<1x128xi32, #tpu.memory_space<vmem>>
      %dma_wait3A_936 = tpu.memref_squeeze %dma_wait3A_935 : memref<1x128xi32, #tpu.memory_space<vmem>> -> memref<128xi32, #tpu.memory_space<vmem>>
      %dma_wait3A_937 = tpu.memref_slice %arg5[%add3A_18] : memref<16384xi32, #tpu.memory_space<hbm>> -> memref<128xi32, #tpu.memory_space<hbm>>
      %dma_wait3A_938 = arith.constant 0 : i32
      %dma_wait3A_939 = tpu.memref_slice %arg9[%run_scoped3A_19, %dma_wait3A_938] : memref<4x128xi32, #tpu.memory_space<vmem>> -> memref<1x128xi32, #tpu.memory_space<vmem>>
      %dma_wait3A_940 = tpu.memref_squeeze %dma_wait3A_939 : memref<1x128xi32, #tpu.memory_space<vmem>> -> memref<128xi32, #tpu.memory_space<vmem>>
      %dma_wait3A_941 = tpu.memref_slice %arg5[%add3A_18] : memref<16384xi32, #tpu.memory_space<hbm>> -> memref<128xi32, #tpu.memory_space<hbm>>
      tpu.wait_dma2 semaphore(%run_scoped3A_925 : memref<!tpu.dma_semaphore, #tpu.memory_space<semaphore_mem>>) src(%dma_wait3A_941 : memref<128xi32, #tpu.memory_space<hbm>>) dst(%dma_wait3A_940 : memref<128xi32, #tpu.memory_space<vmem>>)
      tpu.yield
    }) : () -> ()
    %run_scoped3A_20 = arith.constant 3 : i32
    "tpu.region"() ({
      %run_scoped3A_925 = tpu.sem_alloc : memref<!tpu.dma_semaphore, #tpu.memory_space<semaphore_mem>>
      %dma_start3A_926 = arith.constant 0 : i32
      %dma_start3A_927 = tpu.memref_slice %arg10[%run_scoped3A_20, %dma_start3A_926] : memref<4x128xi32, #tpu.memory_space<vmem>> -> memref<1x128xi32, #tpu.memory_space<vmem>>
      %dma_start3A_928 = tpu.memref_squeeze %dma_start3A_927 : memref<1x128xi32, #tpu.memory_space<vmem>> -> memref<128xi32, #tpu.memory_space<vmem>>
      %dma_start3A_929 = tpu.memref_slice %arg6[%add3A_18] : memref<16384xi32, #tpu.memory_space<hbm>> -> memref<128xi32, #tpu.memory_space<hbm>>
      %dma_start3A_930 = arith.constant 0 : i32
      %dma_start3A_931 = tpu.memref_slice %arg10[%run_scoped3A_20, %dma_start3A_930] : memref<4x128xi32, #tpu.memory_space<vmem>> -> memref<1x128xi32, #tpu.memory_space<vmem>>
      %dma_start3A_932 = tpu.memref_squeeze %dma_start3A_931 : memref<1x128xi32, #tpu.memory_space<vmem>> -> memref<128xi32, #tpu.memory_space<vmem>>
      %dma_start3A_933 = tpu.memref_slice %arg6[%add3A_18] : memref<16384xi32, #tpu.memory_space<hbm>> -> memref<128xi32, #tpu.memory_space<hbm>>
      tpu.enqueue_dma source(%dma_start3A_933 : memref<128xi32, #tpu.memory_space<hbm>>) target(%dma_start3A_932 : memref<128xi32, #tpu.memory_space<vmem>>) target_semaphore(%run_scoped3A_925 : memref<!tpu.dma_semaphore, #tpu.memory_space<semaphore_mem>>)
      %dma_wait3A_934 = arith.constant 0 : i32
      %dma_wait3A_935 = tpu.memref_slice %arg10[%run_scoped3A_20, %dma_wait3A_934] : memref<4x128xi32, #tpu.memory_space<vmem>> -> memref<1x128xi32, #tpu.memory_space<vmem>>
      %dma_wait3A_936 = tpu.memref_squeeze %dma_wait3A_935 : memref<1x128xi32, #tpu.memory_space<vmem>> -> memref<128xi32, #tpu.memory_space<vmem>>
      %dma_wait3A_937 = tpu.memref_slice %arg6[%add3A_18] : memref<16384xi32, #tpu.memory_space<hbm>> -> memref<128xi32, #tpu.memory_space<hbm>>
      %dma_wait3A_938 = arith.constant 0 : i32
      %dma_wait3A_939 = tpu.memref_slice %arg10[%run_scoped3A_20, %dma_wait3A_938] : memref<4x128xi32, #tpu.memory_space<vmem>> -> memref<1x128xi32, #tpu.memory_space<vmem>>
      %dma_wait3A_940 = tpu.memref_squeeze %dma_wait3A_939 : memref<1x128xi32, #tpu.memory_space<vmem>> -> memref<128xi32, #tpu.memory_space<vmem>>
      %dma_wait3A_941 = tpu.memref_slice %arg6[%add3A_18] : memref<16384xi32, #tpu.memory_space<hbm>> -> memref<128xi32, #tpu.memory_space<hbm>>
      tpu.wait_dma2 semaphore(%run_scoped3A_925 : memref<!tpu.dma_semaphore, #tpu.memory_space<semaphore_mem>>) src(%dma_wait3A_941 : memref<128xi32, #tpu.memory_space<hbm>>) dst(%dma_wait3A_940 : memref<128xi32, #tpu.memory_space<vmem>>)
      tpu.yield
    }) : () -> ()
    %run_scoped3A_21 = arith.constant 3 : i32
    "tpu.region"() ({
      %run_scoped3A_925 = tpu.sem_alloc : memref<!tpu.dma_semaphore, #tpu.memory_space<semaphore_mem>>
      %dma_start3A_926 = arith.constant 0 : i32
      %dma_start3A_927 = tpu.memref_slice %arg11[%run_scoped3A_21, %dma_start3A_926] : memref<4x128xi32, #tpu.memory_space<vmem>> -> memref<1x128xi32, #tpu.memory_space<vmem>>
      %dma_start3A_928 = tpu.memref_squeeze %dma_start3A_927 : memref<1x128xi32, #tpu.memory_space<vmem>> -> memref<128xi32, #tpu.memory_space<vmem>>
      %dma_start3A_929 = tpu.memref_slice %arg7[%add3A_18] : memref<16384xi32, #tpu.memory_space<hbm>> -> memref<128xi32, #tpu.memory_space<hbm>>
      %dma_start3A_930 = arith.constant 0 : i32
      %dma_start3A_931 = tpu.memref_slice %arg11[%run_scoped3A_21, %dma_start3A_930] : memref<4x128xi32, #tpu.memory_space<vmem>> -> memref<1x128xi32, #tpu.memory_space<vmem>>
      %dma_start3A_932 = tpu.memref_squeeze %dma_start3A_931 : memref<1x128xi32, #tpu.memory_space<vmem>> -> memref<128xi32, #tpu.memory_space<vmem>>
      %dma_start3A_933 = tpu.memref_slice %arg7[%add3A_18] : memref<16384xi32, #tpu.memory_space<hbm>> -> memref<128xi32, #tpu.memory_space<hbm>>
      tpu.enqueue_dma source(%dma_start3A_933 : memref<128xi32, #tpu.memory_space<hbm>>) target(%dma_start3A_932 : memref<128xi32, #tpu.memory_space<vmem>>) target_semaphore(%run_scoped3A_925 : memref<!tpu.dma_semaphore, #tpu.memory_space<semaphore_mem>>)
      %dma_wait3A_934 = arith.constant 0 : i32
      %dma_wait3A_935 = tpu.memref_slice %arg11[%run_scoped3A_21, %dma_wait3A_934] : memref<4x128xi32, #tpu.memory_space<vmem>> -> memref<1x128xi32, #tpu.memory_space<vmem>>
      %dma_wait3A_936 = tpu.memref_squeeze %dma_wait3A_935 : memref<1x128xi32, #tpu.memory_space<vmem>> -> memref<128xi32, #tpu.memory_space<vmem>>
      %dma_wait3A_937 = tpu.memref_slice %arg7[%add3A_18] : memref<16384xi32, #tpu.memory_space<hbm>> -> memref<128xi32, #tpu.memory_space<hbm>>
      %dma_wait3A_938 = arith.constant 0 : i32
      %dma_wait3A_939 = tpu.memref_slice %arg11[%run_scoped3A_21, %dma_wait3A_938] : memref<4x128xi32, #tpu.memory_space<vmem>> -> memref<1x128xi32, #tpu.memory_space<vmem>>
      %dma_wait3A_940 = tpu.memref_squeeze %dma_wait3A_939 : memref<1x128xi32, #tpu.memory_space<vmem>> -> memref<128xi32, #tpu.memory_space<vmem>>
      %dma_wait3A_941 = tpu.memref_slice %arg7[%add3A_18] : memref<16384xi32, #tpu.memory_space<hbm>> -> memref<128xi32, #tpu.memory_space<hbm>>
      tpu.wait_dma2 semaphore(%run_scoped3A_925 : memref<!tpu.dma_semaphore, #tpu.memory_space<semaphore_mem>>) src(%dma_wait3A_941 : memref<128xi32, #tpu.memory_space<hbm>>) dst(%dma_wait3A_940 : memref<128xi32, #tpu.memory_space<vmem>>)
      tpu.yield
    }) : () -> ()
    %dma_start3A = arith.constant 0 : i32
    %dma_start3A_22 = arith.constant 0 : i32
    %dma_start3A_23 = arith.constant 0 : i32
    %dma_start3A_24 = tpu.memref_slice %arg12[%dma_start3A_22, %dma_start3A_23] : memref<512x8xf32, #tpu.memory_space<vmem>> -> memref<128x8xf32, #tpu.memory_space<vmem>>
    %dma_start3A_25 = arith.constant 0 : i32
    %dma_start3A_26 = tpu.memref_slice %arg9[%dma_start3A, %dma_start3A_25] : memref<4x128xi32, #tpu.memory_space<vmem>> -> memref<1x128xi32, #tpu.memory_space<vmem>>
    %dma_start3A_27 = tpu.memref_squeeze %dma_start3A_26 : memref<1x128xi32, #tpu.memory_space<vmem>> -> memref<128xi32, #tpu.memory_space<vmem>>
    %dma_start3A_28 = arith.constant 0 : i32
    %dma_start3A_29 = arith.constant 0 : i32
    %dma_start3A_30 = tpu.memref_slice %arg2[%dma_start3A_28, %dma_start3A_29] : memref<100000x8xf32, #tpu.memory_space<hbm>> -> memref<100000x8xf32, #tpu.memory_space<hbm>>
    tpu.enqueue_indirect_dma source(%dma_start3A_30 : memref<100000x8xf32, #tpu.memory_space<hbm>>) target(%dma_start3A_24 : memref<128x8xf32, #tpu.memory_space<vmem>>) offsets(%dma_start3A_27 : memref<128xi32, #tpu.memory_space<vmem>>) semaphore(%arg16 : memref<!tpu.dma_semaphore, #tpu.memory_space<semaphore_mem>>)
    %dma_start3A_31 = arith.constant 0 : i32
    %dma_start3A_32 = arith.constant 0 : i32
    %dma_start3A_33 = arith.constant 0 : i32
    %dma_start3A_34 = tpu.memref_slice %arg13[%dma_start3A_32, %dma_start3A_33] : memref<512x56xf32, #tpu.memory_space<vmem>> -> memref<128x56xf32, #tpu.memory_space<vmem>>
    %dma_start3A_35 = arith.constant 0 : i32
    %dma_start3A_36 = tpu.memref_slice %arg10[%dma_start3A_31, %dma_start3A_35] : memref<4x128xi32, #tpu.memory_space<vmem>> -> memref<1x128xi32, #tpu.memory_space<vmem>>
    %dma_start3A_37 = tpu.memref_squeeze %dma_start3A_36 : memref<1x128xi32, #tpu.memory_space<vmem>> -> memref<128xi32, #tpu.memory_space<vmem>>
    %dma_start3A_38 = arith.constant 0 : i32
    %dma_start3A_39 = arith.constant 0 : i32
    %dma_start3A_40 = tpu.memref_slice %arg3[%dma_start3A_38, %dma_start3A_39] : memref<100000x56xf32, #tpu.memory_space<hbm>> -> memref<100000x56xf32, #tpu.memory_space<hbm>>
    tpu.enqueue_indirect_dma source(%dma_start3A_40 : memref<100000x56xf32, #tpu.memory_space<hbm>>) target(%dma_start3A_34 : memref<128x56xf32, #tpu.memory_space<vmem>>) offsets(%dma_start3A_37 : memref<128xi32, #tpu.memory_space<vmem>>) semaphore(%arg16 : memref<!tpu.dma_semaphore, #tpu.memory_space<semaphore_mem>>)
    %dma_start3A_41 = arith.constant 0 : i32
    %dma_start3A_42 = arith.constant 0 : i32
    %dma_start3A_43 = arith.constant 0 : i32
    %dma_start3A_44 = tpu.memref_slice %arg14[%dma_start3A_42, %dma_start3A_43] : memref<512x8xf32, #tpu.memory_space<vmem>> -> memref<128x8xf32, #tpu.memory_space<vmem>>
    %dma_start3A_45 = arith.constant 0 : i32
    %dma_start3A_46 = tpu.memref_slice %arg11[%dma_start3A_41, %dma_start3A_45] : memref<4x128xi32, #tpu.memory_space<vmem>> -> memref<1x128xi32, #tpu.memory_space<vmem>>
    %dma_start3A_47 = tpu.memref_squeeze %dma_start3A_46 : memref<1x128xi32, #tpu.memory_space<vmem>> -> memref<128xi32, #tpu.memory_space<vmem>>
    %dma_start3A_48 = arith.constant 0 : i32
    %dma_start3A_49 = arith.constant 0 : i32
    %dma_start3A_50 = tpu.memref_slice %arg4[%dma_start3A_48, %dma_start3A_49] : memref<300001x8xf32, #tpu.memory_space<hbm>> -> memref<300001x8xf32, #tpu.memory_space<hbm>>
    tpu.enqueue_indirect_dma source(%dma_start3A_50 : memref<300001x8xf32, #tpu.memory_space<hbm>>) target(%dma_start3A_44 : memref<128x8xf32, #tpu.memory_space<vmem>>) offsets(%dma_start3A_47 : memref<128xi32, #tpu.memory_space<vmem>>) semaphore(%arg16 : memref<!tpu.dma_semaphore, #tpu.memory_space<semaphore_mem>>)
    %dma_start3A_51 = arith.constant 1 : i32
    %dma_start3A_52 = arith.constant 128 : i32
    %dma_start3A_53 = arith.constant 0 : i32
    %dma_start3A_54 = tpu.memref_slice %arg12[%dma_start3A_52, %dma_start3A_53] : memref<512x8xf32, #tpu.memory_space<vmem>> -> memref<128x8xf32, #tpu.memory_space<vmem>>
    %dma_start3A_55 = arith.constant 0 : i32
    %dma_start3A_56 = tpu.memref_slice %arg9[%dma_start3A_51, %dma_start3A_55] : memref<4x128xi32, #tpu.memory_space<vmem>> -> memref<1x128xi32, #tpu.memory_space<vmem>>
    %dma_start3A_57 = tpu.memref_squeeze %dma_start3A_56 : memref<1x128xi32, #tpu.memory_space<vmem>> -> memref<128xi32, #tpu.memory_space<vmem>>
    %dma_start3A_58 = arith.constant 0 : i32
    %dma_start3A_59 = arith.constant 0 : i32
    %dma_start3A_60 = tpu.memref_slice %arg2[%dma_start3A_58, %dma_start3A_59] : memref<100000x8xf32, #tpu.memory_space<hbm>> -> memref<100000x8xf32, #tpu.memory_space<hbm>>
    tpu.enqueue_indirect_dma source(%dma_start3A_60 : memref<100000x8xf32, #tpu.memory_space<hbm>>) target(%dma_start3A_54 : memref<128x8xf32, #tpu.memory_space<vmem>>) offsets(%dma_start3A_57 : memref<128xi32, #tpu.memory_space<vmem>>) semaphore(%arg16 : memref<!tpu.dma_semaphore, #tpu.memory_space<semaphore_mem>>)
    %dma_start3A_61 = arith.constant 1 : i32
    %dma_start3A_62 = arith.constant 128 : i32
    %dma_start3A_63 = arith.constant 0 : i32
    %dma_start3A_64 = tpu.memref_slice %arg13[%dma_start3A_62, %dma_start3A_63] : memref<512x56xf32, #tpu.memory_space<vmem>> -> memref<128x56xf32, #tpu.memory_space<vmem>>
    %dma_start3A_65 = arith.constant 0 : i32
    %dma_start3A_66 = tpu.memref_slice %arg10[%dma_start3A_61, %dma_start3A_65] : memref<4x128xi32, #tpu.memory_space<vmem>> -> memref<1x128xi32, #tpu.memory_space<vmem>>
    %dma_start3A_67 = tpu.memref_squeeze %dma_start3A_66 : memref<1x128xi32, #tpu.memory_space<vmem>> -> memref<128xi32, #tpu.memory_space<vmem>>
    %dma_start3A_68 = arith.constant 0 : i32
    %dma_start3A_69 = arith.constant 0 : i32
    %dma_start3A_70 = tpu.memref_slice %arg3[%dma_start3A_68, %dma_start3A_69] : memref<100000x56xf32, #tpu.memory_space<hbm>> -> memref<100000x56xf32, #tpu.memory_space<hbm>>
    tpu.enqueue_indirect_dma source(%dma_start3A_70 : memref<100000x56xf32, #tpu.memory_space<hbm>>) target(%dma_start3A_64 : memref<128x56xf32, #tpu.memory_space<vmem>>) offsets(%dma_start3A_67 : memref<128xi32, #tpu.memory_space<vmem>>) semaphore(%arg16 : memref<!tpu.dma_semaphore, #tpu.memory_space<semaphore_mem>>)
    %dma_start3A_71 = arith.constant 1 : i32
    %dma_start3A_72 = arith.constant 128 : i32
    %dma_start3A_73 = arith.constant 0 : i32
    %dma_start3A_74 = tpu.memref_slice %arg14[%dma_start3A_72, %dma_start3A_73] : memref<512x8xf32, #tpu.memory_space<vmem>> -> memref<128x8xf32, #tpu.memory_space<vmem>>
    %dma_start3A_75 = arith.constant 0 : i32
    %dma_start3A_76 = tpu.memref_slice %arg11[%dma_start3A_71, %dma_start3A_75] : memref<4x128xi32, #tpu.memory_space<vmem>> -> memref<1x128xi32, #tpu.memory_space<vmem>>
    %dma_start3A_77 = tpu.memref_squeeze %dma_start3A_76 : memref<1x128xi32, #tpu.memory_space<vmem>> -> memref<128xi32, #tpu.memory_space<vmem>>
    %dma_start3A_78 = arith.constant 0 : i32
    %dma_start3A_79 = arith.constant 0 : i32
    %dma_start3A_80 = tpu.memref_slice %arg4[%dma_start3A_78, %dma_start3A_79] : memref<300001x8xf32, #tpu.memory_space<hbm>> -> memref<300001x8xf32, #tpu.memory_space<hbm>>
    tpu.enqueue_indirect_dma source(%dma_start3A_80 : memref<300001x8xf32, #tpu.memory_space<hbm>>) target(%dma_start3A_74 : memref<128x8xf32, #tpu.memory_space<vmem>>) offsets(%dma_start3A_77 : memref<128xi32, #tpu.memory_space<vmem>>) semaphore(%arg16 : memref<!tpu.dma_semaphore, #tpu.memory_space<semaphore_mem>>)
    %dma_start3A_81 = arith.constant 2 : i32
    %dma_start3A_82 = arith.constant 256 : i32
    %dma_start3A_83 = arith.constant 0 : i32
    %dma_start3A_84 = tpu.memref_slice %arg12[%dma_start3A_82, %dma_start3A_83] : memref<512x8xf32, #tpu.memory_space<vmem>> -> memref<128x8xf32, #tpu.memory_space<vmem>>
    %dma_start3A_85 = arith.constant 0 : i32
    %dma_start3A_86 = tpu.memref_slice %arg9[%dma_start3A_81, %dma_start3A_85] : memref<4x128xi32, #tpu.memory_space<vmem>> -> memref<1x128xi32, #tpu.memory_space<vmem>>
    %dma_start3A_87 = tpu.memref_squeeze %dma_start3A_86 : memref<1x128xi32, #tpu.memory_space<vmem>> -> memref<128xi32, #tpu.memory_space<vmem>>
    %dma_start3A_88 = arith.constant 0 : i32
    %dma_start3A_89 = arith.constant 0 : i32
    %dma_start3A_90 = tpu.memref_slice %arg2[%dma_start3A_88, %dma_start3A_89] : memref<100000x8xf32, #tpu.memory_space<hbm>> -> memref<100000x8xf32, #tpu.memory_space<hbm>>
    tpu.enqueue_indirect_dma source(%dma_start3A_90 : memref<100000x8xf32, #tpu.memory_space<hbm>>) target(%dma_start3A_84 : memref<128x8xf32, #tpu.memory_space<vmem>>) offsets(%dma_start3A_87 : memref<128xi32, #tpu.memory_space<vmem>>) semaphore(%arg16 : memref<!tpu.dma_semaphore, #tpu.memory_space<semaphore_mem>>)
    %dma_start3A_91 = arith.constant 2 : i32
    %dma_start3A_92 = arith.constant 256 : i32
    %dma_start3A_93 = arith.constant 0 : i32
    %dma_start3A_94 = tpu.memref_slice %arg13[%dma_start3A_92, %dma_start3A_93] : memref<512x56xf32, #tpu.memory_space<vmem>> -> memref<128x56xf32, #tpu.memory_space<vmem>>
    %dma_start3A_95 = arith.constant 0 : i32
    %dma_start3A_96 = tpu.memref_slice %arg10[%dma_start3A_91, %dma_start3A_95] : memref<4x128xi32, #tpu.memory_space<vmem>> -> memref<1x128xi32, #tpu.memory_space<vmem>>
    %dma_start3A_97 = tpu.memref_squeeze %dma_start3A_96 : memref<1x128xi32, #tpu.memory_space<vmem>> -> memref<128xi32, #tpu.memory_space<vmem>>
    %dma_start3A_98 = arith.constant 0 : i32
    %dma_start3A_99 = arith.constant 0 : i32
    %dma_start3A_100 = tpu.memref_slice %arg3[%dma_start3A_98, %dma_start3A_99] : memref<100000x56xf32, #tpu.memory_space<hbm>> -> memref<100000x56xf32, #tpu.memory_space<hbm>>
    tpu.enqueue_indirect_dma source(%dma_start3A_100 : memref<100000x56xf32, #tpu.memory_space<hbm>>) target(%dma_start3A_94 : memref<128x56xf32, #tpu.memory_space<vmem>>) offsets(%dma_start3A_97 : memref<128xi32, #tpu.memory_space<vmem>>) semaphore(%arg16 : memref<!tpu.dma_semaphore, #tpu.memory_space<semaphore_mem>>)
    %dma_start3A_101 = arith.constant 2 : i32
    %dma_start3A_102 = arith.constant 256 : i32
    %dma_start3A_103 = arith.constant 0 : i32
    %dma_start3A_104 = tpu.memref_slice %arg14[%dma_start3A_102, %dma_start3A_103] : memref<512x8xf32, #tpu.memory_space<vmem>> -> memref<128x8xf32, #tpu.memory_space<vmem>>
    %dma_start3A_105 = arith.constant 0 : i32
    %dma_start3A_106 = tpu.memref_slice %arg11[%dma_start3A_101, %dma_start3A_105] : memref<4x128xi32, #tpu.memory_space<vmem>> -> memref<1x128xi32, #tpu.memory_space<vmem>>
    %dma_start3A_107 = tpu.memref_squeeze %dma_start3A_106 : memref<1x128xi32, #tpu.memory_space<vmem>> -> memref<128xi32, #tpu.memory_space<vmem>>
    %dma_start3A_108 = arith.constant 0 : i32
    %dma_start3A_109 = arith.constant 0 : i32
    %dma_start3A_110 = tpu.memref_slice %arg4[%dma_start3A_108, %dma_start3A_109] : memref<300001x8xf32, #tpu.memory_space<hbm>> -> memref<300001x8xf32, #tpu.memory_space<hbm>>
    tpu.enqueue_indirect_dma source(%dma_start3A_110 : memref<300001x8xf32, #tpu.memory_space<hbm>>) target(%dma_start3A_104 : memref<128x8xf32, #tpu.memory_space<vmem>>) offsets(%dma_start3A_107 : memref<128xi32, #tpu.memory_space<vmem>>) semaphore(%arg16 : memref<!tpu.dma_semaphore, #tpu.memory_space<semaphore_mem>>)
    %dma_start3A_111 = arith.constant 3 : i32
    %dma_start3A_112 = arith.constant 384 : i32
    %dma_start3A_113 = arith.constant 0 : i32
    %dma_start3A_114 = tpu.memref_slice %arg12[%dma_start3A_112, %dma_start3A_113] : memref<512x8xf32, #tpu.memory_space<vmem>> -> memref<128x8xf32, #tpu.memory_space<vmem>>
    %dma_start3A_115 = arith.constant 0 : i32
    %dma_start3A_116 = tpu.memref_slice %arg9[%dma_start3A_111, %dma_start3A_115] : memref<4x128xi32, #tpu.memory_space<vmem>> -> memref<1x128xi32, #tpu.memory_space<vmem>>
    %dma_start3A_117 = tpu.memref_squeeze %dma_start3A_116 : memref<1x128xi32, #tpu.memory_space<vmem>> -> memref<128xi32, #tpu.memory_space<vmem>>
    %dma_start3A_118 = arith.constant 0 : i32
    %dma_start3A_119 = arith.constant 0 : i32
    %dma_start3A_120 = tpu.memref_slice %arg2[%dma_start3A_118, %dma_start3A_119] : memref<100000x8xf32, #tpu.memory_space<hbm>> -> memref<100000x8xf32, #tpu.memory_space<hbm>>
    tpu.enqueue_indirect_dma source(%dma_start3A_120 : memref<100000x8xf32, #tpu.memory_space<hbm>>) target(%dma_start3A_114 : memref<128x8xf32, #tpu.memory_space<vmem>>) offsets(%dma_start3A_117 : memref<128xi32, #tpu.memory_space<vmem>>) semaphore(%arg16 : memref<!tpu.dma_semaphore, #tpu.memory_space<semaphore_mem>>)
    %dma_start3A_121 = arith.constant 3 : i32
    %dma_start3A_122 = arith.constant 384 : i32
    %dma_start3A_123 = arith.constant 0 : i32
    %dma_start3A_124 = tpu.memref_slice %arg13[%dma_start3A_122, %dma_start3A_123] : memref<512x56xf32, #tpu.memory_space<vmem>> -> memref<128x56xf32, #tpu.memory_space<vmem>>
    %dma_start3A_125 = arith.constant 0 : i32
    %dma_start3A_126 = tpu.memref_slice %arg10[%dma_start3A_121, %dma_start3A_125] : memref<4x128xi32, #tpu.memory_space<vmem>> -> memref<1x128xi32, #tpu.memory_space<vmem>>
    %dma_start3A_127 = tpu.memref_squeeze %dma_start3A_126 : memref<1x128xi32, #tpu.memory_space<vmem>> -> memref<128xi32, #tpu.memory_space<vmem>>
    %dma_start3A_128 = arith.constant 0 : i32
    %dma_start3A_129 = arith.constant 0 : i32
    %dma_start3A_130 = tpu.memref_slice %arg3[%dma_start3A_128, %dma_start3A_129] : memref<100000x56xf32, #tpu.memory_space<hbm>> -> memref<100000x56xf32, #tpu.memory_space<hbm>>
    tpu.enqueue_indirect_dma source(%dma_start3A_130 : memref<100000x56xf32, #tpu.memory_space<hbm>>) target(%dma_start3A_124 : memref<128x56xf32, #tpu.memory_space<vmem>>) offsets(%dma_start3A_127 : memref<128xi32, #tpu.memory_space<vmem>>) semaphore(%arg16 : memref<!tpu.dma_semaphore, #tpu.memory_space<semaphore_mem>>)
    %dma_start3A_131 = arith.constant 3 : i32
    %dma_start3A_132 = arith.constant 384 : i32
    %dma_start3A_133 = arith.constant 0 : i32
    %dma_start3A_134 = tpu.memref_slice %arg14[%dma_start3A_132, %dma_start3A_133] : memref<512x8xf32, #tpu.memory_space<vmem>> -> memref<128x8xf32, #tpu.memory_space<vmem>>
    %dma_start3A_135 = arith.constant 0 : i32
    %dma_start3A_136 = tpu.memref_slice %arg11[%dma_start3A_131, %dma_start3A_135] : memref<4x128xi32, #tpu.memory_space<vmem>> -> memref<1x128xi32, #tpu.memory_space<vmem>>
    %dma_start3A_137 = tpu.memref_squeeze %dma_start3A_136 : memref<1x128xi32, #tpu.memory_space<vmem>> -> memref<128xi32, #tpu.memory_space<vmem>>
    %dma_start3A_138 = arith.constant 0 : i32
    %dma_start3A_139 = arith.constant 0 : i32
    %dma_start3A_140 = tpu.memref_slice %arg4[%dma_start3A_138, %dma_start3A_139] : memref<300001x8xf32, #tpu.memory_space<hbm>> -> memref<300001x8xf32, #tpu.memory_space<hbm>>
    tpu.enqueue_indirect_dma source(%dma_start3A_140 : memref<300001x8xf32, #tpu.memory_space<hbm>>) target(%dma_start3A_134 : memref<128x8xf32, #tpu.memory_space<vmem>>) offsets(%dma_start3A_137 : memref<128xi32, #tpu.memory_space<vmem>>) semaphore(%arg16 : memref<!tpu.dma_semaphore, #tpu.memory_space<semaphore_mem>>)
    %dma_wait3A = arith.constant 0 : i32
    %dma_wait3A_141 = arith.constant 0 : i32
    %dma_wait3A_142 = arith.constant 0 : i32
    %dma_wait3A_143 = tpu.memref_slice %arg12[%dma_wait3A_141, %dma_wait3A_142] : memref<512x8xf32, #tpu.memory_space<vmem>> -> memref<128x8xf32, #tpu.memory_space<vmem>>
    %dma_wait3A_144 = arith.constant 0 : i32
    %dma_wait3A_145 = tpu.memref_slice %arg9[%dma_wait3A, %dma_wait3A_144] : memref<4x128xi32, #tpu.memory_space<vmem>> -> memref<1x128xi32, #tpu.memory_space<vmem>>
    %dma_wait3A_146 = tpu.memref_squeeze %dma_wait3A_145 : memref<1x128xi32, #tpu.memory_space<vmem>> -> memref<128xi32, #tpu.memory_space<vmem>>
    %dma_wait3A_147 = arith.constant 0 : i32
    %dma_wait3A_148 = arith.constant 0 : i32
    %dma_wait3A_149 = tpu.memref_slice %arg2[%dma_wait3A_147, %dma_wait3A_148] : memref<100000x8xf32, #tpu.memory_space<hbm>> -> memref<100000x8xf32, #tpu.memory_space<hbm>>
    tpu.wait_indirect_dma semaphore(%arg16 : memref<!tpu.dma_semaphore, #tpu.memory_space<semaphore_mem>>) src(%dma_wait3A_149 : memref<100000x8xf32, #tpu.memory_space<hbm>>) dst(%dma_wait3A_143 : memref<128x8xf32, #tpu.memory_space<vmem>>)
    %dma_wait3A_150 = arith.constant 0 : i32
    %dma_wait3A_151 = arith.constant 0 : i32
    %dma_wait3A_152 = arith.constant 0 : i32
    %dma_wait3A_153 = tpu.memref_slice %arg13[%dma_wait3A_151, %dma_wait3A_152] : memref<512x56xf32, #tpu.memory_space<vmem>> -> memref<128x56xf32, #tpu.memory_space<vmem>>
    %dma_wait3A_154 = arith.constant 0 : i32
    %dma_wait3A_155 = tpu.memref_slice %arg10[%dma_wait3A_150, %dma_wait3A_154] : memref<4x128xi32, #tpu.memory_space<vmem>> -> memref<1x128xi32, #tpu.memory_space<vmem>>
    %dma_wait3A_156 = tpu.memref_squeeze %dma_wait3A_155 : memref<1x128xi32, #tpu.memory_space<vmem>> -> memref<128xi32, #tpu.memory_space<vmem>>
    %dma_wait3A_157 = arith.constant 0 : i32
    %dma_wait3A_158 = arith.constant 0 : i32
    %dma_wait3A_159 = tpu.memref_slice %arg3[%dma_wait3A_157, %dma_wait3A_158] : memref<100000x56xf32, #tpu.memory_space<hbm>> -> memref<100000x56xf32, #tpu.memory_space<hbm>>
    tpu.wait_indirect_dma semaphore(%arg16 : memref<!tpu.dma_semaphore, #tpu.memory_space<semaphore_mem>>) src(%dma_wait3A_159 : memref<100000x56xf32, #tpu.memory_space<hbm>>) dst(%dma_wait3A_153 : memref<128x56xf32, #tpu.memory_space<vmem>>)
    %dma_wait3A_160 = arith.constant 0 : i32
    %dma_wait3A_161 = arith.constant 0 : i32
    %dma_wait3A_162 = arith.constant 0 : i32
    %dma_wait3A_163 = tpu.memref_slice %arg14[%dma_wait3A_161, %dma_wait3A_162] : memref<512x8xf32, #tpu.memory_space<vmem>> -> memref<128x8xf32, #tpu.memory_space<vmem>>
    %dma_wait3A_164 = arith.constant 0 : i32
    %dma_wait3A_165 = tpu.memref_slice %arg11[%dma_wait3A_160, %dma_wait3A_164] : memref<4x128xi32, #tpu.memory_space<vmem>> -> memref<1x128xi32, #tpu.memory_space<vmem>>
    %dma_wait3A_166 = tpu.memref_squeeze %dma_wait3A_165 : memref<1x128xi32, #tpu.memory_space<vmem>> -> memref<128xi32, #tpu.memory_space<vmem>>
    %dma_wait3A_167 = arith.constant 0 : i32
    %dma_wait3A_168 = arith.constant 0 : i32
    %dma_wait3A_169 = tpu.memref_slice %arg4[%dma_wait3A_167, %dma_wait3A_168] : memref<300001x8xf32, #tpu.memory_space<hbm>> -> memref<300001x8xf32, #tpu.memory_space<hbm>>
    tpu.wait_indirect_dma semaphore(%arg16 : memref<!tpu.dma_semaphore, #tpu.memory_space<semaphore_mem>>) src(%dma_wait3A_169 : memref<300001x8xf32, #tpu.memory_space<hbm>>) dst(%dma_wait3A_163 : memref<128x8xf32, #tpu.memory_space<vmem>>)
    %dma_wait3A_170 = arith.constant 1 : i32
    %dma_wait3A_171 = arith.constant 128 : i32
    %dma_wait3A_172 = arith.constant 0 : i32
    %dma_wait3A_173 = tpu.memref_slice %arg12[%dma_wait3A_171, %dma_wait3A_172] : memref<512x8xf32, #tpu.memory_space<vmem>> -> memref<128x8xf32, #tpu.memory_space<vmem>>
    %dma_wait3A_174 = arith.constant 0 : i32
    %dma_wait3A_175 = tpu.memref_slice %arg9[%dma_wait3A_170, %dma_wait3A_174] : memref<4x128xi32, #tpu.memory_space<vmem>> -> memref<1x128xi32, #tpu.memory_space<vmem>>
    %dma_wait3A_176 = tpu.memref_squeeze %dma_wait3A_175 : memref<1x128xi32, #tpu.memory_space<vmem>> -> memref<128xi32, #tpu.memory_space<vmem>>
    %dma_wait3A_177 = arith.constant 0 : i32
    %dma_wait3A_178 = arith.constant 0 : i32
    %dma_wait3A_179 = tpu.memref_slice %arg2[%dma_wait3A_177, %dma_wait3A_178] : memref<100000x8xf32, #tpu.memory_space<hbm>> -> memref<100000x8xf32, #tpu.memory_space<hbm>>
    tpu.wait_indirect_dma semaphore(%arg16 : memref<!tpu.dma_semaphore, #tpu.memory_space<semaphore_mem>>) src(%dma_wait3A_179 : memref<100000x8xf32, #tpu.memory_space<hbm>>) dst(%dma_wait3A_173 : memref<128x8xf32, #tpu.memory_space<vmem>>)
    %dma_wait3A_180 = arith.constant 1 : i32
    %dma_wait3A_181 = arith.constant 128 : i32
    %dma_wait3A_182 = arith.constant 0 : i32
    %dma_wait3A_183 = tpu.memref_slice %arg13[%dma_wait3A_181, %dma_wait3A_182] : memref<512x56xf32, #tpu.memory_space<vmem>> -> memref<128x56xf32, #tpu.memory_space<vmem>>
    %dma_wait3A_184 = arith.constant 0 : i32
    %dma_wait3A_185 = tpu.memref_slice %arg10[%dma_wait3A_180, %dma_wait3A_184] : memref<4x128xi32, #tpu.memory_space<vmem>> -> memref<1x128xi32, #tpu.memory_space<vmem>>
    %dma_wait3A_186 = tpu.memref_squeeze %dma_wait3A_185 : memref<1x128xi32, #tpu.memory_space<vmem>> -> memref<128xi32, #tpu.memory_space<vmem>>
    %dma_wait3A_187 = arith.constant 0 : i32
    %dma_wait3A_188 = arith.constant 0 : i32
    %dma_wait3A_189 = tpu.memref_slice %arg3[%dma_wait3A_187, %dma_wait3A_188] : memref<100000x56xf32, #tpu.memory_space<hbm>> -> memref<100000x56xf32, #tpu.memory_space<hbm>>
    tpu.wait_indirect_dma semaphore(%arg16 : memref<!tpu.dma_semaphore, #tpu.memory_space<semaphore_mem>>) src(%dma_wait3A_189 : memref<100000x56xf32, #tpu.memory_space<hbm>>) dst(%dma_wait3A_183 : memref<128x56xf32, #tpu.memory_space<vmem>>)
    %dma_wait3A_190 = arith.constant 1 : i32
    %dma_wait3A_191 = arith.constant 128 : i32
    %dma_wait3A_192 = arith.constant 0 : i32
    %dma_wait3A_193 = tpu.memref_slice %arg14[%dma_wait3A_191, %dma_wait3A_192] : memref<512x8xf32, #tpu.memory_space<vmem>> -> memref<128x8xf32, #tpu.memory_space<vmem>>
    %dma_wait3A_194 = arith.constant 0 : i32
    %dma_wait3A_195 = tpu.memref_slice %arg11[%dma_wait3A_190, %dma_wait3A_194] : memref<4x128xi32, #tpu.memory_space<vmem>> -> memref<1x128xi32, #tpu.memory_space<vmem>>
    %dma_wait3A_196 = tpu.memref_squeeze %dma_wait3A_195 : memref<1x128xi32, #tpu.memory_space<vmem>> -> memref<128xi32, #tpu.memory_space<vmem>>
    %dma_wait3A_197 = arith.constant 0 : i32
    %dma_wait3A_198 = arith.constant 0 : i32
    %dma_wait3A_199 = tpu.memref_slice %arg4[%dma_wait3A_197, %dma_wait3A_198] : memref<300001x8xf32, #tpu.memory_space<hbm>> -> memref<300001x8xf32, #tpu.memory_space<hbm>>
    tpu.wait_indirect_dma semaphore(%arg16 : memref<!tpu.dma_semaphore, #tpu.memory_space<semaphore_mem>>) src(%dma_wait3A_199 : memref<300001x8xf32, #tpu.memory_space<hbm>>) dst(%dma_wait3A_193 : memref<128x8xf32, #tpu.memory_space<vmem>>)
    %dma_wait3A_200 = arith.constant 2 : i32
    %dma_wait3A_201 = arith.constant 256 : i32
    %dma_wait3A_202 = arith.constant 0 : i32
    %dma_wait3A_203 = tpu.memref_slice %arg12[%dma_wait3A_201, %dma_wait3A_202] : memref<512x8xf32, #tpu.memory_space<vmem>> -> memref<128x8xf32, #tpu.memory_space<vmem>>
    %dma_wait3A_204 = arith.constant 0 : i32
    %dma_wait3A_205 = tpu.memref_slice %arg9[%dma_wait3A_200, %dma_wait3A_204] : memref<4x128xi32, #tpu.memory_space<vmem>> -> memref<1x128xi32, #tpu.memory_space<vmem>>
    %dma_wait3A_206 = tpu.memref_squeeze %dma_wait3A_205 : memref<1x128xi32, #tpu.memory_space<vmem>> -> memref<128xi32, #tpu.memory_space<vmem>>
    %dma_wait3A_207 = arith.constant 0 : i32
    %dma_wait3A_208 = arith.constant 0 : i32
    %dma_wait3A_209 = tpu.memref_slice %arg2[%dma_wait3A_207, %dma_wait3A_208] : memref<100000x8xf32, #tpu.memory_space<hbm>> -> memref<100000x8xf32, #tpu.memory_space<hbm>>
    tpu.wait_indirect_dma semaphore(%arg16 : memref<!tpu.dma_semaphore, #tpu.memory_space<semaphore_mem>>) src(%dma_wait3A_209 : memref<100000x8xf32, #tpu.memory_space<hbm>>) dst(%dma_wait3A_203 : memref<128x8xf32, #tpu.memory_space<vmem>>)
    %dma_wait3A_210 = arith.constant 2 : i32
    %dma_wait3A_211 = arith.constant 256 : i32
    %dma_wait3A_212 = arith.constant 0 : i32
    %dma_wait3A_213 = tpu.memref_slice %arg13[%dma_wait3A_211, %dma_wait3A_212] : memref<512x56xf32, #tpu.memory_space<vmem>> -> memref<128x56xf32, #tpu.memory_space<vmem>>
    %dma_wait3A_214 = arith.constant 0 : i32
    %dma_wait3A_215 = tpu.memref_slice %arg10[%dma_wait3A_210, %dma_wait3A_214] : memref<4x128xi32, #tpu.memory_space<vmem>> -> memref<1x128xi32, #tpu.memory_space<vmem>>
    %dma_wait3A_216 = tpu.memref_squeeze %dma_wait3A_215 : memref<1x128xi32, #tpu.memory_space<vmem>> -> memref<128xi32, #tpu.memory_space<vmem>>
    %dma_wait3A_217 = arith.constant 0 : i32
    %dma_wait3A_218 = arith.constant 0 : i32
    %dma_wait3A_219 = tpu.memref_slice %arg3[%dma_wait3A_217, %dma_wait3A_218] : memref<100000x56xf32, #tpu.memory_space<hbm>> -> memref<100000x56xf32, #tpu.memory_space<hbm>>
    tpu.wait_indirect_dma semaphore(%arg16 : memref<!tpu.dma_semaphore, #tpu.memory_space<semaphore_mem>>) src(%dma_wait3A_219 : memref<100000x56xf32, #tpu.memory_space<hbm>>) dst(%dma_wait3A_213 : memref<128x56xf32, #tpu.memory_space<vmem>>)
    %dma_wait3A_220 = arith.constant 2 : i32
    %dma_wait3A_221 = arith.constant 256 : i32
    %dma_wait3A_222 = arith.constant 0 : i32
    %dma_wait3A_223 = tpu.memref_slice %arg14[%dma_wait3A_221, %dma_wait3A_222] : memref<512x8xf32, #tpu.memory_space<vmem>> -> memref<128x8xf32, #tpu.memory_space<vmem>>
    %dma_wait3A_224 = arith.constant 0 : i32
    %dma_wait3A_225 = tpu.memref_slice %arg11[%dma_wait3A_220, %dma_wait3A_224] : memref<4x128xi32, #tpu.memory_space<vmem>> -> memref<1x128xi32, #tpu.memory_space<vmem>>
    %dma_wait3A_226 = tpu.memref_squeeze %dma_wait3A_225 : memref<1x128xi32, #tpu.memory_space<vmem>> -> memref<128xi32, #tpu.memory_space<vmem>>
    %dma_wait3A_227 = arith.constant 0 : i32
    %dma_wait3A_228 = arith.constant 0 : i32
    %dma_wait3A_229 = tpu.memref_slice %arg4[%dma_wait3A_227, %dma_wait3A_228] : memref<300001x8xf32, #tpu.memory_space<hbm>> -> memref<300001x8xf32, #tpu.memory_space<hbm>>
    tpu.wait_indirect_dma semaphore(%arg16 : memref<!tpu.dma_semaphore, #tpu.memory_space<semaphore_mem>>) src(%dma_wait3A_229 : memref<300001x8xf32, #tpu.memory_space<hbm>>) dst(%dma_wait3A_223 : memref<128x8xf32, #tpu.memory_space<vmem>>)
    %dma_wait3A_230 = arith.constant 3 : i32
    %dma_wait3A_231 = arith.constant 384 : i32
    %dma_wait3A_232 = arith.constant 0 : i32
    %dma_wait3A_233 = tpu.memref_slice %arg12[%dma_wait3A_231, %dma_wait3A_232] : memref<512x8xf32, #tpu.memory_space<vmem>> -> memref<128x8xf32, #tpu.memory_space<vmem>>
    %dma_wait3A_234 = arith.constant 0 : i32
    %dma_wait3A_235 = tpu.memref_slice %arg9[%dma_wait3A_230, %dma_wait3A_234] : memref<4x128xi32, #tpu.memory_space<vmem>> -> memref<1x128xi32, #tpu.memory_space<vmem>>
    %dma_wait3A_236 = tpu.memref_squeeze %dma_wait3A_235 : memref<1x128xi32, #tpu.memory_space<vmem>> -> memref<128xi32, #tpu.memory_space<vmem>>
    %dma_wait3A_237 = arith.constant 0 : i32
    %dma_wait3A_238 = arith.constant 0 : i32
    %dma_wait3A_239 = tpu.memref_slice %arg2[%dma_wait3A_237, %dma_wait3A_238] : memref<100000x8xf32, #tpu.memory_space<hbm>> -> memref<100000x8xf32, #tpu.memory_space<hbm>>
    tpu.wait_indirect_dma semaphore(%arg16 : memref<!tpu.dma_semaphore, #tpu.memory_space<semaphore_mem>>) src(%dma_wait3A_239 : memref<100000x8xf32, #tpu.memory_space<hbm>>) dst(%dma_wait3A_233 : memref<128x8xf32, #tpu.memory_space<vmem>>)
    %dma_wait3A_240 = arith.constant 3 : i32
    %dma_wait3A_241 = arith.constant 384 : i32
    %dma_wait3A_242 = arith.constant 0 : i32
    %dma_wait3A_243 = tpu.memref_slice %arg13[%dma_wait3A_241, %dma_wait3A_242] : memref<512x56xf32, #tpu.memory_space<vmem>> -> memref<128x56xf32, #tpu.memory_space<vmem>>
    %dma_wait3A_244 = arith.constant 0 : i32
    %dma_wait3A_245 = tpu.memref_slice %arg10[%dma_wait3A_240, %dma_wait3A_244] : memref<4x128xi32, #tpu.memory_space<vmem>> -> memref<1x128xi32, #tpu.memory_space<vmem>>
    %dma_wait3A_246 = tpu.memref_squeeze %dma_wait3A_245 : memref<1x128xi32, #tpu.memory_space<vmem>> -> memref<128xi32, #tpu.memory_space<vmem>>
    %dma_wait3A_247 = arith.constant 0 : i32
    %dma_wait3A_248 = arith.constant 0 : i32
    %dma_wait3A_249 = tpu.memref_slice %arg3[%dma_wait3A_247, %dma_wait3A_248] : memref<100000x56xf32, #tpu.memory_space<hbm>> -> memref<100000x56xf32, #tpu.memory_space<hbm>>
    tpu.wait_indirect_dma semaphore(%arg16 : memref<!tpu.dma_semaphore, #tpu.memory_space<semaphore_mem>>) src(%dma_wait3A_249 : memref<100000x56xf32, #tpu.memory_space<hbm>>) dst(%dma_wait3A_243 : memref<128x56xf32, #tpu.memory_space<vmem>>)
    %dma_wait3A_250 = arith.constant 3 : i32
    %dma_wait3A_251 = arith.constant 384 : i32
    %dma_wait3A_252 = arith.constant 0 : i32
    %dma_wait3A_253 = tpu.memref_slice %arg14[%dma_wait3A_251, %dma_wait3A_252] : memref<512x8xf32, #tpu.memory_space<vmem>> -> memref<128x8xf32, #tpu.memory_space<vmem>>
    %dma_wait3A_254 = arith.constant 0 : i32
    %dma_wait3A_255 = tpu.memref_slice %arg11[%dma_wait3A_250, %dma_wait3A_254] : memref<4x128xi32, #tpu.memory_space<vmem>> -> memref<1x128xi32, #tpu.memory_space<vmem>>
    %dma_wait3A_256 = tpu.memref_squeeze %dma_wait3A_255 : memref<1x128xi32, #tpu.memory_space<vmem>> -> memref<128xi32, #tpu.memory_space<vmem>>
    %dma_wait3A_257 = arith.constant 0 : i32
    %dma_wait3A_258 = arith.constant 0 : i32
    %dma_wait3A_259 = tpu.memref_slice %arg4[%dma_wait3A_257, %dma_wait3A_258] : memref<300001x8xf32, #tpu.memory_space<hbm>> -> memref<300001x8xf32, #tpu.memory_space<hbm>>
    tpu.wait_indirect_dma semaphore(%arg16 : memref<!tpu.dma_semaphore, #tpu.memory_space<semaphore_mem>>) src(%dma_wait3A_259 : memref<300001x8xf32, #tpu.memory_space<hbm>>) dst(%dma_wait3A_253 : memref<128x8xf32, #tpu.memory_space<vmem>>)
    %iota3A = tpu.iota {dimensions = array<i32: 0>} : vector<16xi32>
    %add3A_260 = arith.constant 0 : i32
    %add3A_261 = vector.broadcast %add3A_260 : i32 to vector<16xi32>
    %add3A_262 = arith.addi %add3A_261, %iota3A : vector<16xi32>
    %mul3A_263 = arith.constant 10923 : i32
    %mul3A_264 = vector.broadcast %mul3A_263 : i32 to vector<16xi32>
    %mul3A_265 = arith.muli %add3A_262, %mul3A_264 : vector<16xi32>
    %shift_right_arithmetic3A = arith.constant 16 : i32
    %shift_right_arithmetic3A_266 = vector.broadcast %shift_right_arithmetic3A : i32 to vector<16xi32>
    %shift_right_arithmetic3A_267 = arith.shrsi %mul3A_265, %shift_right_arithmetic3A_266 : vector<16xi32>
    %mul3A_268 = arith.constant 6 : i32
    %mul3A_269 = vector.broadcast %mul3A_268 : i32 to vector<16xi32>
    %mul3A_270 = arith.muli %shift_right_arithmetic3A_267, %mul3A_269 : vector<16xi32>
    %sub3A = arith.subi %add3A_262, %mul3A_270 : vector<16xi32>
    %mul3A_271 = arith.constant 66 : i32
    %mul3A_272 = vector.broadcast %mul3A_271 : i32 to vector<16xi32>
    %mul3A_273 = arith.muli %shift_right_arithmetic3A_267, %mul3A_272 : vector<16xi32>
    %add3A_274 = arith.constant 0 : i32
    %add3A_275 = vector.broadcast %add3A_274 : i32 to vector<16xi32>
    %add3A_276 = arith.addi %mul3A_273, %add3A_275 : vector<16xi32>
    %add3A_277 = arith.addi %add3A_276, %sub3A : vector<16xi32>
    %add3A_278 = arith.constant 16 : i32
    %add3A_279 = vector.broadcast %add3A_278 : i32 to vector<16xi32>
    %add3A_280 = arith.addi %add3A_279, %iota3A : vector<16xi32>
    %mul3A_281 = arith.constant 10923 : i32
    %mul3A_282 = vector.broadcast %mul3A_281 : i32 to vector<16xi32>
    %mul3A_283 = arith.muli %add3A_280, %mul3A_282 : vector<16xi32>
    %shift_right_arithmetic3A_284 = arith.constant 16 : i32
    %shift_right_arithmetic3A_285 = vector.broadcast %shift_right_arithmetic3A_284 : i32 to vector<16xi32>
    %shift_right_arithmetic3A_286 = arith.shrsi %mul3A_283, %shift_right_arithmetic3A_285 : vector<16xi32>
    %mul3A_287 = arith.constant 6 : i32
    %mul3A_288 = vector.broadcast %mul3A_287 : i32 to vector<16xi32>
    %mul3A_289 = arith.muli %shift_right_arithmetic3A_286, %mul3A_288 : vector<16xi32>
    %sub3A_290 = arith.subi %add3A_280, %mul3A_289 : vector<16xi32>
    %mul3A_291 = arith.constant 66 : i32
    %mul3A_292 = vector.broadcast %mul3A_291 : i32 to vector<16xi32>
    %mul3A_293 = arith.muli %shift_right_arithmetic3A_286, %mul3A_292 : vector<16xi32>
    %add3A_294 = arith.constant 0 : i32
    %add3A_295 = vector.broadcast %add3A_294 : i32 to vector<16xi32>
    %add3A_296 = arith.addi %mul3A_293, %add3A_295 : vector<16xi32>
    %add3A_297 = arith.addi %add3A_296, %sub3A_290 : vector<16xi32>
    %add3A_298 = arith.constant 32 : i32
    %add3A_299 = vector.broadcast %add3A_298 : i32 to vector<16xi32>
    %add3A_300 = arith.addi %add3A_299, %iota3A : vector<16xi32>
    %mul3A_301 = arith.constant 10923 : i32
    %mul3A_302 = vector.broadcast %mul3A_301 : i32 to vector<16xi32>
    %mul3A_303 = arith.muli %add3A_300, %mul3A_302 : vector<16xi32>
    %shift_right_arithmetic3A_304 = arith.constant 16 : i32
    %shift_right_arithmetic3A_305 = vector.broadcast %shift_right_arithmetic3A_304 : i32 to vector<16xi32>
    %shift_right_arithmetic3A_306 = arith.shrsi %mul3A_303, %shift_right_arithmetic3A_305 : vector<16xi32>
    %mul3A_307 = arith.constant 6 : i32
    %mul3A_308 = vector.broadcast %mul3A_307 : i32 to vector<16xi32>
    %mul3A_309 = arith.muli %shift_right_arithmetic3A_306, %mul3A_308 : vector<16xi32>
    %sub3A_310 = arith.subi %add3A_300, %mul3A_309 : vector<16xi32>
    %mul3A_311 = arith.constant 66 : i32
    %mul3A_312 = vector.broadcast %mul3A_311 : i32 to vector<16xi32>
    %mul3A_313 = arith.muli %shift_right_arithmetic3A_306, %mul3A_312 : vector<16xi32>
    %add3A_314 = arith.constant 0 : i32
    %add3A_315 = vector.broadcast %add3A_314 : i32 to vector<16xi32>
    %add3A_316 = arith.addi %mul3A_313, %add3A_315 : vector<16xi32>
    %add3A_317 = arith.addi %add3A_316, %sub3A_310 : vector<16xi32>
    %add3A_318 = arith.constant 0 : i32
    %add3A_319 = vector.broadcast %add3A_318 : i32 to vector<16xi32>
    %add3A_320 = arith.addi %add3A_319, %iota3A : vector<16xi32>
    %mul3A_321 = arith.constant 1214 : i32
    %mul3A_322 = vector.broadcast %mul3A_321 : i32 to vector<16xi32>
    %mul3A_323 = arith.muli %add3A_320, %mul3A_322 : vector<16xi32>
    %shift_right_arithmetic3A_324 = arith.constant 16 : i32
    %shift_right_arithmetic3A_325 = vector.broadcast %shift_right_arithmetic3A_324 : i32 to vector<16xi32>
    %shift_right_arithmetic3A_326 = arith.shrsi %mul3A_323, %shift_right_arithmetic3A_325 : vector<16xi32>
    %mul3A_327 = arith.constant 54 : i32
    %mul3A_328 = vector.broadcast %mul3A_327 : i32 to vector<16xi32>
    %mul3A_329 = arith.muli %shift_right_arithmetic3A_326, %mul3A_328 : vector<16xi32>
    %sub3A_330 = arith.subi %add3A_320, %mul3A_329 : vector<16xi32>
    %mul3A_331 = arith.constant 66 : i32
    %mul3A_332 = vector.broadcast %mul3A_331 : i32 to vector<16xi32>
    %mul3A_333 = arith.muli %shift_right_arithmetic3A_326, %mul3A_332 : vector<16xi32>
    %add3A_334 = arith.constant 6 : i32
    %add3A_335 = vector.broadcast %add3A_334 : i32 to vector<16xi32>
    %add3A_336 = arith.addi %mul3A_333, %add3A_335 : vector<16xi32>
    %add3A_337 = arith.addi %add3A_336, %sub3A_330 : vector<16xi32>
    %add3A_338 = arith.constant 16 : i32
    %add3A_339 = vector.broadcast %add3A_338 : i32 to vector<16xi32>
    %add3A_340 = arith.addi %add3A_339, %iota3A : vector<16xi32>
    %mul3A_341 = arith.constant 1214 : i32
    %mul3A_342 = vector.broadcast %mul3A_341 : i32 to vector<16xi32>
    %mul3A_343 = arith.muli %add3A_340, %mul3A_342 : vector<16xi32>
    %shift_right_arithmetic3A_344 = arith.constant 16 : i32
    %shift_right_arithmetic3A_345 = vector.broadcast %shift_right_arithmetic3A_344 : i32 to vector<16xi32>
    %shift_right_arithmetic3A_346 = arith.shrsi %mul3A_343, %shift_right_arithmetic3A_345 : vector<16xi32>
    %mul3A_347 = arith.constant 54 : i32
    %mul3A_348 = vector.broadcast %mul3A_347 : i32 to vector<16xi32>
    %mul3A_349 = arith.muli %shift_right_arithmetic3A_346, %mul3A_348 : vector<16xi32>
    %sub3A_350 = arith.subi %add3A_340, %mul3A_349 : vector<16xi32>
    %mul3A_351 = arith.constant 66 : i32
    %mul3A_352 = vector.broadcast %mul3A_351 : i32 to vector<16xi32>
    %mul3A_353 = arith.muli %shift_right_arithmetic3A_346, %mul3A_352 : vector<16xi32>
    %add3A_354 = arith.constant 6 : i32
    %add3A_355 = vector.broadcast %add3A_354 : i32 to vector<16xi32>
    %add3A_356 = arith.addi %mul3A_353, %add3A_355 : vector<16xi32>
    %add3A_357 = arith.addi %add3A_356, %sub3A_350 : vector<16xi32>
    %add3A_358 = arith.constant 32 : i32
    %add3A_359 = vector.broadcast %add3A_358 : i32 to vector<16xi32>
    %add3A_360 = arith.addi %add3A_359, %iota3A : vector<16xi32>
    %mul3A_361 = arith.constant 1214 : i32
    %mul3A_362 = vector.broadcast %mul3A_361 : i32 to vector<16xi32>
    %mul3A_363 = arith.muli %add3A_360, %mul3A_362 : vector<16xi32>
    %shift_right_arithmetic3A_364 = arith.constant 16 : i32
    %shift_right_arithmetic3A_365 = vector.broadcast %shift_right_arithmetic3A_364 : i32 to vector<16xi32>
    %shift_right_arithmetic3A_366 = arith.shrsi %mul3A_363, %shift_right_arithmetic3A_365 : vector<16xi32>
    %mul3A_367 = arith.constant 54 : i32
    %mul3A_368 = vector.broadcast %mul3A_367 : i32 to vector<16xi32>
    %mul3A_369 = arith.muli %shift_right_arithmetic3A_366, %mul3A_368 : vector<16xi32>
    %sub3A_370 = arith.subi %add3A_360, %mul3A_369 : vector<16xi32>
    %mul3A_371 = arith.constant 66 : i32
    %mul3A_372 = vector.broadcast %mul3A_371 : i32 to vector<16xi32>
    %mul3A_373 = arith.muli %shift_right_arithmetic3A_366, %mul3A_372 : vector<16xi32>
    %add3A_374 = arith.constant 6 : i32
    %add3A_375 = vector.broadcast %add3A_374 : i32 to vector<16xi32>
    %add3A_376 = arith.addi %mul3A_373, %add3A_375 : vector<16xi32>
    %add3A_377 = arith.addi %add3A_376, %sub3A_370 : vector<16xi32>
    %add3A_378 = arith.constant 48 : i32
    %add3A_379 = vector.broadcast %add3A_378 : i32 to vector<16xi32>
    %add3A_380 = arith.addi %add3A_379, %iota3A : vector<16xi32>
    %mul3A_381 = arith.constant 1214 : i32
    %mul3A_382 = vector.broadcast %mul3A_381 : i32 to vector<16xi32>
    %mul3A_383 = arith.muli %add3A_380, %mul3A_382 : vector<16xi32>
    %shift_right_arithmetic3A_384 = arith.constant 16 : i32
    %shift_right_arithmetic3A_385 = vector.broadcast %shift_right_arithmetic3A_384 : i32 to vector<16xi32>
    %shift_right_arithmetic3A_386 = arith.shrsi %mul3A_383, %shift_right_arithmetic3A_385 : vector<16xi32>
    %mul3A_387 = arith.constant 54 : i32
    %mul3A_388 = vector.broadcast %mul3A_387 : i32 to vector<16xi32>
    %mul3A_389 = arith.muli %shift_right_arithmetic3A_386, %mul3A_388 : vector<16xi32>
    %sub3A_390 = arith.subi %add3A_380, %mul3A_389 : vector<16xi32>
    %mul3A_391 = arith.constant 66 : i32
    %mul3A_392 = vector.broadcast %mul3A_391 : i32 to vector<16xi32>
    %mul3A_393 = arith.muli %shift_right_arithmetic3A_386, %mul3A_392 : vector<16xi32>
    %add3A_394 = arith.constant 6 : i32
    %add3A_395 = vector.broadcast %add3A_394 : i32 to vector<16xi32>
    %add3A_396 = arith.addi %mul3A_393, %add3A_395 : vector<16xi32>
    %add3A_397 = arith.addi %add3A_396, %sub3A_390 : vector<16xi32>
    %add3A_398 = arith.constant 64 : i32
    %add3A_399 = vector.broadcast %add3A_398 : i32 to vector<16xi32>
    %add3A_400 = arith.addi %add3A_399, %iota3A : vector<16xi32>
    %mul3A_401 = arith.constant 1214 : i32
    %mul3A_402 = vector.broadcast %mul3A_401 : i32 to vector<16xi32>
    %mul3A_403 = arith.muli %add3A_400, %mul3A_402 : vector<16xi32>
    %shift_right_arithmetic3A_404 = arith.constant 16 : i32
    %shift_right_arithmetic3A_405 = vector.broadcast %shift_right_arithmetic3A_404 : i32 to vector<16xi32>
    %shift_right_arithmetic3A_406 = arith.shrsi %mul3A_403, %shift_right_arithmetic3A_405 : vector<16xi32>
    %mul3A_407 = arith.constant 54 : i32
    %mul3A_408 = vector.broadcast %mul3A_407 : i32 to vector<16xi32>
    %mul3A_409 = arith.muli %shift_right_arithmetic3A_406, %mul3A_408 : vector<16xi32>
    %sub3A_410 = arith.subi %add3A_400, %mul3A_409 : vector<16xi32>
    %mul3A_411 = arith.constant 66 : i32
    %mul3A_412 = vector.broadcast %mul3A_411 : i32 to vector<16xi32>
    %mul3A_413 = arith.muli %shift_right_arithmetic3A_406, %mul3A_412 : vector<16xi32>
    %add3A_414 = arith.constant 6 : i32
    %add3A_415 = vector.broadcast %add3A_414 : i32 to vector<16xi32>
    %add3A_416 = arith.addi %mul3A_413, %add3A_415 : vector<16xi32>
    %add3A_417 = arith.addi %add3A_416, %sub3A_410 : vector<16xi32>
    %add3A_418 = arith.constant 80 : i32
    %add3A_419 = vector.broadcast %add3A_418 : i32 to vector<16xi32>
    %add3A_420 = arith.addi %add3A_419, %iota3A : vector<16xi32>
    %mul3A_421 = arith.constant 1214 : i32
    %mul3A_422 = vector.broadcast %mul3A_421 : i32 to vector<16xi32>
    %mul3A_423 = arith.muli %add3A_420, %mul3A_422 : vector<16xi32>
    %shift_right_arithmetic3A_424 = arith.constant 16 : i32
    %shift_right_arithmetic3A_425 = vector.broadcast %shift_right_arithmetic3A_424 : i32 to vector<16xi32>
    %shift_right_arithmetic3A_426 = arith.shrsi %mul3A_423, %shift_right_arithmetic3A_425 : vector<16xi32>
    %mul3A_427 = arith.constant 54 : i32
    %mul3A_428 = vector.broadcast %mul3A_427 : i32 to vector<16xi32>
    %mul3A_429 = arith.muli %shift_right_arithmetic3A_426, %mul3A_428 : vector<16xi32>
    %sub3A_430 = arith.subi %add3A_420, %mul3A_429 : vector<16xi32>
    %mul3A_431 = arith.constant 66 : i32
    %mul3A_432 = vector.broadcast %mul3A_431 : i32 to vector<16xi32>
    %mul3A_433 = arith.muli %shift_right_arithmetic3A_426, %mul3A_432 : vector<16xi32>
    %add3A_434 = arith.constant 6 : i32
    %add3A_435 = vector.broadcast %add3A_434 : i32 to vector<16xi32>
    %add3A_436 = arith.addi %mul3A_433, %add3A_435 : vector<16xi32>
    %add3A_437 = arith.addi %add3A_436, %sub3A_430 : vector<16xi32>
    %add3A_438 = arith.constant 96 : i32
    %add3A_439 = vector.broadcast %add3A_438 : i32 to vector<16xi32>
    %add3A_440 = arith.addi %add3A_439, %iota3A : vector<16xi32>
    %mul3A_441 = arith.constant 1214 : i32
    %mul3A_442 = vector.broadcast %mul3A_441 : i32 to vector<16xi32>
    %mul3A_443 = arith.muli %add3A_440, %mul3A_442 : vector<16xi32>
    %shift_right_arithmetic3A_444 = arith.constant 16 : i32
    %shift_right_arithmetic3A_445 = vector.broadcast %shift_right_arithmetic3A_444 : i32 to vector<16xi32>
    %shift_right_arithmetic3A_446 = arith.shrsi %mul3A_443, %shift_right_arithmetic3A_445 : vector<16xi32>
    %mul3A_447 = arith.constant 54 : i32
    %mul3A_448 = vector.broadcast %mul3A_447 : i32 to vector<16xi32>
    %mul3A_449 = arith.muli %shift_right_arithmetic3A_446, %mul3A_448 : vector<16xi32>
    %sub3A_450 = arith.subi %add3A_440, %mul3A_449 : vector<16xi32>
    %mul3A_451 = arith.constant 66 : i32
    %mul3A_452 = vector.broadcast %mul3A_451 : i32 to vector<16xi32>
    %mul3A_453 = arith.muli %shift_right_arithmetic3A_446, %mul3A_452 : vector<16xi32>
    %add3A_454 = arith.constant 6 : i32
    %add3A_455 = vector.broadcast %add3A_454 : i32 to vector<16xi32>
    %add3A_456 = arith.addi %mul3A_453, %add3A_455 : vector<16xi32>
    %add3A_457 = arith.addi %add3A_456, %sub3A_450 : vector<16xi32>
    %add3A_458 = arith.constant 112 : i32
    %add3A_459 = vector.broadcast %add3A_458 : i32 to vector<16xi32>
    %add3A_460 = arith.addi %add3A_459, %iota3A : vector<16xi32>
    %mul3A_461 = arith.constant 1214 : i32
    %mul3A_462 = vector.broadcast %mul3A_461 : i32 to vector<16xi32>
    %mul3A_463 = arith.muli %add3A_460, %mul3A_462 : vector<16xi32>
    %shift_right_arithmetic3A_464 = arith.constant 16 : i32
    %shift_right_arithmetic3A_465 = vector.broadcast %shift_right_arithmetic3A_464 : i32 to vector<16xi32>
    %shift_right_arithmetic3A_466 = arith.shrsi %mul3A_463, %shift_right_arithmetic3A_465 : vector<16xi32>
    %mul3A_467 = arith.constant 54 : i32
    %mul3A_468 = vector.broadcast %mul3A_467 : i32 to vector<16xi32>
    %mul3A_469 = arith.muli %shift_right_arithmetic3A_466, %mul3A_468 : vector<16xi32>
    %sub3A_470 = arith.subi %add3A_460, %mul3A_469 : vector<16xi32>
    %mul3A_471 = arith.constant 66 : i32
    %mul3A_472 = vector.broadcast %mul3A_471 : i32 to vector<16xi32>
    %mul3A_473 = arith.muli %shift_right_arithmetic3A_466, %mul3A_472 : vector<16xi32>
    %add3A_474 = arith.constant 6 : i32
    %add3A_475 = vector.broadcast %add3A_474 : i32 to vector<16xi32>
    %add3A_476 = arith.addi %mul3A_473, %add3A_475 : vector<16xi32>
    %add3A_477 = arith.addi %add3A_476, %sub3A_470 : vector<16xi32>
    %add3A_478 = arith.constant 128 : i32
    %add3A_479 = vector.broadcast %add3A_478 : i32 to vector<16xi32>
    %add3A_480 = arith.addi %add3A_479, %iota3A : vector<16xi32>
    %mul3A_481 = arith.constant 1214 : i32
    %mul3A_482 = vector.broadcast %mul3A_481 : i32 to vector<16xi32>
    %mul3A_483 = arith.muli %add3A_480, %mul3A_482 : vector<16xi32>
    %shift_right_arithmetic3A_484 = arith.constant 16 : i32
    %shift_right_arithmetic3A_485 = vector.broadcast %shift_right_arithmetic3A_484 : i32 to vector<16xi32>
    %shift_right_arithmetic3A_486 = arith.shrsi %mul3A_483, %shift_right_arithmetic3A_485 : vector<16xi32>
    %mul3A_487 = arith.constant 54 : i32
    %mul3A_488 = vector.broadcast %mul3A_487 : i32 to vector<16xi32>
    %mul3A_489 = arith.muli %shift_right_arithmetic3A_486, %mul3A_488 : vector<16xi32>
    %sub3A_490 = arith.subi %add3A_480, %mul3A_489 : vector<16xi32>
    %mul3A_491 = arith.constant 66 : i32
    %mul3A_492 = vector.broadcast %mul3A_491 : i32 to vector<16xi32>
    %mul3A_493 = arith.muli %shift_right_arithmetic3A_486, %mul3A_492 : vector<16xi32>
    %add3A_494 = arith.constant 6 : i32
    %add3A_495 = vector.broadcast %add3A_494 : i32 to vector<16xi32>
    %add3A_496 = arith.addi %mul3A_493, %add3A_495 : vector<16xi32>
    %add3A_497 = arith.addi %add3A_496, %sub3A_490 : vector<16xi32>
    %add3A_498 = arith.constant 144 : i32
    %add3A_499 = vector.broadcast %add3A_498 : i32 to vector<16xi32>
    %add3A_500 = arith.addi %add3A_499, %iota3A : vector<16xi32>
    %mul3A_501 = arith.constant 1214 : i32
    %mul3A_502 = vector.broadcast %mul3A_501 : i32 to vector<16xi32>
    %mul3A_503 = arith.muli %add3A_500, %mul3A_502 : vector<16xi32>
    %shift_right_arithmetic3A_504 = arith.constant 16 : i32
    %shift_right_arithmetic3A_505 = vector.broadcast %shift_right_arithmetic3A_504 : i32 to vector<16xi32>
    %shift_right_arithmetic3A_506 = arith.shrsi %mul3A_503, %shift_right_arithmetic3A_505 : vector<16xi32>
    %mul3A_507 = arith.constant 54 : i32
    %mul3A_508 = vector.broadcast %mul3A_507 : i32 to vector<16xi32>
    %mul3A_509 = arith.muli %shift_right_arithmetic3A_506, %mul3A_508 : vector<16xi32>
    %sub3A_510 = arith.subi %add3A_500, %mul3A_509 : vector<16xi32>
    %mul3A_511 = arith.constant 66 : i32
    %mul3A_512 = vector.broadcast %mul3A_511 : i32 to vector<16xi32>
    %mul3A_513 = arith.muli %shift_right_arithmetic3A_506, %mul3A_512 : vector<16xi32>
    %add3A_514 = arith.constant 6 : i32
    %add3A_515 = vector.broadcast %add3A_514 : i32 to vector<16xi32>
    %add3A_516 = arith.addi %mul3A_513, %add3A_515 : vector<16xi32>
    %add3A_517 = arith.addi %add3A_516, %sub3A_510 : vector<16xi32>
    %add3A_518 = arith.constant 160 : i32
    %add3A_519 = vector.broadcast %add3A_518 : i32 to vector<16xi32>
    %add3A_520 = arith.addi %add3A_519, %iota3A : vector<16xi32>
    %mul3A_521 = arith.constant 1214 : i32
    %mul3A_522 = vector.broadcast %mul3A_521 : i32 to vector<16xi32>
    %mul3A_523 = arith.muli %add3A_520, %mul3A_522 : vector<16xi32>
    %shift_right_arithmetic3A_524 = arith.constant 16 : i32
    %shift_right_arithmetic3A_525 = vector.broadcast %shift_right_arithmetic3A_524 : i32 to vector<16xi32>
    %shift_right_arithmetic3A_526 = arith.shrsi %mul3A_523, %shift_right_arithmetic3A_525 : vector<16xi32>
    %mul3A_527 = arith.constant 54 : i32
    %mul3A_528 = vector.broadcast %mul3A_527 : i32 to vector<16xi32>
    %mul3A_529 = arith.muli %shift_right_arithmetic3A_526, %mul3A_528 : vector<16xi32>
    %sub3A_530 = arith.subi %add3A_520, %mul3A_529 : vector<16xi32>
    %mul3A_531 = arith.constant 66 : i32
    %mul3A_532 = vector.broadcast %mul3A_531 : i32 to vector<16xi32>
    %mul3A_533 = arith.muli %shift_right_arithmetic3A_526, %mul3A_532 : vector<16xi32>
    %add3A_534 = arith.constant 6 : i32
    %add3A_535 = vector.broadcast %add3A_534 : i32 to vector<16xi32>
    %add3A_536 = arith.addi %mul3A_533, %add3A_535 : vector<16xi32>
    %add3A_537 = arith.addi %add3A_536, %sub3A_530 : vector<16xi32>
    %add3A_538 = arith.constant 176 : i32
    %add3A_539 = vector.broadcast %add3A_538 : i32 to vector<16xi32>
    %add3A_540 = arith.addi %add3A_539, %iota3A : vector<16xi32>
    %mul3A_541 = arith.constant 1214 : i32
    %mul3A_542 = vector.broadcast %mul3A_541 : i32 to vector<16xi32>
    %mul3A_543 = arith.muli %add3A_540, %mul3A_542 : vector<16xi32>
    %shift_right_arithmetic3A_544 = arith.constant 16 : i32
    %shift_right_arithmetic3A_545 = vector.broadcast %shift_right_arithmetic3A_544 : i32 to vector<16xi32>
    %shift_right_arithmetic3A_546 = arith.shrsi %mul3A_543, %shift_right_arithmetic3A_545 : vector<16xi32>
    %mul3A_547 = arith.constant 54 : i32
    %mul3A_548 = vector.broadcast %mul3A_547 : i32 to vector<16xi32>
    %mul3A_549 = arith.muli %shift_right_arithmetic3A_546, %mul3A_548 : vector<16xi32>
    %sub3A_550 = arith.subi %add3A_540, %mul3A_549 : vector<16xi32>
    %mul3A_551 = arith.constant 66 : i32
    %mul3A_552 = vector.broadcast %mul3A_551 : i32 to vector<16xi32>
    %mul3A_553 = arith.muli %shift_right_arithmetic3A_546, %mul3A_552 : vector<16xi32>
    %add3A_554 = arith.constant 6 : i32
    %add3A_555 = vector.broadcast %add3A_554 : i32 to vector<16xi32>
    %add3A_556 = arith.addi %mul3A_553, %add3A_555 : vector<16xi32>
    %add3A_557 = arith.addi %add3A_556, %sub3A_550 : vector<16xi32>
    %add3A_558 = arith.constant 192 : i32
    %add3A_559 = vector.broadcast %add3A_558 : i32 to vector<16xi32>
    %add3A_560 = arith.addi %add3A_559, %iota3A : vector<16xi32>
    %mul3A_561 = arith.constant 1214 : i32
    %mul3A_562 = vector.broadcast %mul3A_561 : i32 to vector<16xi32>
    %mul3A_563 = arith.muli %add3A_560, %mul3A_562 : vector<16xi32>
    %shift_right_arithmetic3A_564 = arith.constant 16 : i32
    %shift_right_arithmetic3A_565 = vector.broadcast %shift_right_arithmetic3A_564 : i32 to vector<16xi32>
    %shift_right_arithmetic3A_566 = arith.shrsi %mul3A_563, %shift_right_arithmetic3A_565 : vector<16xi32>
    %mul3A_567 = arith.constant 54 : i32
    %mul3A_568 = vector.broadcast %mul3A_567 : i32 to vector<16xi32>
    %mul3A_569 = arith.muli %shift_right_arithmetic3A_566, %mul3A_568 : vector<16xi32>
    %sub3A_570 = arith.subi %add3A_560, %mul3A_569 : vector<16xi32>
    %mul3A_571 = arith.constant 66 : i32
    %mul3A_572 = vector.broadcast %mul3A_571 : i32 to vector<16xi32>
    %mul3A_573 = arith.muli %shift_right_arithmetic3A_566, %mul3A_572 : vector<16xi32>
    %add3A_574 = arith.constant 6 : i32
    %add3A_575 = vector.broadcast %add3A_574 : i32 to vector<16xi32>
    %add3A_576 = arith.addi %mul3A_573, %add3A_575 : vector<16xi32>
    %add3A_577 = arith.addi %add3A_576, %sub3A_570 : vector<16xi32>
    %add3A_578 = arith.constant 208 : i32
    %add3A_579 = vector.broadcast %add3A_578 : i32 to vector<16xi32>
    %add3A_580 = arith.addi %add3A_579, %iota3A : vector<16xi32>
    %mul3A_581 = arith.constant 1214 : i32
    %mul3A_582 = vector.broadcast %mul3A_581 : i32 to vector<16xi32>
    %mul3A_583 = arith.muli %add3A_580, %mul3A_582 : vector<16xi32>
    %shift_right_arithmetic3A_584 = arith.constant 16 : i32
    %shift_right_arithmetic3A_585 = vector.broadcast %shift_right_arithmetic3A_584 : i32 to vector<16xi32>
    %shift_right_arithmetic3A_586 = arith.shrsi %mul3A_583, %shift_right_arithmetic3A_585 : vector<16xi32>
    %mul3A_587 = arith.constant 54 : i32
    %mul3A_588 = vector.broadcast %mul3A_587 : i32 to vector<16xi32>
    %mul3A_589 = arith.muli %shift_right_arithmetic3A_586, %mul3A_588 : vector<16xi32>
    %sub3A_590 = arith.subi %add3A_580, %mul3A_589 : vector<16xi32>
    %mul3A_591 = arith.constant 66 : i32
    %mul3A_592 = vector.broadcast %mul3A_591 : i32 to vector<16xi32>
    %mul3A_593 = arith.muli %shift_right_arithmetic3A_586, %mul3A_592 : vector<16xi32>
    %add3A_594 = arith.constant 6 : i32
    %add3A_595 = vector.broadcast %add3A_594 : i32 to vector<16xi32>
    %add3A_596 = arith.addi %mul3A_593, %add3A_595 : vector<16xi32>
    %add3A_597 = arith.addi %add3A_596, %sub3A_590 : vector<16xi32>
    %add3A_598 = arith.constant 224 : i32
    %add3A_599 = vector.broadcast %add3A_598 : i32 to vector<16xi32>
    %add3A_600 = arith.addi %add3A_599, %iota3A : vector<16xi32>
    %mul3A_601 = arith.constant 1214 : i32
    %mul3A_602 = vector.broadcast %mul3A_601 : i32 to vector<16xi32>
    %mul3A_603 = arith.muli %add3A_600, %mul3A_602 : vector<16xi32>
    %shift_right_arithmetic3A_604 = arith.constant 16 : i32
    %shift_right_arithmetic3A_605 = vector.broadcast %shift_right_arithmetic3A_604 : i32 to vector<16xi32>
    %shift_right_arithmetic3A_606 = arith.shrsi %mul3A_603, %shift_right_arithmetic3A_605 : vector<16xi32>
    %mul3A_607 = arith.constant 54 : i32
    %mul3A_608 = vector.broadcast %mul3A_607 : i32 to vector<16xi32>
    %mul3A_609 = arith.muli %shift_right_arithmetic3A_606, %mul3A_608 : vector<16xi32>
    %sub3A_610 = arith.subi %add3A_600, %mul3A_609 : vector<16xi32>
    %mul3A_611 = arith.constant 66 : i32
    %mul3A_612 = vector.broadcast %mul3A_611 : i32 to vector<16xi32>
    %mul3A_613 = arith.muli %shift_right_arithmetic3A_606, %mul3A_612 : vector<16xi32>
    %add3A_614 = arith.constant 6 : i32
    %add3A_615 = vector.broadcast %add3A_614 : i32 to vector<16xi32>
    %add3A_616 = arith.addi %mul3A_613, %add3A_615 : vector<16xi32>
    %add3A_617 = arith.addi %add3A_616, %sub3A_610 : vector<16xi32>
    %add3A_618 = arith.constant 240 : i32
    %add3A_619 = vector.broadcast %add3A_618 : i32 to vector<16xi32>
    %add3A_620 = arith.addi %add3A_619, %iota3A : vector<16xi32>
    %mul3A_621 = arith.constant 1214 : i32
    %mul3A_622 = vector.broadcast %mul3A_621 : i32 to vector<16xi32>
    %mul3A_623 = arith.muli %add3A_620, %mul3A_622 : vector<16xi32>
    %shift_right_arithmetic3A_624 = arith.constant 16 : i32
    %shift_right_arithmetic3A_625 = vector.broadcast %shift_right_arithmetic3A_624 : i32 to vector<16xi32>
    %shift_right_arithmetic3A_626 = arith.shrsi %mul3A_623, %shift_right_arithmetic3A_625 : vector<16xi32>
    %mul3A_627 = arith.constant 54 : i32
    %mul3A_628 = vector.broadcast %mul3A_627 : i32 to vector<16xi32>
    %mul3A_629 = arith.muli %shift_right_arithmetic3A_626, %mul3A_628 : vector<16xi32>
    %sub3A_630 = arith.subi %add3A_620, %mul3A_629 : vector<16xi32>
    %mul3A_631 = arith.constant 66 : i32
    %mul3A_632 = vector.broadcast %mul3A_631 : i32 to vector<16xi32>
    %mul3A_633 = arith.muli %shift_right_arithmetic3A_626, %mul3A_632 : vector<16xi32>
    %add3A_634 = arith.constant 6 : i32
    %add3A_635 = vector.broadcast %add3A_634 : i32 to vector<16xi32>
    %add3A_636 = arith.addi %mul3A_633, %add3A_635 : vector<16xi32>
    %add3A_637 = arith.addi %add3A_636, %sub3A_630 : vector<16xi32>
    %add3A_638 = arith.constant 256 : i32
    %add3A_639 = vector.broadcast %add3A_638 : i32 to vector<16xi32>
    %add3A_640 = arith.addi %add3A_639, %iota3A : vector<16xi32>
    %mul3A_641 = arith.constant 1214 : i32
    %mul3A_642 = vector.broadcast %mul3A_641 : i32 to vector<16xi32>
    %mul3A_643 = arith.muli %add3A_640, %mul3A_642 : vector<16xi32>
    %shift_right_arithmetic3A_644 = arith.constant 16 : i32
    %shift_right_arithmetic3A_645 = vector.broadcast %shift_right_arithmetic3A_644 : i32 to vector<16xi32>
    %shift_right_arithmetic3A_646 = arith.shrsi %mul3A_643, %shift_right_arithmetic3A_645 : vector<16xi32>
    %mul3A_647 = arith.constant 54 : i32
    %mul3A_648 = vector.broadcast %mul3A_647 : i32 to vector<16xi32>
    %mul3A_649 = arith.muli %shift_right_arithmetic3A_646, %mul3A_648 : vector<16xi32>
    %sub3A_650 = arith.subi %add3A_640, %mul3A_649 : vector<16xi32>
    %mul3A_651 = arith.constant 66 : i32
    %mul3A_652 = vector.broadcast %mul3A_651 : i32 to vector<16xi32>
    %mul3A_653 = arith.muli %shift_right_arithmetic3A_646, %mul3A_652 : vector<16xi32>
    %add3A_654 = arith.constant 6 : i32
    %add3A_655 = vector.broadcast %add3A_654 : i32 to vector<16xi32>
    %add3A_656 = arith.addi %mul3A_653, %add3A_655 : vector<16xi32>
    %add3A_657 = arith.addi %add3A_656, %sub3A_650 : vector<16xi32>
    %add3A_658 = arith.constant 272 : i32
    %add3A_659 = vector.broadcast %add3A_658 : i32 to vector<16xi32>
    %add3A_660 = arith.addi %add3A_659, %iota3A : vector<16xi32>
    %mul3A_661 = arith.constant 1214 : i32
    %mul3A_662 = vector.broadcast %mul3A_661 : i32 to vector<16xi32>
    %mul3A_663 = arith.muli %add3A_660, %mul3A_662 : vector<16xi32>
    %shift_right_arithmetic3A_664 = arith.constant 16 : i32
    %shift_right_arithmetic3A_665 = vector.broadcast %shift_right_arithmetic3A_664 : i32 to vector<16xi32>
    %shift_right_arithmetic3A_666 = arith.shrsi %mul3A_663, %shift_right_arithmetic3A_665 : vector<16xi32>
    %mul3A_667 = arith.constant 54 : i32
    %mul3A_668 = vector.broadcast %mul3A_667 : i32 to vector<16xi32>
    %mul3A_669 = arith.muli %shift_right_arithmetic3A_666, %mul3A_668 : vector<16xi32>
    %sub3A_670 = arith.subi %add3A_660, %mul3A_669 : vector<16xi32>
    %mul3A_671 = arith.constant 66 : i32
    %mul3A_672 = vector.broadcast %mul3A_671 : i32 to vector<16xi32>
    %mul3A_673 = arith.muli %shift_right_arithmetic3A_666, %mul3A_672 : vector<16xi32>
    %add3A_674 = arith.constant 6 : i32
    %add3A_675 = vector.broadcast %add3A_674 : i32 to vector<16xi32>
    %add3A_676 = arith.addi %mul3A_673, %add3A_675 : vector<16xi32>
    %add3A_677 = arith.addi %add3A_676, %sub3A_670 : vector<16xi32>
    %add3A_678 = arith.constant 288 : i32
    %add3A_679 = vector.broadcast %add3A_678 : i32 to vector<16xi32>
    %add3A_680 = arith.addi %add3A_679, %iota3A : vector<16xi32>
    %mul3A_681 = arith.constant 1214 : i32
    %mul3A_682 = vector.broadcast %mul3A_681 : i32 to vector<16xi32>
    %mul3A_683 = arith.muli %add3A_680, %mul3A_682 : vector<16xi32>
    %shift_right_arithmetic3A_684 = arith.constant 16 : i32
    %shift_right_arithmetic3A_685 = vector.broadcast %shift_right_arithmetic3A_684 : i32 to vector<16xi32>
    %shift_right_arithmetic3A_686 = arith.shrsi %mul3A_683, %shift_right_arithmetic3A_685 : vector<16xi32>
    %mul3A_687 = arith.constant 54 : i32
    %mul3A_688 = vector.broadcast %mul3A_687 : i32 to vector<16xi32>
    %mul3A_689 = arith.muli %shift_right_arithmetic3A_686, %mul3A_688 : vector<16xi32>
    %sub3A_690 = arith.subi %add3A_680, %mul3A_689 : vector<16xi32>
    %mul3A_691 = arith.constant 66 : i32
    %mul3A_692 = vector.broadcast %mul3A_691 : i32 to vector<16xi32>
    %mul3A_693 = arith.muli %shift_right_arithmetic3A_686, %mul3A_692 : vector<16xi32>
    %add3A_694 = arith.constant 6 : i32
    %add3A_695 = vector.broadcast %add3A_694 : i32 to vector<16xi32>
    %add3A_696 = arith.addi %mul3A_693, %add3A_695 : vector<16xi32>
    %add3A_697 = arith.addi %add3A_696, %sub3A_690 : vector<16xi32>
    %add3A_698 = arith.constant 304 : i32
    %add3A_699 = vector.broadcast %add3A_698 : i32 to vector<16xi32>
    %add3A_700 = arith.addi %add3A_699, %iota3A : vector<16xi32>
    %mul3A_701 = arith.constant 1214 : i32
    %mul3A_702 = vector.broadcast %mul3A_701 : i32 to vector<16xi32>
    %mul3A_703 = arith.muli %add3A_700, %mul3A_702 : vector<16xi32>
    %shift_right_arithmetic3A_704 = arith.constant 16 : i32
    %shift_right_arithmetic3A_705 = vector.broadcast %shift_right_arithmetic3A_704 : i32 to vector<16xi32>
    %shift_right_arithmetic3A_706 = arith.shrsi %mul3A_703, %shift_right_arithmetic3A_705 : vector<16xi32>
    %mul3A_707 = arith.constant 54 : i32
    %mul3A_708 = vector.broadcast %mul3A_707 : i32 to vector<16xi32>
    %mul3A_709 = arith.muli %shift_right_arithmetic3A_706, %mul3A_708 : vector<16xi32>
    %sub3A_710 = arith.subi %add3A_700, %mul3A_709 : vector<16xi32>
    %mul3A_711 = arith.constant 66 : i32
    %mul3A_712 = vector.broadcast %mul3A_711 : i32 to vector<16xi32>
    %mul3A_713 = arith.muli %shift_right_arithmetic3A_706, %mul3A_712 : vector<16xi32>
    %add3A_714 = arith.constant 6 : i32
    %add3A_715 = vector.broadcast %add3A_714 : i32 to vector<16xi32>
    %add3A_716 = arith.addi %mul3A_713, %add3A_715 : vector<16xi32>
    %add3A_717 = arith.addi %add3A_716, %sub3A_710 : vector<16xi32>
    %add3A_718 = arith.constant 320 : i32
    %add3A_719 = vector.broadcast %add3A_718 : i32 to vector<16xi32>
    %add3A_720 = arith.addi %add3A_719, %iota3A : vector<16xi32>
    %mul3A_721 = arith.constant 1214 : i32
    %mul3A_722 = vector.broadcast %mul3A_721 : i32 to vector<16xi32>
    %mul3A_723 = arith.muli %add3A_720, %mul3A_722 : vector<16xi32>
    %shift_right_arithmetic3A_724 = arith.constant 16 : i32
    %shift_right_arithmetic3A_725 = vector.broadcast %shift_right_arithmetic3A_724 : i32 to vector<16xi32>
    %shift_right_arithmetic3A_726 = arith.shrsi %mul3A_723, %shift_right_arithmetic3A_725 : vector<16xi32>
    %mul3A_727 = arith.constant 54 : i32
    %mul3A_728 = vector.broadcast %mul3A_727 : i32 to vector<16xi32>
    %mul3A_729 = arith.muli %shift_right_arithmetic3A_726, %mul3A_728 : vector<16xi32>
    %sub3A_730 = arith.subi %add3A_720, %mul3A_729 : vector<16xi32>
    %mul3A_731 = arith.constant 66 : i32
    %mul3A_732 = vector.broadcast %mul3A_731 : i32 to vector<16xi32>
    %mul3A_733 = arith.muli %shift_right_arithmetic3A_726, %mul3A_732 : vector<16xi32>
    %add3A_734 = arith.constant 6 : i32
    %add3A_735 = vector.broadcast %add3A_734 : i32 to vector<16xi32>
    %add3A_736 = arith.addi %mul3A_733, %add3A_735 : vector<16xi32>
    %add3A_737 = arith.addi %add3A_736, %sub3A_730 : vector<16xi32>
    %add3A_738 = arith.constant 336 : i32
    %add3A_739 = vector.broadcast %add3A_738 : i32 to vector<16xi32>
    %add3A_740 = arith.addi %add3A_739, %iota3A : vector<16xi32>
    %mul3A_741 = arith.constant 1214 : i32
    %mul3A_742 = vector.broadcast %mul3A_741 : i32 to vector<16xi32>
    %mul3A_743 = arith.muli %add3A_740, %mul3A_742 : vector<16xi32>
    %shift_right_arithmetic3A_744 = arith.constant 16 : i32
    %shift_right_arithmetic3A_745 = vector.broadcast %shift_right_arithmetic3A_744 : i32 to vector<16xi32>
    %shift_right_arithmetic3A_746 = arith.shrsi %mul3A_743, %shift_right_arithmetic3A_745 : vector<16xi32>
    %mul3A_747 = arith.constant 54 : i32
    %mul3A_748 = vector.broadcast %mul3A_747 : i32 to vector<16xi32>
    %mul3A_749 = arith.muli %shift_right_arithmetic3A_746, %mul3A_748 : vector<16xi32>
    %sub3A_750 = arith.subi %add3A_740, %mul3A_749 : vector<16xi32>
    %mul3A_751 = arith.constant 66 : i32
    %mul3A_752 = vector.broadcast %mul3A_751 : i32 to vector<16xi32>
    %mul3A_753 = arith.muli %shift_right_arithmetic3A_746, %mul3A_752 : vector<16xi32>
    %add3A_754 = arith.constant 6 : i32
    %add3A_755 = vector.broadcast %add3A_754 : i32 to vector<16xi32>
    %add3A_756 = arith.addi %mul3A_753, %add3A_755 : vector<16xi32>
    %add3A_757 = arith.addi %add3A_756, %sub3A_750 : vector<16xi32>
    %add3A_758 = arith.constant 352 : i32
    %add3A_759 = vector.broadcast %add3A_758 : i32 to vector<16xi32>
    %add3A_760 = arith.addi %add3A_759, %iota3A : vector<16xi32>
    %mul3A_761 = arith.constant 1214 : i32
    %mul3A_762 = vector.broadcast %mul3A_761 : i32 to vector<16xi32>
    %mul3A_763 = arith.muli %add3A_760, %mul3A_762 : vector<16xi32>
    %shift_right_arithmetic3A_764 = arith.constant 16 : i32
    %shift_right_arithmetic3A_765 = vector.broadcast %shift_right_arithmetic3A_764 : i32 to vector<16xi32>
    %shift_right_arithmetic3A_766 = arith.shrsi %mul3A_763, %shift_right_arithmetic3A_765 : vector<16xi32>
    %mul3A_767 = arith.constant 54 : i32
    %mul3A_768 = vector.broadcast %mul3A_767 : i32 to vector<16xi32>
    %mul3A_769 = arith.muli %shift_right_arithmetic3A_766, %mul3A_768 : vector<16xi32>
    %sub3A_770 = arith.subi %add3A_760, %mul3A_769 : vector<16xi32>
    %mul3A_771 = arith.constant 66 : i32
    %mul3A_772 = vector.broadcast %mul3A_771 : i32 to vector<16xi32>
    %mul3A_773 = arith.muli %shift_right_arithmetic3A_766, %mul3A_772 : vector<16xi32>
    %add3A_774 = arith.constant 6 : i32
    %add3A_775 = vector.broadcast %add3A_774 : i32 to vector<16xi32>
    %add3A_776 = arith.addi %mul3A_773, %add3A_775 : vector<16xi32>
    %add3A_777 = arith.addi %add3A_776, %sub3A_770 : vector<16xi32>
    %add3A_778 = arith.constant 368 : i32
    %add3A_779 = vector.broadcast %add3A_778 : i32 to vector<16xi32>
    %add3A_780 = arith.addi %add3A_779, %iota3A : vector<16xi32>
    %mul3A_781 = arith.constant 1214 : i32
    %mul3A_782 = vector.broadcast %mul3A_781 : i32 to vector<16xi32>
    %mul3A_783 = arith.muli %add3A_780, %mul3A_782 : vector<16xi32>
    %shift_right_arithmetic3A_784 = arith.constant 16 : i32
    %shift_right_arithmetic3A_785 = vector.broadcast %shift_right_arithmetic3A_784 : i32 to vector<16xi32>
    %shift_right_arithmetic3A_786 = arith.shrsi %mul3A_783, %shift_right_arithmetic3A_785 : vector<16xi32>
    %mul3A_787 = arith.constant 54 : i32
    %mul3A_788 = vector.broadcast %mul3A_787 : i32 to vector<16xi32>
    %mul3A_789 = arith.muli %shift_right_arithmetic3A_786, %mul3A_788 : vector<16xi32>
    %sub3A_790 = arith.subi %add3A_780, %mul3A_789 : vector<16xi32>
    %mul3A_791 = arith.constant 66 : i32
    %mul3A_792 = vector.broadcast %mul3A_791 : i32 to vector<16xi32>
    %mul3A_793 = arith.muli %shift_right_arithmetic3A_786, %mul3A_792 : vector<16xi32>
    %add3A_794 = arith.constant 6 : i32
    %add3A_795 = vector.broadcast %add3A_794 : i32 to vector<16xi32>
    %add3A_796 = arith.addi %mul3A_793, %add3A_795 : vector<16xi32>
    %add3A_797 = arith.addi %add3A_796, %sub3A_790 : vector<16xi32>
    %add3A_798 = arith.constant 384 : i32
    %add3A_799 = vector.broadcast %add3A_798 : i32 to vector<16xi32>
    %add3A_800 = arith.addi %add3A_799, %iota3A : vector<16xi32>
    %mul3A_801 = arith.constant 1214 : i32
    %mul3A_802 = vector.broadcast %mul3A_801 : i32 to vector<16xi32>
    %mul3A_803 = arith.muli %add3A_800, %mul3A_802 : vector<16xi32>
    %shift_right_arithmetic3A_804 = arith.constant 16 : i32
    %shift_right_arithmetic3A_805 = vector.broadcast %shift_right_arithmetic3A_804 : i32 to vector<16xi32>
    %shift_right_arithmetic3A_806 = arith.shrsi %mul3A_803, %shift_right_arithmetic3A_805 : vector<16xi32>
    %mul3A_807 = arith.constant 54 : i32
    %mul3A_808 = vector.broadcast %mul3A_807 : i32 to vector<16xi32>
    %mul3A_809 = arith.muli %shift_right_arithmetic3A_806, %mul3A_808 : vector<16xi32>
    %sub3A_810 = arith.subi %add3A_800, %mul3A_809 : vector<16xi32>
    %mul3A_811 = arith.constant 66 : i32
    %mul3A_812 = vector.broadcast %mul3A_811 : i32 to vector<16xi32>
    %mul3A_813 = arith.muli %shift_right_arithmetic3A_806, %mul3A_812 : vector<16xi32>
    %add3A_814 = arith.constant 6 : i32
    %add3A_815 = vector.broadcast %add3A_814 : i32 to vector<16xi32>
    %add3A_816 = arith.addi %mul3A_813, %add3A_815 : vector<16xi32>
    %add3A_817 = arith.addi %add3A_816, %sub3A_810 : vector<16xi32>
    %add3A_818 = arith.constant 400 : i32
    %add3A_819 = vector.broadcast %add3A_818 : i32 to vector<16xi32>
    %add3A_820 = arith.addi %add3A_819, %iota3A : vector<16xi32>
    %mul3A_821 = arith.constant 1214 : i32
    %mul3A_822 = vector.broadcast %mul3A_821 : i32 to vector<16xi32>
    %mul3A_823 = arith.muli %add3A_820, %mul3A_822 : vector<16xi32>
    %shift_right_arithmetic3A_824 = arith.constant 16 : i32
    %shift_right_arithmetic3A_825 = vector.broadcast %shift_right_arithmetic3A_824 : i32 to vector<16xi32>
    %shift_right_arithmetic3A_826 = arith.shrsi %mul3A_823, %shift_right_arithmetic3A_825 : vector<16xi32>
    %mul3A_827 = arith.constant 54 : i32
    %mul3A_828 = vector.broadcast %mul3A_827 : i32 to vector<16xi32>
    %mul3A_829 = arith.muli %shift_right_arithmetic3A_826, %mul3A_828 : vector<16xi32>
    %sub3A_830 = arith.subi %add3A_820, %mul3A_829 : vector<16xi32>
    %mul3A_831 = arith.constant 66 : i32
    %mul3A_832 = vector.broadcast %mul3A_831 : i32 to vector<16xi32>
    %mul3A_833 = arith.muli %shift_right_arithmetic3A_826, %mul3A_832 : vector<16xi32>
    %add3A_834 = arith.constant 6 : i32
    %add3A_835 = vector.broadcast %add3A_834 : i32 to vector<16xi32>
    %add3A_836 = arith.addi %mul3A_833, %add3A_835 : vector<16xi32>
    %add3A_837 = arith.addi %add3A_836, %sub3A_830 : vector<16xi32>
    %add3A_838 = arith.constant 416 : i32
    %add3A_839 = vector.broadcast %add3A_838 : i32 to vector<16xi32>
    %add3A_840 = arith.addi %add3A_839, %iota3A : vector<16xi32>
    %mul3A_841 = arith.constant 1214 : i32
    %mul3A_842 = vector.broadcast %mul3A_841 : i32 to vector<16xi32>
    %mul3A_843 = arith.muli %add3A_840, %mul3A_842 : vector<16xi32>
    %shift_right_arithmetic3A_844 = arith.constant 16 : i32
    %shift_right_arithmetic3A_845 = vector.broadcast %shift_right_arithmetic3A_844 : i32 to vector<16xi32>
    %shift_right_arithmetic3A_846 = arith.shrsi %mul3A_843, %shift_right_arithmetic3A_845 : vector<16xi32>
    %mul3A_847 = arith.constant 54 : i32
    %mul3A_848 = vector.broadcast %mul3A_847 : i32 to vector<16xi32>
    %mul3A_849 = arith.muli %shift_right_arithmetic3A_846, %mul3A_848 : vector<16xi32>
    %sub3A_850 = arith.subi %add3A_840, %mul3A_849 : vector<16xi32>
    %mul3A_851 = arith.constant 66 : i32
    %mul3A_852 = vector.broadcast %mul3A_851 : i32 to vector<16xi32>
    %mul3A_853 = arith.muli %shift_right_arithmetic3A_846, %mul3A_852 : vector<16xi32>
    %add3A_854 = arith.constant 6 : i32
    %add3A_855 = vector.broadcast %add3A_854 : i32 to vector<16xi32>
    %add3A_856 = arith.addi %mul3A_853, %add3A_855 : vector<16xi32>
    %add3A_857 = arith.addi %add3A_856, %sub3A_850 : vector<16xi32>
    %add3A_858 = arith.constant 0 : i32
    %add3A_859 = vector.broadcast %add3A_858 : i32 to vector<16xi32>
    %add3A_860 = arith.addi %add3A_859, %iota3A : vector<16xi32>
    %mul3A_861 = arith.constant 10923 : i32
    %mul3A_862 = vector.broadcast %mul3A_861 : i32 to vector<16xi32>
    %mul3A_863 = arith.muli %add3A_860, %mul3A_862 : vector<16xi32>
    %shift_right_arithmetic3A_864 = arith.constant 16 : i32
    %shift_right_arithmetic3A_865 = vector.broadcast %shift_right_arithmetic3A_864 : i32 to vector<16xi32>
    %shift_right_arithmetic3A_866 = arith.shrsi %mul3A_863, %shift_right_arithmetic3A_865 : vector<16xi32>
    %mul3A_867 = arith.constant 6 : i32
    %mul3A_868 = vector.broadcast %mul3A_867 : i32 to vector<16xi32>
    %mul3A_869 = arith.muli %shift_right_arithmetic3A_866, %mul3A_868 : vector<16xi32>
    %sub3A_870 = arith.subi %add3A_860, %mul3A_869 : vector<16xi32>
    %mul3A_871 = arith.constant 66 : i32
    %mul3A_872 = vector.broadcast %mul3A_871 : i32 to vector<16xi32>
    %mul3A_873 = arith.muli %shift_right_arithmetic3A_866, %mul3A_872 : vector<16xi32>
    %add3A_874 = arith.constant 60 : i32
    %add3A_875 = vector.broadcast %add3A_874 : i32 to vector<16xi32>
    %add3A_876 = arith.addi %mul3A_873, %add3A_875 : vector<16xi32>
    %add3A_877 = arith.addi %add3A_876, %sub3A_870 : vector<16xi32>
    %add3A_878 = arith.constant 16 : i32
    %add3A_879 = vector.broadcast %add3A_878 : i32 to vector<16xi32>
    %add3A_880 = arith.addi %add3A_879, %iota3A : vector<16xi32>
    %mul3A_881 = arith.constant 10923 : i32
    %mul3A_882 = vector.broadcast %mul3A_881 : i32 to vector<16xi32>
    %mul3A_883 = arith.muli %add3A_880, %mul3A_882 : vector<16xi32>
    %shift_right_arithmetic3A_884 = arith.constant 16 : i32
    %shift_right_arithmetic3A_885 = vector.broadcast %shift_right_arithmetic3A_884 : i32 to vector<16xi32>
    %shift_right_arithmetic3A_886 = arith.shrsi %mul3A_883, %shift_right_arithmetic3A_885 : vector<16xi32>
    %mul3A_887 = arith.constant 6 : i32
    %mul3A_888 = vector.broadcast %mul3A_887 : i32 to vector<16xi32>
    %mul3A_889 = arith.muli %shift_right_arithmetic3A_886, %mul3A_888 : vector<16xi32>
    %sub3A_890 = arith.subi %add3A_880, %mul3A_889 : vector<16xi32>
    %mul3A_891 = arith.constant 66 : i32
    %mul3A_892 = vector.broadcast %mul3A_891 : i32 to vector<16xi32>
    %mul3A_893 = arith.muli %shift_right_arithmetic3A_886, %mul3A_892 : vector<16xi32>
    %add3A_894 = arith.constant 60 : i32
    %add3A_895 = vector.broadcast %add3A_894 : i32 to vector<16xi32>
    %add3A_896 = arith.addi %mul3A_893, %add3A_895 : vector<16xi32>
    %add3A_897 = arith.addi %add3A_896, %sub3A_890 : vector<16xi32>
    %add3A_898 = arith.constant 32 : i32
    %add3A_899 = vector.broadcast %add3A_898 : i32 to vector<16xi32>
    %add3A_900 = arith.addi %add3A_899, %iota3A : vector<16xi32>
    %mul3A_901 = arith.constant 10923 : i32
    %mul3A_902 = vector.broadcast %mul3A_901 : i32 to vector<16xi32>
    %mul3A_903 = arith.muli %add3A_900, %mul3A_902 : vector<16xi32>
    %shift_right_arithmetic3A_904 = arith.constant 16 : i32
    %shift_right_arithmetic3A_905 = vector.broadcast %shift_right_arithmetic3A_904 : i32 to vector<16xi32>
    %shift_right_arithmetic3A_906 = arith.shrsi %mul3A_903, %shift_right_arithmetic3A_905 : vector<16xi32>
    %mul3A_907 = arith.constant 6 : i32
    %mul3A_908 = vector.broadcast %mul3A_907 : i32 to vector<16xi32>
    %mul3A_909 = arith.muli %shift_right_arithmetic3A_906, %mul3A_908 : vector<16xi32>
    %sub3A_910 = arith.subi %add3A_900, %mul3A_909 : vector<16xi32>
    %mul3A_911 = arith.constant 66 : i32
    %mul3A_912 = vector.broadcast %mul3A_911 : i32 to vector<16xi32>
    %mul3A_913 = arith.muli %shift_right_arithmetic3A_906, %mul3A_912 : vector<16xi32>
    %add3A_914 = arith.constant 60 : i32
    %add3A_915 = vector.broadcast %add3A_914 : i32 to vector<16xi32>
    %add3A_916 = arith.addi %mul3A_913, %add3A_915 : vector<16xi32>
    %add3A_917 = arith.addi %add3A_916, %sub3A_910 : vector<16xi32>
    %scan3A = arith.constant 0 : i32
    %scan3A_918 = arith.constant 0 : i32
    %scan3A_919 = arith.constant 64 : i32
    %scan3A_920 = arith.addi %scan3A_918, %scan3A_919 : i32
    %scan3A_921 = arith.constant 1 : i32
    scf.for %scan3A_925 = %scan3A_918 to %scan3A_920 step %scan3A_921  : i32 {
      %mul3A_926 = arith.constant 8 : i32
      %mul3A_927 = arith.muli %scan3A_925, %mul3A_926 : i32
      %mul3A_928 = arith.constant 66 : i32
      %mul3A_929 = arith.muli %mul3A_927, %mul3A_928 : i32
      %add3A_930 = vector.broadcast %mul3A_927 : i32 to vector<16xi32>
      %add3A_931 = arith.addi %add3A_930, %shift_right_arithmetic3A_267 : vector<16xi32>
      %gather3A = tpu.vector_load_idx %arg12[%add3A_931, %sub3A] : memref<512x8xf32, #tpu.memory_space<vmem>>[vector<16xi32>, vector<16xi32>], vector<16xf32>,
      %add3A_932 = vector.broadcast %mul3A_929 : i32 to vector<16xi32>
      %add3A_933 = arith.addi %add3A_932, %add3A_277 : vector<16xi32>
      tpu.vector_store_idx %arg15[%add3A_933], %gather3A : memref<33792xf32, #tpu.memory_space<vmem>>[vector<16xi32>], vector<16xf32>,
      %add3A_934 = vector.broadcast %mul3A_927 : i32 to vector<16xi32>
      %add3A_935 = arith.addi %add3A_934, %shift_right_arithmetic3A_286 : vector<16xi32>
      %gather3A_936 = tpu.vector_load_idx %arg12[%add3A_935, %sub3A_290] : memref<512x8xf32, #tpu.memory_space<vmem>>[vector<16xi32>, vector<16xi32>], vector<16xf32>,
      %add3A_937 = vector.broadcast %mul3A_929 : i32 to vector<16xi32>
      %add3A_938 = arith.addi %add3A_937, %add3A_297 : vector<16xi32>
      tpu.vector_store_idx %arg15[%add3A_938], %gather3A_936 : memref<33792xf32, #tpu.memory_space<vmem>>[vector<16xi32>], vector<16xf32>,
      %add3A_939 = vector.broadcast %mul3A_927 : i32 to vector<16xi32>
      %add3A_940 = arith.addi %add3A_939, %shift_right_arithmetic3A_306 : vector<16xi32>
      %gather3A_941 = tpu.vector_load_idx %arg12[%add3A_940, %sub3A_310] : memref<512x8xf32, #tpu.memory_space<vmem>>[vector<16xi32>, vector<16xi32>], vector<16xf32>,
      %add3A_942 = vector.broadcast %mul3A_929 : i32 to vector<16xi32>
      %add3A_943 = arith.addi %add3A_942, %add3A_317 : vector<16xi32>
      tpu.vector_store_idx %arg15[%add3A_943], %gather3A_941 : memref<33792xf32, #tpu.memory_space<vmem>>[vector<16xi32>], vector<16xf32>,
      %add3A_944 = vector.broadcast %mul3A_927 : i32 to vector<16xi32>
      %add3A_945 = arith.addi %add3A_944, %shift_right_arithmetic3A_326 : vector<16xi32>
      %gather3A_946 = tpu.vector_load_idx %arg13[%add3A_945, %sub3A_330] : memref<512x56xf32, #tpu.memory_space<vmem>>[vector<16xi32>, vector<16xi32>], vector<16xf32>,
      %add3A_947 = vector.broadcast %mul3A_929 : i32 to vector<16xi32>
      %add3A_948 = arith.addi %add3A_947, %add3A_337 : vector<16xi32>
      tpu.vector_store_idx %arg15[%add3A_948], %gather3A_946 : memref<33792xf32, #tpu.memory_space<vmem>>[vector<16xi32>], vector<16xf32>,
      %add3A_949 = vector.broadcast %mul3A_927 : i32 to vector<16xi32>
      %add3A_950 = arith.addi %add3A_949, %shift_right_arithmetic3A_346 : vector<16xi32>
      %gather3A_951 = tpu.vector_load_idx %arg13[%add3A_950, %sub3A_350] : memref<512x56xf32, #tpu.memory_space<vmem>>[vector<16xi32>, vector<16xi32>], vector<16xf32>,
      %add3A_952 = vector.broadcast %mul3A_929 : i32 to vector<16xi32>
      %add3A_953 = arith.addi %add3A_952, %add3A_357 : vector<16xi32>
      tpu.vector_store_idx %arg15[%add3A_953], %gather3A_951 : memref<33792xf32, #tpu.memory_space<vmem>>[vector<16xi32>], vector<16xf32>,
      %add3A_954 = vector.broadcast %mul3A_927 : i32 to vector<16xi32>
      %add3A_955 = arith.addi %add3A_954, %shift_right_arithmetic3A_366 : vector<16xi32>
      %gather3A_956 = tpu.vector_load_idx %arg13[%add3A_955, %sub3A_370] : memref<512x56xf32, #tpu.memory_space<vmem>>[vector<16xi32>, vector<16xi32>], vector<16xf32>,
      %add3A_957 = vector.broadcast %mul3A_929 : i32 to vector<16xi32>
      %add3A_958 = arith.addi %add3A_957, %add3A_377 : vector<16xi32>
      tpu.vector_store_idx %arg15[%add3A_958], %gather3A_956 : memref<33792xf32, #tpu.memory_space<vmem>>[vector<16xi32>], vector<16xf32>,
      %add3A_959 = vector.broadcast %mul3A_927 : i32 to vector<16xi32>
      %add3A_960 = arith.addi %add3A_959, %shift_right_arithmetic3A_386 : vector<16xi32>
      %gather3A_961 = tpu.vector_load_idx %arg13[%add3A_960, %sub3A_390] : memref<512x56xf32, #tpu.memory_space<vmem>>[vector<16xi32>, vector<16xi32>], vector<16xf32>,
      %add3A_962 = vector.broadcast %mul3A_929 : i32 to vector<16xi32>
      %add3A_963 = arith.addi %add3A_962, %add3A_397 : vector<16xi32>
      tpu.vector_store_idx %arg15[%add3A_963], %gather3A_961 : memref<33792xf32, #tpu.memory_space<vmem>>[vector<16xi32>], vector<16xf32>,
      %add3A_964 = vector.broadcast %mul3A_927 : i32 to vector<16xi32>
      %add3A_965 = arith.addi %add3A_964, %shift_right_arithmetic3A_406 : vector<16xi32>
      %gather3A_966 = tpu.vector_load_idx %arg13[%add3A_965, %sub3A_410] : memref<512x56xf32, #tpu.memory_space<vmem>>[vector<16xi32>, vector<16xi32>], vector<16xf32>,
      %add3A_967 = vector.broadcast %mul3A_929 : i32 to vector<16xi32>
      %add3A_968 = arith.addi %add3A_967, %add3A_417 : vector<16xi32>
      tpu.vector_store_idx %arg15[%add3A_968], %gather3A_966 : memref<33792xf32, #tpu.memory_space<vmem>>[vector<16xi32>], vector<16xf32>,
      %add3A_969 = vector.broadcast %mul3A_927 : i32 to vector<16xi32>
      %add3A_970 = arith.addi %add3A_969, %shift_right_arithmetic3A_426 : vector<16xi32>
      %gather3A_971 = tpu.vector_load_idx %arg13[%add3A_970, %sub3A_430] : memref<512x56xf32, #tpu.memory_space<vmem>>[vector<16xi32>, vector<16xi32>], vector<16xf32>,
      %add3A_972 = vector.broadcast %mul3A_929 : i32 to vector<16xi32>
      %add3A_973 = arith.addi %add3A_972, %add3A_437 : vector<16xi32>
      tpu.vector_store_idx %arg15[%add3A_973], %gather3A_971 : memref<33792xf32, #tpu.memory_space<vmem>>[vector<16xi32>], vector<16xf32>,
      %add3A_974 = vector.broadcast %mul3A_927 : i32 to vector<16xi32>
      %add3A_975 = arith.addi %add3A_974, %shift_right_arithmetic3A_446 : vector<16xi32>
      %gather3A_976 = tpu.vector_load_idx %arg13[%add3A_975, %sub3A_450] : memref<512x56xf32, #tpu.memory_space<vmem>>[vector<16xi32>, vector<16xi32>], vector<16xf32>,
      %add3A_977 = vector.broadcast %mul3A_929 : i32 to vector<16xi32>
      %add3A_978 = arith.addi %add3A_977, %add3A_457 : vector<16xi32>
      tpu.vector_store_idx %arg15[%add3A_978], %gather3A_976 : memref<33792xf32, #tpu.memory_space<vmem>>[vector<16xi32>], vector<16xf32>,
      %add3A_979 = vector.broadcast %mul3A_927 : i32 to vector<16xi32>
      %add3A_980 = arith.addi %add3A_979, %shift_right_arithmetic3A_466 : vector<16xi32>
      %gather3A_981 = tpu.vector_load_idx %arg13[%add3A_980, %sub3A_470] : memref<512x56xf32, #tpu.memory_space<vmem>>[vector<16xi32>, vector<16xi32>], vector<16xf32>,
      %add3A_982 = vector.broadcast %mul3A_929 : i32 to vector<16xi32>
      %add3A_983 = arith.addi %add3A_982, %add3A_477 : vector<16xi32>
      tpu.vector_store_idx %arg15[%add3A_983], %gather3A_981 : memref<33792xf32, #tpu.memory_space<vmem>>[vector<16xi32>], vector<16xf32>,
      %add3A_984 = vector.broadcast %mul3A_927 : i32 to vector<16xi32>
      %add3A_985 = arith.addi %add3A_984, %shift_right_arithmetic3A_486 : vector<16xi32>
      %gather3A_986 = tpu.vector_load_idx %arg13[%add3A_985, %sub3A_490] : memref<512x56xf32, #tpu.memory_space<vmem>>[vector<16xi32>, vector<16xi32>], vector<16xf32>,
      %add3A_987 = vector.broadcast %mul3A_929 : i32 to vector<16xi32>
      %add3A_988 = arith.addi %add3A_987, %add3A_497 : vector<16xi32>
      tpu.vector_store_idx %arg15[%add3A_988], %gather3A_986 : memref<33792xf32, #tpu.memory_space<vmem>>[vector<16xi32>], vector<16xf32>,
      %add3A_989 = vector.broadcast %mul3A_927 : i32 to vector<16xi32>
      %add3A_990 = arith.addi %add3A_989, %shift_right_arithmetic3A_506 : vector<16xi32>
      %gather3A_991 = tpu.vector_load_idx %arg13[%add3A_990, %sub3A_510] : memref<512x56xf32, #tpu.memory_space<vmem>>[vector<16xi32>, vector<16xi32>], vector<16xf32>,
      %add3A_992 = vector.broadcast %mul3A_929 : i32 to vector<16xi32>
      %add3A_993 = arith.addi %add3A_992, %add3A_517 : vector<16xi32>
      tpu.vector_store_idx %arg15[%add3A_993], %gather3A_991 : memref<33792xf32, #tpu.memory_space<vmem>>[vector<16xi32>], vector<16xf32>,
      %add3A_994 = vector.broadcast %mul3A_927 : i32 to vector<16xi32>
      %add3A_995 = arith.addi %add3A_994, %shift_right_arithmetic3A_526 : vector<16xi32>
      %gather3A_996 = tpu.vector_load_idx %arg13[%add3A_995, %sub3A_530] : memref<512x56xf32, #tpu.memory_space<vmem>>[vector<16xi32>, vector<16xi32>], vector<16xf32>,
      %add3A_997 = vector.broadcast %mul3A_929 : i32 to vector<16xi32>
      %add3A_998 = arith.addi %add3A_997, %add3A_537 : vector<16xi32>
      tpu.vector_store_idx %arg15[%add3A_998], %gather3A_996 : memref<33792xf32, #tpu.memory_space<vmem>>[vector<16xi32>], vector<16xf32>,
      %add3A_999 = vector.broadcast %mul3A_927 : i32 to vector<16xi32>
      %add3A_1000 = arith.addi %add3A_999, %shift_right_arithmetic3A_546 : vector<16xi32>
      %gather3A_1001 = tpu.vector_load_idx %arg13[%add3A_1000, %sub3A_550] : memref<512x56xf32, #tpu.memory_space<vmem>>[vector<16xi32>, vector<16xi32>], vector<16xf32>,
      %add3A_1002 = vector.broadcast %mul3A_929 : i32 to vector<16xi32>
      %add3A_1003 = arith.addi %add3A_1002, %add3A_557 : vector<16xi32>
      tpu.vector_store_idx %arg15[%add3A_1003], %gather3A_1001 : memref<33792xf32, #tpu.memory_space<vmem>>[vector<16xi32>], vector<16xf32>,
      %add3A_1004 = vector.broadcast %mul3A_927 : i32 to vector<16xi32>
      %add3A_1005 = arith.addi %add3A_1004, %shift_right_arithmetic3A_566 : vector<16xi32>
      %gather3A_1006 = tpu.vector_load_idx %arg13[%add3A_1005, %sub3A_570] : memref<512x56xf32, #tpu.memory_space<vmem>>[vector<16xi32>, vector<16xi32>], vector<16xf32>,
      %add3A_1007 = vector.broadcast %mul3A_929 : i32 to vector<16xi32>
      %add3A_1008 = arith.addi %add3A_1007, %add3A_577 : vector<16xi32>
      tpu.vector_store_idx %arg15[%add3A_1008], %gather3A_1006 : memref<33792xf32, #tpu.memory_space<vmem>>[vector<16xi32>], vector<16xf32>,
      %add3A_1009 = vector.broadcast %mul3A_927 : i32 to vector<16xi32>
      %add3A_1010 = arith.addi %add3A_1009, %shift_right_arithmetic3A_586 : vector<16xi32>
      %gather3A_1011 = tpu.vector_load_idx %arg13[%add3A_1010, %sub3A_590] : memref<512x56xf32, #tpu.memory_space<vmem>>[vector<16xi32>, vector<16xi32>], vector<16xf32>,
      %add3A_1012 = vector.broadcast %mul3A_929 : i32 to vector<16xi32>
      %add3A_1013 = arith.addi %add3A_1012, %add3A_597 : vector<16xi32>
      tpu.vector_store_idx %arg15[%add3A_1013], %gather3A_1011 : memref<33792xf32, #tpu.memory_space<vmem>>[vector<16xi32>], vector<16xf32>,
      %add3A_1014 = vector.broadcast %mul3A_927 : i32 to vector<16xi32>
      %add3A_1015 = arith.addi %add3A_1014, %shift_right_arithmetic3A_606 : vector<16xi32>
      %gather3A_1016 = tpu.vector_load_idx %arg13[%add3A_1015, %sub3A_610] : memref<512x56xf32, #tpu.memory_space<vmem>>[vector<16xi32>, vector<16xi32>], vector<16xf32>,
      %add3A_1017 = vector.broadcast %mul3A_929 : i32 to vector<16xi32>
      %add3A_1018 = arith.addi %add3A_1017, %add3A_617 : vector<16xi32>
      tpu.vector_store_idx %arg15[%add3A_1018], %gather3A_1016 : memref<33792xf32, #tpu.memory_space<vmem>>[vector<16xi32>], vector<16xf32>,
      %add3A_1019 = vector.broadcast %mul3A_927 : i32 to vector<16xi32>
      %add3A_1020 = arith.addi %add3A_1019, %shift_right_arithmetic3A_626 : vector<16xi32>
      %gather3A_1021 = tpu.vector_load_idx %arg13[%add3A_1020, %sub3A_630] : memref<512x56xf32, #tpu.memory_space<vmem>>[vector<16xi32>, vector<16xi32>], vector<16xf32>,
      %add3A_1022 = vector.broadcast %mul3A_929 : i32 to vector<16xi32>
      %add3A_1023 = arith.addi %add3A_1022, %add3A_637 : vector<16xi32>
      tpu.vector_store_idx %arg15[%add3A_1023], %gather3A_1021 : memref<33792xf32, #tpu.memory_space<vmem>>[vector<16xi32>], vector<16xf32>,
      %add3A_1024 = vector.broadcast %mul3A_927 : i32 to vector<16xi32>
      %add3A_1025 = arith.addi %add3A_1024, %shift_right_arithmetic3A_646 : vector<16xi32>
      %gather3A_1026 = tpu.vector_load_idx %arg13[%add3A_1025, %sub3A_650] : memref<512x56xf32, #tpu.memory_space<vmem>>[vector<16xi32>, vector<16xi32>], vector<16xf32>,
      %add3A_1027 = vector.broadcast %mul3A_929 : i32 to vector<16xi32>
      %add3A_1028 = arith.addi %add3A_1027, %add3A_657 : vector<16xi32>
      tpu.vector_store_idx %arg15[%add3A_1028], %gather3A_1026 : memref<33792xf32, #tpu.memory_space<vmem>>[vector<16xi32>], vector<16xf32>,
      %add3A_1029 = vector.broadcast %mul3A_927 : i32 to vector<16xi32>
      %add3A_1030 = arith.addi %add3A_1029, %shift_right_arithmetic3A_666 : vector<16xi32>
      %gather3A_1031 = tpu.vector_load_idx %arg13[%add3A_1030, %sub3A_670] : memref<512x56xf32, #tpu.memory_space<vmem>>[vector<16xi32>, vector<16xi32>], vector<16xf32>,
      %add3A_1032 = vector.broadcast %mul3A_929 : i32 to vector<16xi32>
      %add3A_1033 = arith.addi %add3A_1032, %add3A_677 : vector<16xi32>
      tpu.vector_store_idx %arg15[%add3A_1033], %gather3A_1031 : memref<33792xf32, #tpu.memory_space<vmem>>[vector<16xi32>], vector<16xf32>,
      %add3A_1034 = vector.broadcast %mul3A_927 : i32 to vector<16xi32>
      %add3A_1035 = arith.addi %add3A_1034, %shift_right_arithmetic3A_686 : vector<16xi32>
      %gather3A_1036 = tpu.vector_load_idx %arg13[%add3A_1035, %sub3A_690] : memref<512x56xf32, #tpu.memory_space<vmem>>[vector<16xi32>, vector<16xi32>], vector<16xf32>,
      %add3A_1037 = vector.broadcast %mul3A_929 : i32 to vector<16xi32>
      %add3A_1038 = arith.addi %add3A_1037, %add3A_697 : vector<16xi32>
      tpu.vector_store_idx %arg15[%add3A_1038], %gather3A_1036 : memref<33792xf32, #tpu.memory_space<vmem>>[vector<16xi32>], vector<16xf32>,
      %add3A_1039 = vector.broadcast %mul3A_927 : i32 to vector<16xi32>
      %add3A_1040 = arith.addi %add3A_1039, %shift_right_arithmetic3A_706 : vector<16xi32>
      %gather3A_1041 = tpu.vector_load_idx %arg13[%add3A_1040, %sub3A_710] : memref<512x56xf32, #tpu.memory_space<vmem>>[vector<16xi32>, vector<16xi32>], vector<16xf32>,
      %add3A_1042 = vector.broadcast %mul3A_929 : i32 to vector<16xi32>
      %add3A_1043 = arith.addi %add3A_1042, %add3A_717 : vector<16xi32>
      tpu.vector_store_idx %arg15[%add3A_1043], %gather3A_1041 : memref<33792xf32, #tpu.memory_space<vmem>>[vector<16xi32>], vector<16xf32>,
      %add3A_1044 = vector.broadcast %mul3A_927 : i32 to vector<16xi32>
      %add3A_1045 = arith.addi %add3A_1044, %shift_right_arithmetic3A_726 : vector<16xi32>
      %gather3A_1046 = tpu.vector_load_idx %arg13[%add3A_1045, %sub3A_730] : memref<512x56xf32, #tpu.memory_space<vmem>>[vector<16xi32>, vector<16xi32>], vector<16xf32>,
      %add3A_1047 = vector.broadcast %mul3A_929 : i32 to vector<16xi32>
      %add3A_1048 = arith.addi %add3A_1047, %add3A_737 : vector<16xi32>
      tpu.vector_store_idx %arg15[%add3A_1048], %gather3A_1046 : memref<33792xf32, #tpu.memory_space<vmem>>[vector<16xi32>], vector<16xf32>,
      %add3A_1049 = vector.broadcast %mul3A_927 : i32 to vector<16xi32>
      %add3A_1050 = arith.addi %add3A_1049, %shift_right_arithmetic3A_746 : vector<16xi32>
      %gather3A_1051 = tpu.vector_load_idx %arg13[%add3A_1050, %sub3A_750] : memref<512x56xf32, #tpu.memory_space<vmem>>[vector<16xi32>, vector<16xi32>], vector<16xf32>,
      %add3A_1052 = vector.broadcast %mul3A_929 : i32 to vector<16xi32>
      %add3A_1053 = arith.addi %add3A_1052, %add3A_757 : vector<16xi32>
      tpu.vector_store_idx %arg15[%add3A_1053], %gather3A_1051 : memref<33792xf32, #tpu.memory_space<vmem>>[vector<16xi32>], vector<16xf32>,
      %add3A_1054 = vector.broadcast %mul3A_927 : i32 to vector<16xi32>
      %add3A_1055 = arith.addi %add3A_1054, %shift_right_arithmetic3A_766 : vector<16xi32>
      %gather3A_1056 = tpu.vector_load_idx %arg13[%add3A_1055, %sub3A_770] : memref<512x56xf32, #tpu.memory_space<vmem>>[vector<16xi32>, vector<16xi32>], vector<16xf32>,
      %add3A_1057 = vector.broadcast %mul3A_929 : i32 to vector<16xi32>
      %add3A_1058 = arith.addi %add3A_1057, %add3A_777 : vector<16xi32>
      tpu.vector_store_idx %arg15[%add3A_1058], %gather3A_1056 : memref<33792xf32, #tpu.memory_space<vmem>>[vector<16xi32>], vector<16xf32>,
      %add3A_1059 = vector.broadcast %mul3A_927 : i32 to vector<16xi32>
      %add3A_1060 = arith.addi %add3A_1059, %shift_right_arithmetic3A_786 : vector<16xi32>
      %gather3A_1061 = tpu.vector_load_idx %arg13[%add3A_1060, %sub3A_790] : memref<512x56xf32, #tpu.memory_space<vmem>>[vector<16xi32>, vector<16xi32>], vector<16xf32>,
      %add3A_1062 = vector.broadcast %mul3A_929 : i32 to vector<16xi32>
      %add3A_1063 = arith.addi %add3A_1062, %add3A_797 : vector<16xi32>
      tpu.vector_store_idx %arg15[%add3A_1063], %gather3A_1061 : memref<33792xf32, #tpu.memory_space<vmem>>[vector<16xi32>], vector<16xf32>,
      %add3A_1064 = vector.broadcast %mul3A_927 : i32 to vector<16xi32>
      %add3A_1065 = arith.addi %add3A_1064, %shift_right_arithmetic3A_806 : vector<16xi32>
      %gather3A_1066 = tpu.vector_load_idx %arg13[%add3A_1065, %sub3A_810] : memref<512x56xf32, #tpu.memory_space<vmem>>[vector<16xi32>, vector<16xi32>], vector<16xf32>,
      %add3A_1067 = vector.broadcast %mul3A_929 : i32 to vector<16xi32>
      %add3A_1068 = arith.addi %add3A_1067, %add3A_817 : vector<16xi32>
      tpu.vector_store_idx %arg15[%add3A_1068], %gather3A_1066 : memref<33792xf32, #tpu.memory_space<vmem>>[vector<16xi32>], vector<16xf32>,
      %add3A_1069 = vector.broadcast %mul3A_927 : i32 to vector<16xi32>
      %add3A_1070 = arith.addi %add3A_1069, %shift_right_arithmetic3A_826 : vector<16xi32>
      %gather3A_1071 = tpu.vector_load_idx %arg13[%add3A_1070, %sub3A_830] : memref<512x56xf32, #tpu.memory_space<vmem>>[vector<16xi32>, vector<16xi32>], vector<16xf32>,
      %add3A_1072 = vector.broadcast %mul3A_929 : i32 to vector<16xi32>
      %add3A_1073 = arith.addi %add3A_1072, %add3A_837 : vector<16xi32>
      tpu.vector_store_idx %arg15[%add3A_1073], %gather3A_1071 : memref<33792xf32, #tpu.memory_space<vmem>>[vector<16xi32>], vector<16xf32>,
      %add3A_1074 = vector.broadcast %mul3A_927 : i32 to vector<16xi32>
      %add3A_1075 = arith.addi %add3A_1074, %shift_right_arithmetic3A_846 : vector<16xi32>
      %gather3A_1076 = tpu.vector_load_idx %arg13[%add3A_1075, %sub3A_850] : memref<512x56xf32, #tpu.memory_space<vmem>>[vector<16xi32>, vector<16xi32>], vector<16xf32>,
      %add3A_1077 = vector.broadcast %mul3A_929 : i32 to vector<16xi32>
      %add3A_1078 = arith.addi %add3A_1077, %add3A_857 : vector<16xi32>
      tpu.vector_store_idx %arg15[%add3A_1078], %gather3A_1076 : memref<33792xf32, #tpu.memory_space<vmem>>[vector<16xi32>], vector<16xf32>,
      %add3A_1079 = vector.broadcast %mul3A_927 : i32 to vector<16xi32>
      %add3A_1080 = arith.addi %add3A_1079, %shift_right_arithmetic3A_866 : vector<16xi32>
      %gather3A_1081 = tpu.vector_load_idx %arg14[%add3A_1080, %sub3A_870] : memref<512x8xf32, #tpu.memory_space<vmem>>[vector<16xi32>, vector<16xi32>], vector<16xf32>,
      %add3A_1082 = vector.broadcast %mul3A_929 : i32 to vector<16xi32>
      %add3A_1083 = arith.addi %add3A_1082, %add3A_877 : vector<16xi32>
      tpu.vector_store_idx %arg15[%add3A_1083], %gather3A_1081 : memref<33792xf32, #tpu.memory_space<vmem>>[vector<16xi32>], vector<16xf32>,
      %add3A_1084 = vector.broadcast %mul3A_927 : i32 to vector<16xi32>
      %add3A_1085 = arith.addi %add3A_1084, %shift_right_arithmetic3A_886 : vector<16xi32>
      %gather3A_1086 = tpu.vector_load_idx %arg14[%add3A_1085, %sub3A_890] : memref<512x8xf32, #tpu.memory_space<vmem>>[vector<16xi32>, vector<16xi32>], vector<16xf32>,
      %add3A_1087 = vector.broadcast %mul3A_929 : i32 to vector<16xi32>
      %add3A_1088 = arith.addi %add3A_1087, %add3A_897 : vector<16xi32>
      tpu.vector_store_idx %arg15[%add3A_1088], %gather3A_1086 : memref<33792xf32, #tpu.memory_space<vmem>>[vector<16xi32>], vector<16xf32>,
      %add3A_1089 = vector.broadcast %mul3A_927 : i32 to vector<16xi32>
      %add3A_1090 = arith.addi %add3A_1089, %shift_right_arithmetic3A_906 : vector<16xi32>
      %gather3A_1091 = tpu.vector_load_idx %arg14[%add3A_1090, %sub3A_910] : memref<512x8xf32, #tpu.memory_space<vmem>>[vector<16xi32>, vector<16xi32>], vector<16xf32>,
      %add3A_1092 = vector.broadcast %mul3A_929 : i32 to vector<16xi32>
      %add3A_1093 = arith.addi %add3A_1092, %add3A_917 : vector<16xi32>
      tpu.vector_store_idx %arg15[%add3A_1093], %gather3A_1091 : memref<33792xf32, #tpu.memory_space<vmem>>[vector<16xi32>], vector<16xf32>,
    }
    %scan3A_922 = arith.constant 64 : i32
    %mul3A_923 = arith.constant 66 : i32
    %mul3A_924 = arith.muli %mul3A_2, %mul3A_923 : i32
    "tpu.region"() ({
      %run_scoped3A_925 = tpu.sem_alloc : memref<!tpu.dma_semaphore, #tpu.memory_space<semaphore_mem>>
      %dma_start3A_926 = tpu.memref_slice %arg8[%mul3A_924] : memref<1081344xf32, #tpu.memory_space<hbm>> -> memref<33792xf32, #tpu.memory_space<hbm>>
      %dma_start3A_927 = tpu.memref_slice %arg8[%mul3A_924] : memref<1081344xf32, #tpu.memory_space<hbm>> -> memref<33792xf32, #tpu.memory_space<hbm>>
      tpu.enqueue_dma source(%arg15 : memref<33792xf32, #tpu.memory_space<vmem>>) target(%dma_start3A_927 : memref<33792xf32, #tpu.memory_space<hbm>>) target_semaphore(%run_scoped3A_925 : memref<!tpu.dma_semaphore, #tpu.memory_space<semaphore_mem>>)
      %dma_wait3A_928 = tpu.memref_slice %arg8[%mul3A_924] : memref<1081344xf32, #tpu.memory_space<hbm>> -> memref<33792xf32, #tpu.memory_space<hbm>>
      %dma_wait3A_929 = tpu.memref_slice %arg8[%mul3A_924] : memref<1081344xf32, #tpu.memory_space<hbm>> -> memref<33792xf32, #tpu.memory_space<hbm>>
      tpu.wait_dma2 semaphore(%run_scoped3A_925 : memref<!tpu.dma_semaphore, #tpu.memory_space<semaphore_mem>>) src(%arg15 : memref<33792xf32, #tpu.memory_space<vmem>>) dst(%dma_wait3A_929 : memref<33792xf32, #tpu.memory_space<hbm>>)
      tpu.yield
    }) : () -> ()
    return
  }
}

</mosaic_0001>

<sc_bundles>
// kernel: kernel.3.cloned.1.call-start
scs
__scs_entry_jumppad:
0x0: {  	(pc) =	sbr.rel $0x88, $3  }
0x1: {  	(tag) =	ssettag $0x0;
	lr =	simm.s32 $0x1  }
0x2: {  	[smem:$0x3F9B] =	sst lr;
	_ =	strace $0xD0000000  }
0x3: {  	_ = 	snop  }
0x4: {  	_ = 	snop  }
0x5: {  	_ = 	snop  }
0x6: {  	_ = 	snop  }
0x7: {  	_ = 	snop  }
__scs_overlays_trampoline_lowered:
0x8: {  	[smem:$0x3FAA] =	sst s0  }
0x9: {  	[smem:$0x3FAB] =	sst s1  }
0xa: {  	[smem:$0x3FAC] =	sst s2  }
0xb: {  	[smem:$0x3FAD] =	sst s3  }
0xc: {  	[smem:$0x3FAE] =	sst s4  }
0xd: {  	[smem:$0x3FAF] =	sst s5  }
0xe: {  	[smem:$0x3FB0] =	sst s6  }
0xf: {  	[smem:$0x3FB1] =	sst s7  }
0x10: {  	[smem:$0x3FB2] =	sst s8  }
0x11: {  	[smem:$0x3FB3] =	sst s9;
	s0 =	simm.s32 @!p0 $0x0  }
0x12: {  	s1 =	sld [smem:$0x3F99];
	s0 =	simm.s32 @p0 $0x1  }
0x13: {  	[smem:$0x3FB4] =	sst s0;
	s0 =	simm.s32 @!p1 $0x0  }
0x14: {  	s2 =	sld [smem:$0x3F98];
	s0 =	simm.s32 @p1 $0x1  }
0x15: {  	[smem:$0x3FB5] =	sst s0;
	s0 =	simm.s32 @!p2 $0x0  }
0x16: {  	s3 =	sld [smem:$0x3FDB];
	s0 =	simm.s32 @p2 $0x1  }
0x17: {  	s4 =	simm.s32 $0x1BF5;
	[smem:$0x3FB7] =	sst s0  }
0x18: {  	s0 =	sld [smem:$0x3F9A];
	_ =	swait.ge [sflag:s4], $0x0  }
0x19: {  	s7 =	sld [smem:$0x3F9B]  }
0x1a: {  	s8 =	sadd.s32 $0xFFFFE003, lr  }
0x1b: {  	s9 =	sadd.s32 $0xFFFFFEF7, lr;
	s5 =	simm.s32 $0xFFFFFFFF;
	p2 =	slt.u32 s8, $0xFFFFF086  }
0x1c: {  	p1 =	slt.u32 s9, $0xF7A;
	s5 =	simm.s32 @!p2 $0x0  }
0x1d: {  	s5 =	simm.s32 @p1 $0x1;
	p0 =	seq.s32 s7, s2  }
0x1e: {  	s7 =	smul.u32 @!p0 $0xF7A, s2;
	p2 =	seq.s32 @!p0 s5, $0x0  }
0x1f: {  	s9 =	smul.u32 $0xF7A, s1;
	s8 =	simm.s32 @!p0 $0x1BF5;
	p2 =	por !p2, p0  }
0x20: {  	[sflag:s8] =	ssyncset.s32 @!p0 $0xFFFFF086;
	s6 =	sadd.s32 @!p0 s3, s7;
	s7 =	simm.s32 @!p0 $0x108  }
0x21: {  	s3 =	sadd.s32 s3, s9;
	s6 =	sadd.s32 @!p0 $0x88, s6;
	s7 =	simm.s32 @p2 $0x1082  }
0x22: {  	[simem:s7], [sflag:s8] =	dma.local @!p0 [hbm:s6], $0xF7A  }
0x23: {  	s9 =	sor.u32 $0xD0000000, s2;
	s6 =	simm.s32 $0x108;
	_ =	swait.ge @!p0 [sflag:s8], $0x0  }
0x24: {  	s3 =	sadd.s32 $0x88, s3;
	s6 =	simm.s32 @!p1 $0x1082;
	[sflag:s4] =	ssyncset.s32 $0xFFFFF086  }
0x25: {  	[simem:s6], [sflag:s4] =	dma.local [hbm:s3], $0xF7A  }
0x26: {  	[smem:$0x3F9B] =	sst s1;
	(tag) =	ssettag s2;
	_ =	strace s9  }
0x27: {  	s1 =	sld [smem:$0x3FAB]  }
0x28: {  	s2 =	sld [smem:$0x3FAC]  }
0x29: {  	s4 =	sld [smem:$0x3FAE]  }
0x2a: {  	p0 =	seq.s32 s5, $0x0;
	s5 =	sld [smem:$0x3FAF]  }
0x2b: {  	s6 =	sld [smem:$0x3FB0]  }
0x2c: {  	s7 =	sld [smem:$0x3FB1]  }
0x2d: {  	s3 =	simm.s32 $0x108;
	s8 =	sld [smem:$0x3FB2]  }
0x2e: {  	s3 =	simm.s32 @!p0 $0x1082;
	s9 =	sld [smem:$0x3FB3]  }
0x2f: {  	lr =	sadd.s32 s0, s3;
	s0 =	sld [smem:$0x3FAA]  }
0x30: {  	s3 =	sld [smem:$0x3FAD]  }
0x31: {  	[smem:$0x3FB6] =	sst s10  }
0x32: {  	s10 =	sld [smem:$0x3FB4];
	_ =	sdelay $0x3  }
0x33: {  	p0 =	seq.s32 s10, $0x1;
	s10 =	sld [smem:$0x3FB6];
	_ =	sdelay $0x3  }
0x34: {  	[smem:$0x3FB6] =	sst s10  }
0x35: {  	s10 =	sld [smem:$0x3FB5];
	_ =	sdelay $0x3  }
0x36: {  	p1 =	seq.s32 s10, $0x1;
	s10 =	sld [smem:$0x3FB6];
	_ =	sdelay $0x3  }
0x37: {  	[smem:$0x3FB6] =	sst s10  }
0x38: {  	s10 =	sld [smem:$0x3FB7]  }
0x39: {  	_ = 	snop;
	(pc) =	sbr.ind lr, $3  }
0x3a: {  	_ = 	snop  }
0x3b: {  	_ = 	snop  }
0x3c: {  	p2 =	seq.s32 s10, $0x1;
	s10 =	sld [smem:$0x3FB6]  }
0x3d: {  	_ =	shalt  }
0x3e: {  	_ =	shalt  }
0x3f: {  	_ =	shalt  }
0x40: {  	_ =	shalt  }
0x41: {  	_ =	shalt  }
0x42: {  	_ =	shalt  }
0x43: {  	_ =	shalt  }
0x44: {  	_ =	shalt  }
0x45: {  	_ =	shalt  }
0x46: {  	_ =	shalt  }
0x47: {  	_ =	shalt  }
0x48: {  	_ =	shalt  }
0x49: {  	_ =	shalt  }
0x4a: {  	_ =	shalt  }
0x4b: {  	_ =	shalt  }
0x4c: {  	_ =	shalt  }
0x4d: {  	_ =	shalt  }
0x4e: {  	_ =	shalt  }
0x4f: {  	_ =	shalt  }
0x50: {  	_ =	shalt  }
0x51: {  	_ =	shalt  }
0x52: {  	_ =	shalt  }
0x53: {  	_ =	shalt  }
0x54: {  	_ =	shalt  }
0x55: {  	_ =	shalt  }
0x56: {  	_ =	shalt  }
0x57: {  	_ =	shalt  }
0x58: {  	_ =	shalt  }
0x59: {  	_ =	shalt  }
0x5a: {  	_ =	shalt  }
0x5b: {  	_ =	shalt  }
0x5c: {  	_ =	shalt  }
0x5d: {  	_ =	shalt  }
0x5e: {  	_ =	shalt  }
0x5f: {  	_ =	shalt  }
0x60: {  	_ =	shalt  }
0x61: {  	_ =	shalt  }
0x62: {  	_ =	shalt  }
0x63: {  	_ =	shalt  }
0x64: {  	_ =	shalt  }
0x65: {  	_ =	shalt  }
0x66: {  	_ =	shalt  }
0x67: {  	_ =	shalt  }
0x68: {  	_ =	shalt  }
0x69: {  	_ =	shalt  }
0x6a: {  	_ =	shalt  }
0x6b: {  	_ =	shalt  }
0x6c: {  	_ =	shalt  }
0x6d: {  	_ =	shalt  }
0x6e: {  	_ =	shalt  }
0x6f: {  	_ =	shalt  }
0x70: {  	_ =	shalt  }
0x71: {  	_ =	shalt  }
0x72: {  	_ =	shalt  }
0x73: {  	_ =	shalt  }
0x74: {  	_ =	shalt  }
0x75: {  	_ =	shalt  }
0x76: {  	_ =	shalt  }
0x77: {  	_ =	shalt  }
0x78: {  	_ =	shalt  }
0x79: {  	_ =	shalt  }
0x7a: {  	_ =	shalt  }
0x7b: {  	_ =	shalt  }
0x7c: {  	_ =	shalt  }
0x7d: {  	_ =	shalt  }
0x7e: {  	_ =	shalt  }
0x7f: {  	_ =	shalt  }
0x80: {  	_ =	shalt  }
0x81: {  	_ =	shalt  }
0x82: {  	_ =	shalt  }
0x83: {  	_ =	shalt  }
0x84: {  	_ =	shalt  }
0x85: {  	_ =	shalt  }
0x86: {  	_ =	shalt  }
0x87: {  	_ =	shalt  }
.Lfunc_end0:
.L_simem_size_0:
called_computation_lowered:
.L_overlay_start_0:
0x88: {  	s2 =	sld [smem:$0x3FD9]  }
0x89: {  	s3 =	sld [smem:$0x3FFE];
	_ =	sdelay $0x1  }
0x8a: {  	s1 =	srdreg.scid  }
0x8b: {  	s0 =	sand.u32 $0x1, s1  }
0x8c: {  	s17 =	sshll.u32 s0, $0xA;
	s2 =	sadd.s32 s3, s2  }
0x8d: {  	s2 =	sadd.s32 s2, s17  }
0x8e: {  	[smem:$0x3FC2] =	sst s2  }
0x8f: {  	_ = 	snop  }
0x90: {  	s2 =	sld [smem:$0x3FC6]  }
0x91: {  	s18 =	sld [smem:$0x3FC5]  }
0x92: {  	s4 =	sld [smem:$0x3FC4]  }
0x93: {  	s5 =	sld [smem:$0x3FD0];
	(tm) =	ssettm $0x1  }
0x94: {  	s6 =	sld [smem:$0x3FFB];
	_ =	sdelay $0x3  }
0x95: {  	_ =	strace s6  }
0x96: {  	s6 =	sld [smem:$0x3FFC];
	_ =	sdelay $0x3  }
0x97: {  	_ =	strace s6  }
0x98: {  	s6 =	sld [smem:$0x3FFD];
	_ =	sdelay $0x3  }
0x99: {  	_ =	strace s6  }
0x9a: {  	_ =	strace $0x8FFFFFFF  }
0x9b: {  	s19 =	sld [smem:$0x3FDB];
	_ =	sdelay $0x1  }
0x9c: {  	s7 =	simm.s32 $_scs_section_size  }
0x9d: {  	s8 =	simm.s32 $_size__tile_overlayer_lowered;
	s9 =	simm.s32 $_tile_overlayer_lowered  }
0x9e: {  	s22 =	simm.s32 $0x1BFF;
	s21 =	sshll.u32 s9, $0x1;
	s6 =	sadd.s32 s7, s19  }
0x9f: {  	s10 =	simm.s32 $0x0;
	s20 =	sshll.u32 s8, $0x1;
	s8 =	sadd.s32 s21, s6  }
0xa0: {  	[timem:s10], [sflag:s22] =	dma.local [hbm:s8], s20  }
0xa1: {  	_ =	swait.ge [sflag:s22], s20  }
0xa2: {  	s7 =	ssub.s32 $0x0, s20;
	[sflag:s22] =	ssyncset.done $0x0  }
0xa3: {  	[sflag:s22] =	ssyncadd.s32 s7;
	_ =	sdelay $0x1  }
0xa4: {  	s23 =	simm.s32 $0x1B8B  }
0xa5: {  	_ =	swait.ge [sflag:s23], $0x1  }
0xa6: {  	[sflag:s23] =	ssyncset.done $0x0  }
0xa7: {  	s25 =	simm.s32 $0x1B8E;
	s24 =	sld [smem:$0x3FFE];
	[sflag:s23] =	ssyncadd.s32 $0xFFFFFFFF  }
0xa8: {  	s26 =	simm.s32 $execute0_lowered;
	[smem:$0x3FD2] =	sst s25  }
0xa9: {  	s8 =	sshll.u32 s26, $0x1;
	_ =	strace $0x80000046;
	[dreg:$0x1] =	wrdreg $0xFFFFFFFF  }
0xaa: {  	s28 =	simm.s32 $_size_execute0_lowered;
	s6 =	sadd.s32 s6, s8;
	[dreg:$0x0] =	wrdreg $0x0  }
0xab: {  	s8 =	sshll.u32 s28, $0x1;
	[dreg:$0x2] =	wrdreg s6  }
0xac: {  	[dreg:$0x3] =	wrdreg s8  }
0xad: {  	[dreg:$0x4] =	wrdreg $0xC0  }
0xae: {  	_ =	task [dreg:s10], $0x5FFFF  }
0xaf: {  	[dreg:$0x1] =	wrdreg $0xFFFFFFFF  }
0xb0: {  	[dreg:$0x0] =	wrdreg $0x60  }
0xb1: {  	[dreg:$0x2] =	wrdreg s24  }
0xb2: {  	[dreg:$0x3] =	wrdreg s2  }
0xb3: {  	[dreg:$0x4] =	wrdreg s18  }
0xb4: {  	[dreg:$0x5] =	wrdreg s4  }
0xb5: {  	[dreg:$0x6] =	wrdreg s5  }
0xb6: {  	[dreg:$0x7] =	wrdreg $0x9  }
0xb7: {  	_ =	task.clear_ibuf [dreg:s10], $0x8FFFF;
	_ =	strace $0x90000046  }
0xb8: {  	s29 =	simm.s32 $0x9;
	_ =	strace $0x80000048  }
0xb9: {  	_ =	swait.ge [sflag:s29], $0x1  }
0xba: {  	[sflag:s29] =	ssyncadd.s32 $0xFFFFFFFF  }
0xbb: {  	_ =	strace $0x90000048  }
0xbc: {  	_ =	sfence  }
0xbd: {  	s30 =	sld [smem:$0x0];
	_ =	sdelay $0x2  }
0xbe: {  	s31 =	sshll.u32 s1, $0xD;
	s1 =	sshrl.u32 s1, $0x2  }
0xbf: {  	s3 =	sand.u32 $0x4000, s31;
	s1 =	sadd.s32 s1, s30  }
0xc0: {  	s0 =	sor.u32 s3, s0;
	s1 =	sshll.u32 s1, $0x11  }
0xc1: {  	s0 =	sor.u32 s1, s0  }
0xc2: {  	s0 =	sadd.s32 $0x8F2B, s0  }
0xc3: {  	[sflag:s0] =	ssyncadd.remote.s32 $0x1  }
0xc4: {  	_ =	sfence.sel $0xFFFF  }
0xc5: {  	[dreg:$0x0] =	wrdreg $0xFFFFFFFF;
	(pc) =	sbr.abs _section_cstart, $3  }
0xc6: {  	[dreg:$0x1] =	wrdreg $0xFFFFFFFF  }
0xc7: {  	_ =	task.clear_ibuf [dreg:s10], $0x2FFFF;
	_ =	strace $0x9FFFFFFF  }
0xc8: {  	(tm) =	ssettm $0x7FFFFFFF  }
0xc9: {  	_ =	shalt  }
tec
execute0_lowered:
.L_overlay_start_1:
0x0: {  	(tag) =	ssettag $0x1  }
0x1: {  	v0 =	vimm.s32 $0x18181010;
	vm1 =	vcmask $0xF00  }
0x2: {  	v1 =	vimm.s32 $0x38;
	vm2 =	vcmask $0x2710;
	vm0 =	vcmask $0x1F10  }
0x3: {  	vm3 =	vcmask $0x1700;
	v2 =	vimm.s32 $0x10;
	v3 =	vimm.s32 $0x543210  }
0x4: {  	vm4 =	vcmask $0x2F18;
	v4 =	vimm.s32 $0x32105432;
	v5 =	vimm.s32 $0xC7C68988  }
0x5: {  	v6 =	vimm.s32 $0x33323130;
	v8 =	vimm.s32 $0x39383534;
	v9 =	vimm.s32 $0x4D4C4B4A  }
0x6: {  	v10 =	vimm.s32 $0x51504F4E;
	v26 =	vimm.s32 $0x1D3;
	v13 =	vimm.s32 $0x69686766  }
0x7: {  	v52 =	vimm.s32 $0x7D7C7B7A;
	v15 =	vimm.s32 $0x8D8C8B8A;
	v16 =	vimm.s32 $0x75747372  }
0x8: {  	v53 =	vimm.s32 $0x79787776;
	v19 =	vimm.s32 $0xB5B4B3B2;
	v55 =	vimm.s32 $0xCDCCBFBE  }
0x9: {  	v56 =	vimm.s32 $0xE3E2E1E0;
	v32 =	vimm.s32 $0x187;
	v33 =	vimm.s32 $0x20F  }
0xa: {  	v34 =	vimm.s32 $0x32543210;
	v59 =	vimm.s32 $0x7060504;
	v35 =	vimm.s32 $0x54321054  }
0xb: {  	v0 =	vunpack.c.0.s8.s32 v0;
	v1 =	vsel vm1, $0x28, v1;
	v2 =	vsel vm3, $0x0, v2  }
0xc: {  	v3 =	vunpack.c.l.s4.s8 v3;
	v4 =	vunpack.c.l.s4.s8 v4;
	v6 =	vunpack.c.0.s8.s32 v6  }
0xd: {  	v8 =	vunpack.c.0.s8.s32 v8;
	v14 =	vunpack.c.0.s8.s32 v13;
	v17 =	vunpack.c.0.s8.s32 v52  }
0xe: {  	v15 =	vunpack.c.0.s8.s32 v15;
	v18 =	vunpack.c.0.s8.s32 v16;
	v16 =	vimm.s32 $0xB1B0AFAE  }
0xf: {  	v27 =	vunpack.c.0.s8.s32 v53;
	v19 =	vunpack.c.0.s8.s32 v19;
	v29 =	vunpack.c.0.s8.s32 v56  }
0x10: {  	v58 =	vunpack.c.l.s4.s8 v34;
	v34 =	vunpack.c.0.s8.s32 v59;
	v35 =	vunpack.c.l.s4.s8 v35  }
0x11: {  	v1 =	vsel vm2, $0x30, v1;
	vm2 =	vcmask $0x3720;
	v28 =	vunpack.c.0.s8.s32 v16  }
0x12: {  	v0 =	vnsel vm1, $0x28, v0;
	[tilespmem:$0x1FE80] =	vst v1;
	v1 =	vimm.s32 $0x10543210;
	v11 =	vunpack.c.0.s8.s32 v4  }
0x13: {  	v4 =	vimm.s32 $0x5040302;
	v16 =	vsel vm0, v15, v17;
	v0 =	vsel vm0, $0x18, v0  }
0x14: {  	v18 =	vsel vm0, v27, v18;
	v1 =	vunpack.c.l.s4.s8 v1;
	v0 =	vsel vm2, $0x20, v0  }
0x15: {  	v17 =	vimm.s32 $0xD1D0CFCE;
	[tilespmem:$0x1FE90] =	vst v0;
	v0 =	vsel vm4, $0x8, v2;
	v2 =	vimm.s32 $0x43424544  }
0x16: {  	[tilespmem:$0x1FEA0] =	vst v0;
	v0 =	vunpack.c.0.s8.s32 v1;
	v1 =	vunpack.c.0.s8.s32 v3;
	v3 =	vimm.s32 $0x47468584  }
0x17: {  	v27 =	vunpack.c.0.s8.s32 v55;
	v2 =	vunpack.c.0.s8.s32 v2;
	v3 =	vunpack.c.0.s8.s32 v3  }
0x18: {  	v17 =	vunpack.c.0.s8.s32 v17;
	vm2 =	vcmask $0x2718;
	v1 =	vnsel vm3, $0x87, v1  }
0x19: {  	v1 =	vsel vm2, v2, v1;
	v2 =	vand.u32 $0xFF, v3;
	v3 =	vimm.s32 $0x10765432  }
0x1a: {  	v35 =	vunpack.c.0.s8.s32 v35;
	vm2 =	vcmask $0x3728;
	v3 =	vunpack.c.l.s4.s8 v3  }
0x1b: {  	v17 =	vsel vm0, v17, v27;
	v27 =	vimm.s32 $0xC3C2C1C0;
	v23 =	vsel vm2, v2, v1  }
0x1c: {  	v1 =	vunpack.c.0.s8.s32 v5;
	v2 =	vimm.s32 $0xCBCAC9C8;
	v3 =	vunpack.c.0.s8.s32 v3  }
0x1d: {  	vm2 =	vcmask $0x2F00;
	v5 =	vunpack.c.0.s8.s32 v4;
	v2 =	vunpack.c.0.s8.s32 v2  }
0x1e: {  	v1 =	vand.u32 $0xFF, v1;
	v4 =	vnsel vm2, $0x5, v3;
	vm2 =	vcmask $0x3F2C  }
0x1f: {  	v1 =	vnsel vm1, $0x14B, v1;
	v2 =	vand.u32 $0xFF, v2;
	v4 =	vsel vm2, v5, v4  }
0x20: {  	v22 =	vsel vm0, v2, v1;
	v1 =	vimm.s32 $0x54321076;
	[tilespmem:$0x1FEC0] =	vst v4;
	v4 =	vcombine.low v0, v11  }
0x21: {  	v27 =	vunpack.c.0.s8.s32 v27;
	[tilespmem:$0x1FEB0] =	vst v5;
	v2 =	vimm.s32 $0x3020504;
	v1 =	vunpack.c.l.s4.s8 v1  }
0x22: {  	v25 =	vunpack.c.0.s8.s32 v2;
	v5 =	vimm.s32 $0x41403F3E;
	[tilespmem:$0x1FED0] =	vst v4;
	v4 =	vimm.s32 $0x32107610  }
0x23: {  	vm2 =	vcmask $0x704;
	v2 =	vunpack.c.l.s4.s8 v4;
	v4 =	vimm.s32 $0x3D3C3B3A  }
0x24: {  	v7 =	vunpack.c.0.s8.s32 v1;
	v1 =	vunpack.c.0.s8.s32 v4;
	v4 =	vimm.s32 $0xFDFCFBFA  }
0x25: {  	v5 =	vunpack.c.0.s8.s32 v5;
	v0 =	vcombine.low v35, v0;
	v4 =	vunpack.c.0.s8.s32 v4  }
0x26: {  	v21 =	vunpack.c.0.s8.s32 v2;
	v2 =	vsel vm0, v8, v6;
	v6 =	vimm.s32 $0x49483B3A  }
0x27: {  	v8 =	vimm.s32 $0x6D6C6B6A;
	v1 =	vsel vm0, v5, v1;
	v5 =	vimm.s32 $0x39383736  }
0x28: {  	v6 =	vunpack.c.0.s8.s32 v6;
	v8 =	vunpack.c.0.s8.s32 v8;
	v4 =	vand.u32 $0xFF, v4  }
0x29: {  	v5 =	vunpack.c.0.s8.s32 v5;
	v24 =	vnsel vm1, $0x115, v4;
	vm1 =	vcmask $0x3700  }
0x2a: {  	v4 =	vunpack.c.0.s8.s32 v9;
	v9 =	vunpack.c.0.s8.s32 v10;
	v10 =	vimm.s32 $0x65646362  }
0x2b: {  	v12 =	vnsel vm1, $0x1, v7;
	vm1 =	vcmask $0x3F28;
	v10 =	vunpack.c.0.s8.s32 v10  }
0x2c: {  	v20 =	vsel vm0, v6, v5;
	v4 =	vsel vm0, v9, v4;
	v9 =	vimm.s32 $0x73727170  }
0x2d: {  	v5 =	vimm.s32 $0xA9A8A5A4;
	v6 =	vimm.s32 $0xADACABAA;
	v9 =	vunpack.c.0.s8.s32 v9  }
0x2e: {  	v5 =	vunpack.c.0.s8.s32 v5;
	v14 =	vsel vm0, v14, v10;
	v10 =	vimm.s32 $0xD9D8D7D6  }
0x2f: {  	v6 =	vunpack.c.0.s8.s32 v6;
	v10 =	vunpack.c.0.s8.s32 v10;
	v54 =	vsel vm0, v9, v8  }
0x30: {  	v8 =	vsel vm0, v19, v28;
	v9 =	vimm.s32 $0xD5D4D3D2;
	v19 =	vimm.s32 $0xE7E6E5E4  }
0x31: {  	v28 =	vimm.s32 $0xDDDCDBDA;
	v9 =	vunpack.c.0.s8.s32 v9;
	v30 =	vunpack.c.0.s8.s32 v19  }
0x32: {  	v28 =	vunpack.c.0.s8.s32 v28;
	v19 =	vsel vm0, v6, v5;
	v5 =	vimm.s32 $0x83828180  }
0x33: {  	v5 =	vunpack.c.0.s8.s32 v5;
	v57 =	vsel vm0, v10, v9;
	v6 =	vsel vm0, v30, v29  }
0x34: {  	v9 =	vsel vm0, v28, v10;
	v28 =	vimm.s32 $0x3F3E3D3C;
	v29 =	vimm.s32 $0x7F7E4140  }
0x35: {  	v10 =	vimm.s32 $0x10765400;
	v28 =	vunpack.c.0.s8.s32 v28;
	v29 =	vunpack.c.0.s8.s32 v29  }
0x36: {  	v25 =	vsel vm1, v25, v21;
	v30 =	vimm.s32 $0x76543254;
	v31 =	vunpack.c.l.s4.s8 v10  }
0x37: {  	v5 =	vsel vm0, v27, v5;
	v27 =	vunpack.c.l.s4.s8 v30;
	v10 =	vsel vm0, v29, v28  }
0x38: {  	vm0 =	vcmask $0x300;
	v28 =	vimm.s32 $0x7060100;
	v29 =	vunpack.c.0.s8.s32 v31  }
0x39: {  	v30 =	vunpack.c.0.s8.s32 v27;
	v27 =	vimm.s32 $0x151;
	v31 =	vimm.s32 $0x1D9  }
0x3a: {  	[tilespmem:$0x1FEE0] =	vst v25;
	v28 =	vunpack.c.0.s8.s32 v28;
	v25 =	vsel vm0, $0x14C, v26;
	v26 =	vimm.s32 $0x119  }
0x3b: {  	v27 =	vsel vm0, $0x136, v27;
	v31 =	vsel vm0, $0x1BE, v31;
	v32 =	vsel vm0, $0xC4, v32  }
0x3c: {  	v33 =	vsel vm0, $0x188, v33;
	v29 =	vsel vm1, v29, v7;
	v26 =	vsel vm0, $0x108, v26  }
0x3d: {  	v25 =	vsel vm2, $0x14D, v25;
	v27 =	vsel vm2, $0x137, v27;
	v31 =	vsel vm2, $0x1BF, v31  }
0x3e: {  	[tilespmem:$0x1FF00] =	vst v30;
	v32 =	vsel vm2, $0xC5, v32;
	v33 =	vsel vm2, $0x189, v33;
	v28 =	vsel vm1, v28, v30  }
0x3f: {  	[tilespmem:$0x1FEF0] =	vst v29;
	v29 =	vimm.s32 $0x19D;
	v30 =	vimm.s32 $0x18D;
	v26 =	vsel vm2, $0x109, v26  }
0x40: {  	[tilespmem:$0x1FF10] =	vst v28;
	v28 =	vimm.s32 $0x15B;
	v29 =	vsel vm0, $0x182, v29;
	v30 =	vsel vm0, $0x17C, v30  }
0x41: {  	v28 =	vsel vm0, $0x14A, v28;
	v29 =	vsel vm2, $0x183, v29;
	vm0 =	vcmask $0xB08  }
0x42: {  	v30 =	vsel vm2, $0x17D, v30;
	v28 =	vsel vm2, $0x14B, v28;
	v25 =	vsel vm0, $0x14E, v25  }
0x43: {  	v26 =	vsel vm0, $0x10A, v26;
	v27 =	vsel vm0, $0x138, v27;
	v29 =	vsel vm0, $0x184, v29  }
0x44: {  	v30 =	vsel vm0, $0x17E, v30;
	v31 =	vsel vm0, $0x1C0, v31;
	v32 =	vsel vm0, $0x102, v32  }
0x45: {  	v33 =	vsel vm0, $0x18A, v33;
	v28 =	vsel vm0, $0x14C, v28;
	vm0 =	vcmask $0xF0C  }
0x46: {  	v41 =	vcombine.low v14, v54;
	vm1 =	vcmask $0x3B38;
	v25 =	vsel vm0, $0x14F, v25  }
0x47: {  	v26 =	vsel vm0, $0x10B, v26;
	v27 =	vsel vm0, $0x139, v27;
	v28 =	vsel vm0, $0x14D, v28  }
0x48: {  	v29 =	vsel vm0, $0x185, v29;
	v30 =	vsel vm0, $0x17F, v30;
	v31 =	vsel vm0, $0x1C1, v31  }
0x49: {  	v32 =	vsel vm0, $0x103, v32;
	v33 =	vsel vm0, $0x18B, v33;
	vm0 =	vcmask $0x1310  }
0x4a: {  	v23 =	vsel vm1, $0x86, v23;
	v25 =	vsel vm0, $0x18C, v25;
	v24 =	vsel vm0, $0xFE, v24  }
0x4b: {  	v26 =	vsel vm0, $0x10C, v26;
	v27 =	vsel vm0, $0x13A, v27;
	v28 =	vsel vm0, $0x150, v28  }
0x4c: {  	v29 =	vsel vm0, $0x192, v29;
	v30 =	vsel vm0, $0x180, v30;
	v31 =	vsel vm0, $0x1C2, v31  }
0x4d: {  	v32 =	vsel vm0, $0x104, v32;
	v33 =	vsel vm0, $0x1C8, v33;
	vm0 =	vcmask $0x1714  }
0x4e: {  	[tilespmem:$0x1FF20] =	vst v23;
	v23 =	vunpack.c.0.s8.s32 v58;
	v25 =	vsel vm0, $0x18D, v25;
	v24 =	vsel vm0, $0xFF, v24  }
0x4f: {  	v26 =	vsel vm0, $0x10D, v26;
	v27 =	vsel vm0, $0x13B, v27;
	v28 =	vsel vm0, $0x151, v28  }
0x50: {  	v29 =	vsel vm0, $0x193, v29;
	v30 =	vsel vm0, $0x181, v30;
	v31 =	vsel vm0, $0x1C3, v31  }
0x51: {  	v32 =	vsel vm0, $0x105, v32;
	v33 =	vsel vm0, $0x1C9, v33;
	vm0 =	vcmask $0x1B18  }
0x52: {  	v58 =	vcombine.low v3, v7;
	v25 =	vsel vm0, $0x18E, v25;
	v24 =	vsel vm0, $0x100, v24  }
0x53: {  	v26 =	vsel vm0, $0x10E, v26;
	v27 =	vsel vm0, $0x13C, v27;
	v28 =	vsel vm0, $0x152, v28  }
0x54: {  	v29 =	vsel vm0, $0x194, v29;
	v30 =	vsel vm0, $0x182, v30;
	v31 =	vsel vm0, $0x1C4, v31  }
0x55: {  	v32 =	vsel vm0, $0x106, v32;
	v33 =	vsel vm0, $0x1CA, v33;
	vm0 =	vcmask $0x1F1C  }
0x56: {  	v23 =	vcombine.low v23, v34;
	v25 =	vsel vm0, $0x18F, v25;
	v24 =	vsel vm0, $0x101, v24  }
0x57: {  	v26 =	vsel vm0, $0x10F, v26;
	v27 =	vsel vm0, $0x13D, v27;
	v28 =	vsel vm0, $0x153, v28  }
0x58: {  	v29 =	vsel vm0, $0x195, v29;
	v30 =	vsel vm0, $0x183, v30;
	v31 =	vsel vm0, $0x1C5, v31  }
0x59: {  	v32 =	vsel vm0, $0x107, v32;
	v33 =	vsel vm0, $0x1CB, v33;
	vm0 =	vcmask $0x2320  }
0x5a: {  	v22 =	vsel vm0, $0x108, v22;
	v25 =	vsel vm0, $0x190, v25;
	v24 =	vsel vm0, $0x10E, v24  }
0x5b: {  	v26 =	vsel vm0, $0x110, v26;
	v27 =	vsel vm0, $0x13E, v27;
	v28 =	vsel vm0, $0x154, v28  }
0x5c: {  	v29 =	vsel vm0, $0x196, v29;
	v30 =	vsel vm0, $0x184, v30;
	v31 =	vsel vm0, $0x1C6, v31  }
0x5d: {  	v32 =	vsel vm0, $0x144, v32;
	v33 =	vsel vm0, $0x1CC, v33;
	vm0 =	vcmask $0x2724  }
0x5e: {  	v22 =	vsel vm0, $0x109, v22;
	v25 =	vsel vm0, $0x191, v25;
	v24 =	vsel vm0, $0x10F, v24  }
0x5f: {  	v26 =	vsel vm0, $0x111, v26;
	v27 =	vsel vm0, $0x13F, v27;
	v28 =	vsel vm0, $0x155, v28  }
0x60: {  	v29 =	vsel vm0, $0x197, v29;
	v30 =	vsel vm0, $0x185, v30;
	v31 =	vsel vm0, $0x1C7, v31  }
0x61: {  	v32 =	vsel vm0, $0x145, v32;
	v33 =	vsel vm0, $0x1CD, v33;
	vm0 =	vcmask $0x2B28  }
0x62: {  	v22 =	vsel vm0, $0x10A, v22;
	v25 =	vsel vm0, $0x1CE, v25;
	v24 =	vsel vm0, $0x110, v24  }
0x63: {  	v26 =	vsel vm0, $0x112, v26;
	v27 =	vsel vm0, $0x140, v27;
	v28 =	vsel vm0, $0x156, v28  }
0x64: {  	v29 =	vsel vm0, $0x198, v29;
	v30 =	vsel vm0, $0x188, v30;
	v31 =	vsel vm0, $0x1D4, v31  }
0x65: {  	v32 =	vsel vm0, $0x146, v32;
	v33 =	vsel vm0, $0x20A, v33;
	vm0 =	vcmask $0x2F2C  }
0x66: {  	v22 =	vsel vm0, $0x10B, v22;
	v25 =	vsel vm0, $0x1CF, v25;
	v24 =	vsel vm0, $0x111, v24  }
0x67: {  	v26 =	vsel vm0, $0x113, v26;
	v27 =	vsel vm0, $0x141, v27;
	v28 =	vsel vm0, $0x157, v28  }
0x68: {  	v29 =	vsel vm0, $0x199, v29;
	v30 =	vsel vm0, $0x189, v30;
	v31 =	vsel vm0, $0x1D5, v31  }
0x69: {  	v32 =	vsel vm0, $0x147, v32;
	v33 =	vsel vm0, $0x20B, v33;
	vm0 =	vcmask $0x3330  }
0x6a: {  	v22 =	vsel vm0, $0x10C, v22;
	v25 =	vsel vm0, $0x1D0, v25;
	v36 =	vsel vm0, $0x112, v24  }
0x6b: {  	v26 =	vsel vm0, $0x114, v26;
	v27 =	vsel vm0, $0x142, v27;
	v28 =	vsel vm0, $0x158, v28  }
0x6c: {  	v29 =	vsel vm0, $0x19A, v29;
	v30 =	vsel vm0, $0x18A, v30;
	v31 =	vsel vm0, $0x1D6, v31  }
0x6d: {  	v32 =	vsel vm0, $0x148, v32;
	v33 =	vsel vm0, $0x20C, v33;
	vm0 =	vcmask $0x3734  }
0x6e: {  	[tilespmem:$0x1FF40] =	vst v0;
	v0 =	vsel vm0, $0x10D, v22;
	v22 =	vlaneseq.u32;
	v60 =	vsel vm0, $0x115, v26  }
0x6f: {  	v27 =	vsel vm0, $0x143, v27;
	v61 =	vsel vm0, $0x159, v28;
	v62 =	vsel vm0, $0x19B, v29  }
0x70: {  	v63 =	vsel vm0, $0x18B, v30;
	v37 =	vsel vm0, $0x1D7, v31;
	v38 =	vsel vm0, $0x149, v32  }
0x71: {  	v39 =	vsel vm0, $0x20D, v33;
	v28 =	vsel vm1, $0x0, v12;
	v0 =	vsel vm1, $0x14A, v0  }
0x72: {  	s5 =	rddreg [dreg:$0x0];
	v26 =	vsel vm1, $0x118, v60;
	v27 =	vsel vm1, $0x150, v27;
	v29 =	vsel vm1, $0x15A, v61  }
0x73: {  	s0 =	rddreg [dreg:$0x1];
	v30 =	vsel vm1, $0x19C, v62;
	v31 =	vsel vm1, $0x18C, v63;
	v32 =	vsel vm1, $0x1D8, v37  }
0x74: {  	s2 =	rddreg [dreg:$0x2];
	v33 =	vsel vm1, $0x186, v38;
	v38 =	vadd.s32 $0x42, v22;
	[tilespmem:$0x1FF50] =	vst v0;
	v0 =	vcombine.low v11, v35  }
0x75: {  	s6 =	rddreg [dreg:$0x3];
	v40 =	vadd.s32 $0x62, v22;
	v43 =	vadd.s32 $0x74, v22;
	v11 =	vcombine.low v34, v21  }
0x76: {  	s7 =	rddreg [dreg:$0x4];
	s3 =	srdreg.scid;
	v44 =	vadd.s32 $0x8E, v22;
	v45 =	vadd.s32 $0x84, v22;
	v46 =	vadd.s32 $0x9E, v22;
	[tilespmem:$0x1FF60] =	vst v0  }
0x77: {  	s28 =	simm.s32 $0x300;
	s29 =	simm.s32 $0x500;
	s30 =	simm.s32 $0x180;
	v47 =	vadd.s32 $0x94, v22;
	v0 =	vsel vm0, $0x1D1, v25;
	[tilespmem:$0x1FF80] =	vst v11;
	v11 =	vadd.s32 $0x6, v22  }
0x78: {  	s1 =	simm.s32 $0x0;
	s8 =	sand.u32 $0x1, s3;
	s3 =	sadd.s32 $0x232800, s5;
	v48 =	vadd.s32 $0xAE, v22;
	v51 =	vadd.s32 $0xB6, v22;
	v0 =	vsel vm1, $0x1D2, v0;
	[tilespmem:$0x1FF90] =	vst v11  }
0x79: {  	s4 =	stileid.u32;
	s20 =	simm.s32 $0x2;
	s31 =	simm.s32 $0x380;
	v52 =	vadd.s32 $0xDA, v22;
	v11 =	vor.u32 $0x10, v22;
	[tilespmem:$0x1FF70] =	vst v0;
	v0 =	vimm.s32 $0x10321076  }
0x7a: {  	[smem:$0x7FF] =	sst s1;
	s10 =	sshll.u32 s4, $0x1;
	s4 =	sadd.s32 $0x187800, s5;
	v53 =	vadd.s32 $0xC6, v22;
	[tilespmem:$0x1FFA0] =	vst v11;
	v11 =	vadd.s32 $0x16, v22;
	v0 =	vunpack.c.l.s4.s8 v0  }
0x7b: {  	s5 =	sadd.s32 $0x494E00, s5;
	s9 =	ssub.s32 $0x2, s8;
	s8 =	sor.u32 s8, s10;
	v54 =	vadd.s32 $0xEA, v22;
	v34 =	vsel vm1, $0x20E, v39;
	[tilespmem:$0x1FFB0] =	vst v11;
	v11 =	vor.u32 $0x20, v22  }
0x7c: {  	s11 =	sshrl.u32 s9, $0x1;
	s10 =	sshll.u32 s8, $0x6;
	s8 =	smul.u32 $0x1080, s8;
	v35 =	vcombine.low v2, v1;
	[tilespmem:$0x1FFC0] =	vst v11;
	v11 =	vadd.s32 $0x26, v22;
	v0 =	vunpack.c.0.s8.s32 v0  }
0x7d: {  	s9 =	ssub.s32 s9, s11;
	s21 =	sadd.s32 s0, s10;
	s22 =	sadd.s32 s2, s10;
	v2 =	vcombine.low v17, v57;
	[tilespmem:$0x1FFD0] =	vst v11;
	v11 =	vsel vm0, $0x113, v36;
	vm0 =	vcmask $0x1F00  }
0x7e: {  	s23 =	sor.u32 $0x10, s10;
	s12 =	sadd.s32 s6, s10;
	s25 =	sor.u32 $0x20, s10;
	v11 =	vsel vm1, $0x114, v11;
	vm1 =	vcmask $0x3F1C;
	v0 =	vnsel vm0, $0x1, v0  }
0x7f: {  	s10 =	sor.u32 $0x30, s10;
	s24 =	sadd.s32 s0, s23;
	s13 =	sadd.s32 s2, s23;
	[tilespmem:$0x1FF30] =	vst v23;
	v59 =	vadd.s32 $0xE8, v22;
	v37 =	vsel vm1, v3, v0;
	v0 =	vcombine.low v18, v16  }
0x80: {  	s11 =	sadd.s32 s6, s23;
	s26 =	sadd.s32 s0, s25;
	s14 =	sadd.s32 s6, s25;
	v1 =	vimm.s32 $0x10765476;
	v50 =	vand.u32 $0xFF, v2;
	v2 =	vimm.s32 $0x76107654;
	[tilespmem:$0x1FFE0] =	vst v11  }
0x81: {  	s15 =	sadd.s32 s0, s10;
	_ =	strace $0x80000047;
	[dreg:$0x6] =	wrdreg s21;
	v42 =	vand.u32 $0xFF, v0;
	v0 =	vunpack.c.l.s4.s8 v1;
	v1 =	vcombine.low v19, v8  }
0x82: {  	s16 =	sadd.s32 s2, s10;
	s17 =	sadd.s32 s6, s10;
	v60 =	vadd.s32 $0x116, v22;
	v61 =	vadd.s32 $0xF8, v22;
	v2 =	vunpack.c.l.s4.s8 v2;
	[dreg:$0x7] =	wrdreg s22  }
0x83: {  	s18 =	sadd.s32 s7, s8;
	s19 =	smax.u32 s9, $0x1;
	[dreg:$0x8] =	wrdreg s12;
	v0 =	vunpack.c.0.s8.s32 v0;
	v49 =	vand.u32 $0xFF, v1;
	v1 =	vcombine.low v9, v6  }
0x84: {  	s23 =	simm.s32 $0x80;
	s0 =	simm.s32 $0x580;
	v39 =	vadd.s32 $0x52, v22;
	v57 =	vadd.s32 $0x152, v22;
	v25 =	vlaneseq.u32;
	[dreg:$0x9] =	wrdreg s24  }
0x85: {  	s6 =	simm.s32 $0x1600;
	s7 =	simm.s32 $0x8600;
	v2 =	vunpack.c.0.s8.s32 v2;
	[dreg:$0xa] =	wrdreg s13;
	v0 =	vnsel vm0, $0x1, v0;
	v56 =	vand.u32 $0xFF, v1  }
0x86: {  	s8 =	simm.s32 $0x1;
	s9 =	simm.s32 $0x9600;
	[dreg:$0xb] =	wrdreg s11;
	v1 =	vcombine.low v10, v5;
	v55 =	vsel vm1, v3, v0;
	v0 =	vimm.s32 $0x3020100  }
0x87: {  	s10 =	simm.s32 $0x0;
	v36 =	vcombine.low v20, v4;
	v4 =	vadd.s32 $0x126, v22;
	[dreg:$0xc] =	wrdreg s26;
	s13 =	sadd.s32 s2, s25;
	v0 =	vunpack.c.0.s8.s32 v0  }
0x88: {  	s21 =	simm.s32 $0x200;
	s22 =	simm.s32 $0x400;
	s24 =	simm.s32 $0x280;
	v18 =	vadd.s32 $0x12A, v22;
	v8 =	vadd.s32 $0x11A, v22;
	v62 =	vand.u32 $0xFF, v1  }
0x89: {  	s25 =	simm.s32 $0x480;
	s26 =	simm.s32 $0x100;
	s2 =	simm.s32 $0x600;
	v1 =	vadd.s32 $0x13A, v22;
	[tilespmem:$0x1FFF0] =	vst v0;
	v63 =	vcombine.low v2, v0;
	v0 =	vadd.s32 $0x162, v22  }
.LBB2_1:
0x8a: {  	s11 =	rddreg [dreg:$0x6]  }
0x8b: {  	[tilespmem:s1], [sflag:$0x2] =	stream.linear.gather [hbm4b:s11+s1], $0x80, $0x38;
	[tilespmem:$0x11A00] =	vst v63  }
0x8c: {  	_ =	swait.ge [sflag:s20], $0x80  }
0x8d: {  	[sflag:s20] =	ssyncset.done $0x0  }
0x8e: {  	s12 =	rddreg [dreg:$0x7];
	[sflag:s20] =	ssyncadd.s32 $0xFFFFFF80  }
0x8f: {  	[tilespmem:s21], [sflag:$0x2] =	stream.linear.gather [hbm4b:s12+s1], $0x80, $0x38;
	[tilespmem:$0x11A00] =	vst v63  }
0x90: {  	_ =	swait.ge [sflag:s20], $0x80  }
0x91: {  	[sflag:s20] =	ssyncset.done $0x0  }
0x92: {  	s12 =	rddreg [dreg:$0x8];
	[sflag:s20] =	ssyncadd.s32 $0xFFFFFF80  }
0x93: {  	[tilespmem:s22], [sflag:$0x2] =	stream.linear.gather [hbm4b:s12+s1], $0x80, $0x38;
	[tilespmem:$0x11A00] =	vst v63  }
0x94: {  	_ =	swait.ge [sflag:s20], $0x80  }
0x95: {  	[sflag:s20] =	ssyncset.done $0x0  }
0x96: {  	s12 =	rddreg [dreg:$0x9];
	[sflag:s20] =	ssyncadd.s32 $0xFFFFFF80  }
0x97: {  	[tilespmem:s23], [sflag:$0x2] =	stream.linear.gather [hbm4b:s12+s1], $0x80, $0x38;
	[tilespmem:$0x11A00] =	vst v63  }
0x98: {  	_ =	swait.ge [sflag:s20], $0x80  }
0x99: {  	[sflag:s20] =	ssyncset.done $0x0  }
0x9a: {  	s12 =	rddreg [dreg:$0xa];
	[sflag:s20] =	ssyncadd.s32 $0xFFFFFF80  }
0x9b: {  	[tilespmem:s24], [sflag:$0x2] =	stream.linear.gather [hbm4b:s12+s1], $0x80, $0x38;
	[tilespmem:$0x11A00] =	vst v63  }
0x9c: {  	_ =	swait.ge [sflag:s20], $0x80  }
0x9d: {  	[sflag:s20] =	ssyncset.done $0x0  }
0x9e: {  	s12 =	rddreg [dreg:$0xb];
	[sflag:s20] =	ssyncadd.s32 $0xFFFFFF80  }
0x9f: {  	[tilespmem:s25], [sflag:$0x2] =	stream.linear.gather [hbm4b:s12+s1], $0x80, $0x38;
	[tilespmem:$0x11A00] =	vst v63  }
0xa0: {  	_ =	swait.ge [sflag:s20], $0x80  }
0xa1: {  	[sflag:s20] =	ssyncset.done $0x0  }
0xa2: {  	s12 =	rddreg [dreg:$0xc];
	[sflag:s20] =	ssyncadd.s32 $0xFFFFFF80  }
0xa3: {  	[tilespmem:s26], [sflag:$0x2] =	stream.linear.gather [hbm4b:s12+s1], $0x80, $0x38;
	[tilespmem:$0x11A00] =	vst v63  }
0xa4: {  	_ =	swait.ge [sflag:s20], $0x80  }
0xa5: {  	[sflag:s20] =	ssyncset.done $0x0  }
0xa6: {  	[sflag:s20] =	ssyncadd.s32 $0xFFFFFF80  }
0xa7: {  	[tilespmem:s28], [sflag:$0x2] =	stream.linear.gather [hbm4b:s13+s1], $0x80, $0x38;
	[tilespmem:$0x11A00] =	vst v63  }
0xa8: {  	_ =	swait.ge [sflag:s20], $0x80  }
0xa9: {  	[sflag:s20] =	ssyncset.done $0x0  }
0xaa: {  	[sflag:s20] =	ssyncadd.s32 $0xFFFFFF80  }
0xab: {  	[tilespmem:s29], [sflag:$0x2] =	stream.linear.gather [hbm4b:s14+s1], $0x80, $0x38;
	[tilespmem:$0x11A00] =	vst v63  }
0xac: {  	_ =	swait.ge [sflag:s20], $0x80  }
0xad: {  	[sflag:s20] =	ssyncset.done $0x0  }
0xae: {  	[sflag:s20] =	ssyncadd.s32 $0xFFFFFF80  }
0xaf: {  	[tilespmem:s30], [sflag:$0x2] =	stream.linear.gather [hbm4b:s15+s1], $0x80, $0x38;
	[tilespmem:$0x11A00] =	vst v63  }
0xb0: {  	_ =	swait.ge [sflag:s20], $0x80  }
0xb1: {  	[sflag:s20] =	ssyncset.done $0x0  }
0xb2: {  	[sflag:s20] =	ssyncadd.s32 $0xFFFFFF80  }
0xb3: {  	[tilespmem:s31], [sflag:$0x2] =	stream.linear.gather [hbm4b:s16+s1], $0x80, $0x38;
	[tilespmem:$0x11A00] =	vst v63  }
0xb4: {  	_ =	swait.ge [sflag:s20], $0x80  }
0xb5: {  	[sflag:s20] =	ssyncset.done $0x0  }
0xb6: {  	[sflag:s20] =	ssyncadd.s32 $0xFFFFFF80  }
0xb7: {  	[tilespmem:s0], [sflag:$0x2] =	stream.linear.gather [hbm4b:s17+s1], $0x80, $0x38;
	[tilespmem:$0x11A00] =	vst v63  }
0xb8: {  	_ =	swait.ge [sflag:s20], $0x80  }
0xb9: {  	[sflag:s20] =	ssyncset.done $0x0  }
0xba: {  	[sflag:s20] =	ssyncadd.s32 $0xFFFFFF80  }
0xbb: {  	[tilespmem:s2], [sflag:$0x1] =	stream.indirect.gather [hbm4b:s3+s23], $0x8, s1, s23, $0xb8;
	[tilespmem:$0x11A00] =	vst v63  }
0xbc: {  	_ = 	snop  }
0xbd: {  	[tilespmem:s6], [sflag:$0x1] =	stream.indirect.gather [hbm4b:s4+s23], $0x38, s21, s23, $0xb8;
	[tilespmem:$0x11A00] =	vst v63  }
0xbe: {  	_ = 	snop  }
0xbf: {  	[tilespmem:s7], [sflag:$0x1] =	stream.indirect.gather [hbm4b:s5+s23], $0x8, s22, s23, $0xb8;
	[tilespmem:$0x11A00] =	vst v63  }
0xc0: {  	s12 =	simm.s32 $0xA00  }
0xc1: {  	[tilespmem:s12], [sflag:$0x1] =	stream.indirect.gather [hbm4b:s3+s23], $0x8, s23, s23, $0xb8;
	[tilespmem:$0x11A00] =	vst v63  }
0xc2: {  	s12 =	simm.s32 $0x3200  }
0xc3: {  	[tilespmem:s12], [sflag:$0x1] =	stream.indirect.gather [hbm4b:s4+s23], $0x38, s24, s23, $0xb8;
	[tilespmem:$0x11A00] =	vst v63  }
0xc4: {  	s12 =	simm.s32 $0x8A00  }
0xc5: {  	[tilespmem:s12], [sflag:$0x1] =	stream.indirect.gather [hbm4b:s5+s23], $0x8, s25, s23, $0xb8;
	[tilespmem:$0x11A00] =	vst v63  }
0xc6: {  	s12 =	simm.s32 $0xE00  }
0xc7: {  	[tilespmem:s12], [sflag:$0x1] =	stream.indirect.gather [hbm4b:s3+s23], $0x8, s26, s23, $0xb8;
	[tilespmem:$0x11A00] =	vst v63  }
0xc8: {  	s12 =	simm.s32 $0x4E00  }
0xc9: {  	[tilespmem:s12], [sflag:$0x1] =	stream.indirect.gather [hbm4b:s4+s23], $0x38, s28, s23, $0xb8;
	[tilespmem:$0x11A00] =	vst v63  }
0xca: {  	s12 =	simm.s32 $0x8E00  }
0xcb: {  	[tilespmem:s12], [sflag:$0x1] =	stream.indirect.gather [hbm4b:s5+s23], $0x8, s29, s23, $0xb8;
	[tilespmem:$0x11A00] =	vst v63  }
0xcc: {  	s12 =	simm.s32 $0x1200  }
0xcd: {  	[tilespmem:s12], [sflag:$0x1] =	stream.indirect.gather [hbm4b:s3+s23], $0x8, s30, s23, $0xb8;
	[tilespmem:$0x11A00] =	vst v63  }
0xce: {  	s12 =	simm.s32 $0x6A00  }
0xcf: {  	[tilespmem:s12], [sflag:$0x1] =	stream.indirect.gather [hbm4b:s4+s23], $0x38, s31, s23, $0xb8;
	[tilespmem:$0x11A00] =	vst v63  }
0xd0: {  	s12 =	simm.s32 $0x9200  }
0xd1: {  	[tilespmem:s12], [sflag:$0x1] =	stream.indirect.gather [hbm4b:s5+s23], $0x8, s0, s23, $0xb8;
	[tilespmem:$0x11A00] =	vst v63  }
0xd2: {  	_ =	swait.ge [sflag:s8], $0x400  }
0xd3: {  	[sflag:s8] =	ssyncset.done $0x0  }
0xd4: {  	[sflag:s8] =	ssyncadd.s32 $0xFFFFFC00  }
0xd5: {  	_ =	swait.ge [sflag:s8], $0x1C00  }
0xd6: {  	[sflag:s8] =	ssyncset.done $0x0  }
0xd7: {  	[sflag:s8] =	ssyncadd.s32 $0xFFFFE400  }
0xd8: {  	_ =	swait.ge [sflag:s8], $0x400  }
0xd9: {  	[sflag:s8] =	ssyncset.done $0x0  }
0xda: {  	[sflag:s8] =	ssyncadd.s32 $0xFFFFFC00  }
0xdb: {  	_ =	swait.ge [sflag:s8], $0x400  }
0xdc: {  	[sflag:s8] =	ssyncset.done $0x0  }
0xdd: {  	[sflag:s8] =	ssyncadd.s32 $0xFFFFFC00  }
0xde: {  	_ =	swait.ge [sflag:s8], $0x1C00  }
0xdf: {  	[sflag:s8] =	ssyncset.done $0x0  }
0xe0: {  	[sflag:s8] =	ssyncadd.s32 $0xFFFFE400  }
0xe1: {  	_ =	swait.ge [sflag:s8], $0x400  }
0xe2: {  	[sflag:s8] =	ssyncset.done $0x0  }
0xe3: {  	[sflag:s8] =	ssyncadd.s32 $0xFFFFFC00  }
0xe4: {  	_ =	swait.ge [sflag:s8], $0x400  }
0xe5: {  	[sflag:s8] =	ssyncset.done $0x0  }
0xe6: {  	[sflag:s8] =	ssyncadd.s32 $0xFFFFFC00  }
0xe7: {  	_ =	swait.ge [sflag:s8], $0x1C00  }
0xe8: {  	[sflag:s8] =	ssyncset.done $0x0  }
0xe9: {  	[sflag:s8] =	ssyncadd.s32 $0xFFFFE400  }
0xea: {  	_ =	swait.ge [sflag:s8], $0x400  }
0xeb: {  	[sflag:s8] =	ssyncset.done $0x0  }
0xec: {  	[sflag:s8] =	ssyncadd.s32 $0xFFFFFC00  }
0xed: {  	_ =	swait.ge [sflag:s8], $0x400  }
0xee: {  	[sflag:s8] =	ssyncset.done $0x0  }
0xef: {  	[sflag:s8] =	ssyncadd.s32 $0xFFFFFC00  }
0xf0: {  	_ =	swait.ge [sflag:s8], $0x1C00  }
0xf1: {  	v6 =	vld [tilespmem:$0x1FEA0]  }
0xf2: {  	v9 =	vld [tilespmem:$0x1FED0];
	_ =	sdelay $0x1  }
0xf3: {  	v2 =	vmov s1;
	[sflag:s8] =	ssyncset.done $0x0  }
0xf4: {  	v5 =	vshll.u32 v2, $0x3;
	[sflag:s8] =	ssyncadd.s32 $0xFFFFE400  }
0xf5: {  	_ =	swait.ge [sflag:s8], $0x400;
	v6 =	vor.u32 v6, v5  }
0xf6: {  	v23 =	vor.u32 v9, v6;
	v6 =	vld [tilespmem:$0x1FF20];
	_ =	sdelay $0x1  }
0xf7: {  	v10 =	vld [tilespmem:$0x1FF30];
	_ =	sdelay $0x2  }
0xf8: {  	v6 =	vadd.s32 s1, v6  }
0xf9: {  	v6 =	vand.u32 $0x1FFF0, v6  }
0xfa: {  	v6 =	vor.u32 v10, v6;
	v10 =	vld [tilespmem:$0x1FE90]  }
0xfb: {  	v11 =	vld [tilespmem:$0x1FF40];
	_ =	sdelay $0x3  }
0xfc: {  	[sflag:s8] =	ssyncset.done $0x0;
	v10 =	vor.u32 v10, v5  }
0xfd: {  	[sflag:s8] =	ssyncadd.s32 $0xFFFFFC00;
	v24 =	vor.u32 v11, v10;
	v10 =	vld [tilespmem:$0x1FF50]  }
0xfe: {  	v9 =	vld.idx.msk [tilespmem:v23+s2+$0x0], $0xffff;
	_ =	sdelay $0x3  }
0xff: {  	v10 =	vadd.s32 s1, v10  }
0x100: {  	[tilespmem:v6+s9+$0x0] =	vst.idx.msk $0xffff, v9;
	v6 =	vand.u32 $0x1FFF8, v10;
	v10 =	vld [tilespmem:$0x1FEE0];
	_ =	sdelay $0x4  }
0x101: {  	v6 =	vor.u32 v10, v6;
	v10 =	vld [tilespmem:$0x1FE80];
	_ =	sdelay $0x4  }
0x102: {  	v5 =	vor.u32 v10, v5;
	v10 =	vld [tilespmem:$0x1FF60];
	_ =	sdelay $0x1  }
0x103: {  	v9 =	vld.idx.msk [tilespmem:v24+s2+$0x0], $0xffff;
	_ =	sdelay $0x2  }
0x104: {  	v17 =	vor.u32 v10, v5;
	v5 =	vld [tilespmem:$0x1FF70];
	_ =	sdelay $0x1  }
0x105: {  	[tilespmem:v6+s9+$0x0] =	vst.idx.msk $0xffff, v9;
	v6 =	vld [tilespmem:$0x1FF80];
	_ =	sdelay $0x2  }
0x106: {  	v5 =	vadd.s32 s1, v5  }
0x107: {  	v15 =	vmul.u32 $0x38, v2;
	v5 =	vand.u32 $0x1FFF8, v5  }
0x108: {  	v22 =	vlaneseq.u32;
	v2 =	vld.idx.msk [tilespmem:v17+s2+$0x0], $0xffff;
	v5 =	vor.u32 v6, v5  }
0x109: {  	v6 =	vor.u32 v22, v15;
	_ =	sdelay $0x2  }
0x10a: {  	v9 =	vld [tilespmem:$0x1FF90]  }
0x10b: {  	[tilespmem:v5+s9+$0x0] =	vst.idx.msk $0xffff, v2  }
0x10c: {  	v5 =	vld.idx.msk [tilespmem:v6+s6+$0x0], $0xffff  }
0x10d: {  	v6 =	vld [tilespmem:$0x1FFA0];
	_ =	sdelay $0x1  }
0x10e: {  	v9 =	vadd.s32 s1, v9  }
0x10f: {  	v2 =	vand.u32 $0x1FFF8, v9  }
0x110: {  	v2 =	vor.u32 v7, v2  }
0x111: {  	v6 =	vor.u32 v6, v15;
	_ =	sdelay $0x2  }
0x112: {  	v9 =	vld [tilespmem:$0x1FFB0]  }
0x113: {  	[tilespmem:v2+s9+$0x0] =	vst.idx.msk $0xffff, v5  }
0x114: {  	v5 =	vld.idx.msk [tilespmem:v6+s6+$0x0], $0xffff  }
0x115: {  	v6 =	vld [tilespmem:$0x1FFC0];
	_ =	sdelay $0x1  }
0x116: {  	v9 =	vadd.s32 s1, v9  }
0x117: {  	v2 =	vand.u32 $0x1FFF8, v9;
	v9 =	vld [tilespmem:$0x1FFD0]  }
0x118: {  	v2 =	vor.u32 v7, v2  }
0x119: {  	v6 =	vor.u32 v6, v15;
	_ =	sdelay $0x2  }
0x11a: {  	v9 =	vadd.s32 s1, v9  }
0x11b: {  	[tilespmem:v2+s9+$0x0] =	vst.idx.msk $0xffff, v5;
	v2 =	vand.u32 $0x1FFF8, v9  }
0x11c: {  	v2 =	vor.u32 v7, v2;
	v5 =	vld.idx.msk [tilespmem:v6+s6+$0x0], $0xffff  }
0x11d: {  	v6 =	vadd.s32 v35, v15;
	_ =	sdelay $0x2  }
0x11e: {  	v9 =	vadd.s32 s1, v36  }
0x11f: {  	[tilespmem:v2+s9+$0x0] =	vst.idx.msk $0xffff, v5;
	v2 =	vand.u32 $0x1FFF8, v9  }
0x120: {  	v5 =	vld.idx.msk [tilespmem:v6+s6+$0x0], $0xffff;
	v2 =	vor.u32 v37, v2  }
0x121: {  	v6 =	vadd.s32 v38, v15;
	_ =	sdelay $0x2  }
0x122: {  	v9 =	vadd.s32 s1, v39  }
0x123: {  	[tilespmem:v2+s9+$0x0] =	vst.idx.msk $0xffff, v5;
	v2 =	vand.u32 $0x1FFF8, v9  }
0x124: {  	v5 =	vld.idx.msk [tilespmem:v6+s6+$0x0], $0xffff;
	v2 =	vor.u32 v3, v2  }
0x125: {  	v6 =	vadd.s32 v39, v15;
	_ =	sdelay $0x2  }
0x126: {  	v9 =	vadd.s32 s1, v40  }
0x127: {  	[tilespmem:v2+s9+$0x0] =	vst.idx.msk $0xffff, v5;
	v2 =	vand.u32 $0x1FFF8, v9  }
0x128: {  	v5 =	vld.idx.msk [tilespmem:v6+s6+$0x0], $0xffff;
	v2 =	vor.u32 v3, v2  }
0x129: {  	v6 =	vadd.s32 v41, v15;
	_ =	sdelay $0x3  }
0x12a: {  	[tilespmem:v2+s9+$0x0] =	vst.idx.msk $0xffff, v5  }
0x12b: {  	v5 =	vld.idx.msk [tilespmem:v6+s6+$0x0], $0xffff  }
0x12c: {  	v6 =	vld [tilespmem:$0x1FEC0];
	_ =	sdelay $0x2  }
0x12d: {  	v9 =	vadd.s32 s1, v42  }
0x12e: {  	v2 =	vand.u32 $0x1FFF8, v9  }
0x12f: {  	v2 =	vor.u32 v6, v2  }
0x130: {  	v6 =	vadd.s32 v43, v15;
	_ =	sdelay $0x2  }
0x131: {  	v9 =	vadd.s32 s1, v44  }
0x132: {  	[tilespmem:v2+s9+$0x0] =	vst.idx.msk $0xffff, v5;
	v2 =	vand.u32 $0x1FFF8, v9  }
0x133: {  	v5 =	vld.idx.msk [tilespmem:v6+s6+$0x0], $0xffff;
	v2 =	vor.u32 v7, v2  }
0x134: {  	v6 =	vadd.s32 v45, v15;
	_ =	sdelay $0x2  }
0x135: {  	v9 =	vadd.s32 s1, v46  }
0x136: {  	[tilespmem:v2+s9+$0x0] =	vst.idx.msk $0xffff, v5;
	v2 =	vand.u32 $0x1FFF8, v9  }
0x137: {  	v5 =	vld.idx.msk [tilespmem:v6+s6+$0x0], $0xffff;
	v2 =	vor.u32 v7, v2  }
0x138: {  	v6 =	vadd.s32 v47, v15;
	_ =	sdelay $0x2  }
0x139: {  	v9 =	vadd.s32 s1, v48  }
0x13a: {  	[tilespmem:v2+s9+$0x0] =	vst.idx.msk $0xffff, v5;
	v2 =	vand.u32 $0x1FFF8, v9  }
0x13b: {  	v5 =	vld.idx.msk [tilespmem:v6+s6+$0x0], $0xffff;
	v2 =	vor.u32 v7, v2  }
0x13c: {  	v6 =	vadd.s32 v49, v15;
	_ =	sdelay $0x2  }
0x13d: {  	v9 =	vadd.s32 s1, v50  }
0x13e: {  	[tilespmem:v2+s9+$0x0] =	vst.idx.msk $0xffff, v5;
	v2 =	vand.u32 $0x1FFF8, v9  }
0x13f: {  	v5 =	vld.idx.msk [tilespmem:v6+s6+$0x0], $0xffff;
	v2 =	vor.u32 v55, v2  }
0x140: {  	v6 =	vadd.s32 v51, v15;
	_ =	sdelay $0x2  }
0x141: {  	v9 =	vadd.s32 s1, v52  }
0x142: {  	[tilespmem:v2+s9+$0x0] =	vst.idx.msk $0xffff, v5;
	v2 =	vand.u32 $0x1FFF8, v9  }
0x143: {  	v5 =	vld.idx.msk [tilespmem:v6+s6+$0x0], $0xffff;
	v2 =	vor.u32 v3, v2  }
0x144: {  	v6 =	vadd.s32 v53, v15;
	_ =	sdelay $0x2  }
0x145: {  	v9 =	vadd.s32 s1, v54  }
0x146: {  	[tilespmem:v2+s9+$0x0] =	vst.idx.msk $0xffff, v5;
	v2 =	vand.u32 $0x1FFF8, v9;
	v9 =	vld [tilespmem:$0x1FFE0]  }
0x147: {  	v5 =	vld.idx.msk [tilespmem:v6+s6+$0x0], $0xffff;
	v2 =	vor.u32 v3, v2  }
0x148: {  	v6 =	vadd.s32 v56, v15;
	_ =	sdelay $0x2  }
0x149: {  	v9 =	vadd.s32 s1, v9  }
0x14a: {  	[tilespmem:v2+s9+$0x0] =	vst.idx.msk $0xffff, v5;
	v2 =	vand.u32 $0x1FFF8, v9  }
0x14b: {  	v5 =	vld.idx.msk [tilespmem:v6+s6+$0x0], $0xffff;
	v2 =	vor.u32 v58, v2  }
0x14c: {  	v6 =	vadd.s32 v59, v15;
	_ =	sdelay $0x2  }
0x14d: {  	v9 =	vadd.s32 s1, v60  }
0x14e: {  	[tilespmem:v2+s9+$0x0] =	vst.idx.msk $0xffff, v5;
	v2 =	vand.u32 $0x1FFF8, v9  }
0x14f: {  	v5 =	vld.idx.msk [tilespmem:v6+s6+$0x0], $0xffff;
	v2 =	vor.u32 v7, v2  }
0x150: {  	v6 =	vadd.s32 v61, v15;
	_ =	sdelay $0x2  }
0x151: {  	v9 =	vadd.s32 s1, v4  }
0x152: {  	[tilespmem:v2+s9+$0x0] =	vst.idx.msk $0xffff, v5;
	v2 =	vand.u32 $0x1FFF8, v9  }
0x153: {  	v5 =	vld.idx.msk [tilespmem:v6+s6+$0x0], $0xffff;
	v2 =	vor.u32 v7, v2  }
0x154: {  	v6 =	vadd.s32 v26, v15;
	_ =	sdelay $0x2  }
0x155: {  	v9 =	vadd.s32 s1, v27  }
0x156: {  	[tilespmem:v2+s9+$0x0] =	vst.idx.msk $0xffff, v5;
	v2 =	vand.u32 $0x1FFF8, v9  }
0x157: {  	v5 =	vld.idx.msk [tilespmem:v6+s6+$0x0], $0xffff;
	v2 =	vor.u32 v28, v2  }
0x158: {  	v6 =	vadd.s32 v8, v15;
	_ =	sdelay $0x2  }
0x159: {  	v9 =	vadd.s32 s1, v57  }
0x15a: {  	[tilespmem:v2+s9+$0x0] =	vst.idx.msk $0xffff, v5;
	v2 =	vand.u32 $0x1FFF8, v9  }
0x15b: {  	v5 =	vld.idx.msk [tilespmem:v6+s6+$0x0], $0xffff;
	v2 =	vor.u32 v3, v2  }
0x15c: {  	v6 =	vadd.s32 v18, v15;
	_ =	sdelay $0x2  }
0x15d: {  	v9 =	vadd.s32 s1, v0  }
0x15e: {  	[tilespmem:v2+s9+$0x0] =	vst.idx.msk $0xffff, v5;
	v2 =	vand.u32 $0x1FFF8, v9  }
0x15f: {  	v5 =	vld.idx.msk [tilespmem:v6+s6+$0x0], $0xffff;
	v2 =	vor.u32 v3, v2  }
0x160: {  	v9 =	vadd.s32 v1, v15;
	_ =	sdelay $0x1  }
0x161: {  	v6 =	vadd.s32 $0x172, v22  }
0x162: {  	v10 =	vadd.s32 s1, v6  }
0x163: {  	v11 =	vld [tilespmem:$0x1FEB0];
	[tilespmem:v2+s9+$0x0] =	vst.idx.msk $0xffff, v5;
	v2 =	vand.u32 $0x1FFF8, v10  }
0x164: {  	v5 =	vld.idx.msk [tilespmem:v9+s6+$0x0], $0xffff;
	v2 =	vor.u32 v3, v2  }
0x165: {  	v10 =	vadd.s32 v29, v15;
	_ =	sdelay $0x2  }
0x166: {  	v11 =	vnsel vm0, $0x5, v11;
	v9 =	vadd.s32 s1, v30  }
0x167: {  	[tilespmem:v2+s9+$0x0] =	vst.idx.msk $0xffff, v5;
	v2 =	vand.u32 $0x1FFF8, v9;
	v9 =	vsel vm1, v7, v11  }
0x168: {  	v5 =	vld.idx.msk [tilespmem:v10+s6+$0x0], $0xffff;
	v11 =	vor.u32 v9, v2;
	v10 =	vadd.s32 $0x15C, v22  }
0x169: {  	v12 =	vadd.s32 v10, v15;
	_ =	sdelay $0x1  }
0x16a: {  	v2 =	vadd.s32 $0x19E, v22  }
0x16b: {  	v13 =	vadd.s32 s1, v2  }
0x16c: {  	[tilespmem:v11+s9+$0x0] =	vst.idx.msk $0xffff, v5;
	v5 =	vand.u32 $0x1FFF8, v13  }
0x16d: {  	v11 =	vadd.s32 $0x16C, v22;
	v12 =	vld.idx.msk [tilespmem:v12+s6+$0x0], $0xffff;
	v13 =	vor.u32 v7, v5  }
0x16e: {  	v14 =	vadd.s32 v11, v15;
	_ =	sdelay $0x1  }
0x16f: {  	v5 =	vadd.s32 $0x1AE, v22  }
0x170: {  	v20 =	vadd.s32 s1, v5  }
0x171: {  	[tilespmem:v13+s9+$0x0] =	vst.idx.msk $0xffff, v12;
	v12 =	vand.u32 $0x1FFF8, v20  }
0x172: {  	v13 =	vld.idx.msk [tilespmem:v14+s6+$0x0], $0xffff;
	v12 =	vor.u32 v7, v12;
	_ =	sdelay $0x4  }
0x173: {  	v14 =	vadd.s32 v31, v15;
	[tilespmem:v12+s9+$0x0] =	vst.idx.msk $0xffff, v13;
	v13 =	vld [tilespmem:$0x1FEF0];
	_ =	sdelay $0x2  }
0x174: {  	v20 =	vadd.s32 s1, v32  }
0x175: {  	v12 =	vand.u32 $0x1FFF8, v20  }
0x176: {  	v16 =	vld.idx.msk [tilespmem:v14+s6+$0x0], $0xffff;
	v20 =	vor.u32 v13, v12;
	v12 =	vadd.s32 $0x18E, v22  }
0x177: {  	v21 =	vadd.s32 v12, v15;
	_ =	sdelay $0x1  }
0x178: {  	v13 =	vadd.s32 $0x1DA, v22  }
0x179: {  	v14 =	vadd.s32 s1, v13  }
0x17a: {  	v14 =	vand.u32 $0x1FFF8, v14;
	[tilespmem:v20+s9+$0x0] =	vst.idx.msk $0xffff, v16  }
0x17b: {  	v20 =	vor.u32 v3, v14;
	v19 =	vld.idx.msk [tilespmem:v21+s6+$0x0], $0xffff  }
0x17c: {  	v21 =	vadd.s32 v2, v15;
	_ =	sdelay $0x1  }
0x17d: {  	v14 =	vadd.s32 $0x1EA, v22  }
0x17e: {  	v16 =	vadd.s32 s1, v14  }
0x17f: {  	v16 =	vand.u32 $0x1FFF8, v16;
	[tilespmem:v20+s9+$0x0] =	vst.idx.msk $0xffff, v19  }
0x180: {  	v16 =	vor.u32 v3, v16;
	v19 =	vld.idx.msk [tilespmem:v21+s6+$0x0], $0xffff  }
0x181: {  	v20 =	vadd.s32 v5, v15;
	_ =	sdelay $0x1  }
0x182: {  	v15 =	vadd.s32 $0x1FA, v22  }
0x183: {  	v21 =	vadd.s32 s1, v15  }
0x184: {  	[tilespmem:v16+s9+$0x0] =	vst.idx.msk $0xffff, v19;
	v16 =	vand.u32 $0x1FFF8, v21  }
0x185: {  	v19 =	vld.idx.msk [tilespmem:v20+s6+$0x0], $0xffff;
	v16 =	vor.u32 v3, v16;
	_ =	sdelay $0x3  }
0x186: {  	v20 =	vadd.s32 s1, v62  }
0x187: {  	[tilespmem:v16+s9+$0x0] =	vst.idx.msk $0xffff, v19;
	v16 =	vand.u32 $0x1FFF8, v20  }
0x188: {  	v19 =	vld.idx.msk [tilespmem:v23+s7+$0x0], $0xffff;
	v16 =	vor.u32 v63, v16;
	_ =	sdelay $0x3  }
0x189: {  	v20 =	vadd.s32 s1, v33  }
0x18a: {  	[tilespmem:v16+s9+$0x0] =	vst.idx.msk $0xffff, v19;
	v16 =	vand.u32 $0x1FFF8, v20;
	v20 =	vld [tilespmem:$0x1FF10];
	_ =	sdelay $0x4  }
0x18b: {  	v19 =	vld.idx.msk [tilespmem:v24+s7+$0x0], $0xffff;
	v16 =	vor.u32 v20, v16;
	_ =	sdelay $0x3  }
0x18c: {  	v20 =	vld [tilespmem:$0x1FFF0]  }
0x18d: {  	[tilespmem:v16+s9+$0x0] =	vst.idx.msk $0xffff, v19;
	v16 =	vld [tilespmem:$0x1FF00];
	_ =	sdelay $0x3  }
0x18e: {  	s12 =	simm.s32 $0x8  }
0x18f: {  	s11 =	simm.s32 $0x0;
	v21 =	vmov s12;
	s12 =	simm.s32 $0x10;
	v19 =	vadd.s32 s1, v34;
	v16 =	vcombine.low v20, v16  }
.LBB2_2:
0x190: {  	v19 =	vand.u32 $0x1FFF8, v19;
	v20 =	vld [tilespmem:$0x1FEA0]  }
0x191: {  	v23 =	vor.u32 v16, v19;
	v19 =	vld [tilespmem:$0x1FED0];
	_ =	sdelay $0x1  }
0x192: {  	v17 =	vld.idx.msk [tilespmem:v17+s7+$0x0], $0xffff  }
0x193: {  	v22 =	vshll.u32 v21, $0x3  }
0x194: {  	v20 =	vor.u32 v20, v22  }
0x195: {  	v19 =	vor.u32 v19, v20;
	v20 =	vld [tilespmem:$0x1FF20];
	_ =	sdelay $0x1  }
0x196: {  	[tilespmem:v23+s9+$0x0] =	vst.idx.msk $0xffff, v17;
	v23 =	vld [tilespmem:$0x1FF30];
	_ =	sdelay $0x1  }
0x197: {  	s11 =	sadd.s32 $0x210, s11  }
0x198: {  	v20 =	vadd.s32 s11, v20  }
0x199: {  	v20 =	vand.u32 $0x1FFF0, v20  }
0x19a: {  	v17 =	vld.idx.msk [tilespmem:v19+s2+$0x0], $0xffff;
	v23 =	vor.u32 v23, v20  }
0x19b: {  	v20 =	vld [tilespmem:$0x1FE90]  }
0x19c: {  	v24 =	vld [tilespmem:$0x1FF40];
	_ =	sdelay $0x2  }
0x19d: {  	[tilespmem:v23+s9+$0x0] =	vst.idx.msk $0xffff, v17;
	v17 =	vld [tilespmem:$0x1FF50]  }
0x19e: {  	v20 =	vor.u32 v20, v22  }
0x19f: {  	v20 =	vor.u32 v24, v20;
	v24 =	vld [tilespmem:$0x1FEE0];
	_ =	sdelay $0x2  }
0x1a0: {  	v17 =	vadd.s32 s11, v17  }
0x1a1: {  	v17 =	vand.u32 $0x1FFF8, v17  }
0x1a2: {  	v24 =	vor.u32 v24, v17;
	v17 =	vld [tilespmem:$0x1FE80];
	_ =	sdelay $0x4  }
0x1a3: {  	v17 =	vor.u32 v17, v22;
	v22 =	vld [tilespmem:$0x1FF60];
	_ =	sdelay $0x1  }
0x1a4: {  	v23 =	vld.idx.msk [tilespmem:v20+s2+$0x0], $0xffff;
	_ =	sdelay $0x2  }
0x1a5: {  	v17 =	vor.u32 v22, v17;
	v22 =	vld [tilespmem:$0x1FF70];
	_ =	sdelay $0x1  }
0x1a6: {  	[tilespmem:v24+s9+$0x0] =	vst.idx.msk $0xffff, v23;
	v24 =	vld [tilespmem:$0x1FF80];
	_ =	sdelay $0x2  }
0x1a7: {  	v22 =	vadd.s32 s11, v22  }
0x1a8: {  	v22 =	vand.u32 $0x1FFF8, v22  }
0x1a9: {  	v23 =	vld.idx.msk [tilespmem:v17+s2+$0x0], $0xffff;
	v22 =	vor.u32 v24, v22;
	_ =	sdelay $0x4  }
0x1aa: {  	v21 =	vmul.u32 $0x38, v21;
	[tilespmem:v22+s9+$0x0] =	vst.idx.msk $0xffff, v23;
	v22 =	vld [tilespmem:$0x1FF90];
	_ =	sdelay $0x1  }
0x1ab: {  	v24 =	vor.u32 v25, v21;
	_ =	sdelay $0x2  }
0x1ac: {  	v22 =	vadd.s32 s11, v22  }
0x1ad: {  	v22 =	vand.u32 $0x1FFF8, v22  }
0x1ae: {  	v23 =	vld.idx.msk [tilespmem:v24+s6+$0x0], $0xffff;
	v22 =	vor.u32 v7, v22;
	_ =	sdelay $0x1  }
0x1af: {  	v24 =	vld [tilespmem:$0x1FFA0];
	_ =	sdelay $0x2  }
0x1b0: {  	[tilespmem:v22+s9+$0x0] =	vst.idx.msk $0xffff, v23;
	v22 =	vld [tilespmem:$0x1FFB0];
	_ =	sdelay $0x1  }
0x1b1: {  	v24 =	vor.u32 v24, v21;
	_ =	sdelay $0x2  }
0x1b2: {  	v22 =	vadd.s32 s11, v22  }
0x1b3: {  	v22 =	vand.u32 $0x1FFF8, v22  }
0x1b4: {  	v23 =	vld.idx.msk [tilespmem:v24+s6+$0x0], $0xffff;
	v22 =	vor.u32 v7, v22;
	_ =	sdelay $0x1  }
0x1b5: {  	v24 =	vld [tilespmem:$0x1FFC0];
	_ =	sdelay $0x2  }
0x1b6: {  	[tilespmem:v22+s9+$0x0] =	vst.idx.msk $0xffff, v23;
	v22 =	vld [tilespmem:$0x1FFD0];
	_ =	sdelay $0x1  }
0x1b7: {  	v24 =	vor.u32 v24, v21;
	_ =	sdelay $0x2  }
0x1b8: {  	v22 =	vadd.s32 s11, v22  }
0x1b9: {  	v22 =	vand.u32 $0x1FFF8, v22  }
0x1ba: {  	v23 =	vld.idx.msk [tilespmem:v24+s6+$0x0], $0xffff;
	v22 =	vor.u32 v7, v22;
	_ =	sdelay $0x1  }
0x1bb: {  	v24 =	vadd.s32 v35, v21;
	_ =	sdelay $0x2  }
0x1bc: {  	[tilespmem:v22+s9+$0x0] =	vst.idx.msk $0xffff, v23;
	v22 =	vadd.s32 s11, v36  }
0x1bd: {  	v22 =	vand.u32 $0x1FFF8, v22  }
0x1be: {  	v23 =	vld.idx.msk [tilespmem:v24+s6+$0x0], $0xffff;
	v22 =	vor.u32 v37, v22;
	_ =	sdelay $0x1  }
0x1bf: {  	v24 =	vadd.s32 v38, v21;
	_ =	sdelay $0x2  }
0x1c0: {  	[tilespmem:v22+s9+$0x0] =	vst.idx.msk $0xffff, v23;
	v22 =	vadd.s32 s11, v39  }
0x1c1: {  	v22 =	vand.u32 $0x1FFF8, v22  }
0x1c2: {  	v23 =	vld.idx.msk [tilespmem:v24+s6+$0x0], $0xffff;
	v22 =	vor.u32 v3, v22;
	_ =	sdelay $0x1  }
0x1c3: {  	v24 =	vadd.s32 v39, v21;
	_ =	sdelay $0x2  }
0x1c4: {  	[tilespmem:v22+s9+$0x0] =	vst.idx.msk $0xffff, v23;
	v22 =	vadd.s32 s11, v40  }
0x1c5: {  	v22 =	vand.u32 $0x1FFF8, v22  }
0x1c6: {  	v23 =	vld.idx.msk [tilespmem:v24+s6+$0x0], $0xffff;
	v22 =	vor.u32 v3, v22  }
0x1c7: {  	v24 =	vadd.s32 v41, v21;
	_ =	sdelay $0x3  }
0x1c8: {  	[tilespmem:v22+s9+$0x0] =	vst.idx.msk $0xffff, v23  }
0x1c9: {  	v23 =	vld.idx.msk [tilespmem:v24+s6+$0x0], $0xffff  }
0x1ca: {  	v24 =	vld [tilespmem:$0x1FEC0];
	_ =	sdelay $0x2  }
0x1cb: {  	v22 =	vadd.s32 s11, v42  }
0x1cc: {  	v22 =	vand.u32 $0x1FFF8, v22  }
0x1cd: {  	v22 =	vor.u32 v24, v22;
	_ =	sdelay $0x1  }
0x1ce: {  	v24 =	vadd.s32 v43, v21;
	_ =	sdelay $0x2  }
0x1cf: {  	[tilespmem:v22+s9+$0x0] =	vst.idx.msk $0xffff, v23;
	v22 =	vadd.s32 s11, v44  }
0x1d0: {  	v22 =	vand.u32 $0x1FFF8, v22  }
0x1d1: {  	v23 =	vld.idx.msk [tilespmem:v24+s6+$0x0], $0xffff;
	v22 =	vor.u32 v7, v22;
	_ =	sdelay $0x1  }
0x1d2: {  	v24 =	vadd.s32 v45, v21;
	_ =	sdelay $0x2  }
0x1d3: {  	[tilespmem:v22+s9+$0x0] =	vst.idx.msk $0xffff, v23;
	v22 =	vadd.s32 s11, v46  }
0x1d4: {  	v22 =	vand.u32 $0x1FFF8, v22  }
0x1d5: {  	v23 =	vld.idx.msk [tilespmem:v24+s6+$0x0], $0xffff;
	v22 =	vor.u32 v7, v22;
	_ =	sdelay $0x1  }
0x1d6: {  	v24 =	vadd.s32 v47, v21;
	_ =	sdelay $0x2  }
0x1d7: {  	[tilespmem:v22+s9+$0x0] =	vst.idx.msk $0xffff, v23;
	v22 =	vadd.s32 s11, v48  }
0x1d8: {  	v22 =	vand.u32 $0x1FFF8, v22  }
0x1d9: {  	v23 =	vld.idx.msk [tilespmem:v24+s6+$0x0], $0xffff;
	v22 =	vor.u32 v7, v22;
	_ =	sdelay $0x1  }
0x1da: {  	v24 =	vadd.s32 v49, v21;
	_ =	sdelay $0x2  }
0x1db: {  	[tilespmem:v22+s9+$0x0] =	vst.idx.msk $0xffff, v23;
	v22 =	vadd.s32 s11, v50  }
0x1dc: {  	v22 =	vand.u32 $0x1FFF8, v22  }
0x1dd: {  	v23 =	vld.idx.msk [tilespmem:v24+s6+$0x0], $0xffff;
	v22 =	vor.u32 v55, v22;
	_ =	sdelay $0x1  }
0x1de: {  	v24 =	vadd.s32 v51, v21;
	_ =	sdelay $0x2  }
0x1df: {  	[tilespmem:v22+s9+$0x0] =	vst.idx.msk $0xffff, v23;
	v22 =	vadd.s32 s11, v52  }
0x1e0: {  	v22 =	vand.u32 $0x1FFF8, v22  }
0x1e1: {  	v23 =	vld.idx.msk [tilespmem:v24+s6+$0x0], $0xffff;
	v22 =	vor.u32 v3, v22;
	_ =	sdelay $0x1  }
0x1e2: {  	v24 =	vadd.s32 v53, v21;
	_ =	sdelay $0x2  }
0x1e3: {  	[tilespmem:v22+s9+$0x0] =	vst.idx.msk $0xffff, v23;
	v22 =	vadd.s32 s11, v54  }
0x1e4: {  	v22 =	vand.u32 $0x1FFF8, v22  }
0x1e5: {  	v23 =	vld.idx.msk [tilespmem:v24+s6+$0x0], $0xffff;
	v22 =	vor.u32 v3, v22;
	_ =	sdelay $0x4  }
0x1e6: {  	[tilespmem:v22+s9+$0x0] =	vst.idx.msk $0xffff, v23;
	v22 =	vld [tilespmem:$0x1FFE0];
	_ =	sdelay $0x1  }
0x1e7: {  	v24 =	vadd.s32 v56, v21;
	_ =	sdelay $0x2  }
0x1e8: {  	v22 =	vadd.s32 s11, v22  }
0x1e9: {  	v22 =	vand.u32 $0x1FFF8, v22  }
0x1ea: {  	v23 =	vld.idx.msk [tilespmem:v24+s6+$0x0], $0xffff;
	v22 =	vor.u32 v58, v22;
	_ =	sdelay $0x1  }
0x1eb: {  	v24 =	vadd.s32 v59, v21;
	_ =	sdelay $0x2  }
0x1ec: {  	[tilespmem:v22+s9+$0x0] =	vst.idx.msk $0xffff, v23;
	v22 =	vadd.s32 s11, v60  }
0x1ed: {  	v22 =	vand.u32 $0x1FFF8, v22  }
0x1ee: {  	v23 =	vld.idx.msk [tilespmem:v24+s6+$0x0], $0xffff;
	v22 =	vor.u32 v7, v22;
	_ =	sdelay $0x1  }
0x1ef: {  	v24 =	vadd.s32 v61, v21;
	_ =	sdelay $0x2  }
0x1f0: {  	[tilespmem:v22+s9+$0x0] =	vst.idx.msk $0xffff, v23;
	v22 =	vadd.s32 s11, v4  }
0x1f1: {  	v22 =	vand.u32 $0x1FFF8, v22  }
0x1f2: {  	v23 =	vld.idx.msk [tilespmem:v24+s6+$0x0], $0xffff;
	v22 =	vor.u32 v7, v22;
	_ =	sdelay $0x1  }
0x1f3: {  	v24 =	vadd.s32 v26, v21;
	_ =	sdelay $0x2  }
0x1f4: {  	[tilespmem:v22+s9+$0x0] =	vst.idx.msk $0xffff, v23;
	v22 =	vadd.s32 s11, v27  }
0x1f5: {  	v22 =	vand.u32 $0x1FFF8, v22  }
0x1f6: {  	v23 =	vld.idx.msk [tilespmem:v24+s6+$0x0], $0xffff;
	v22 =	vor.u32 v28, v22;
	_ =	sdelay $0x1  }
0x1f7: {  	v24 =	vadd.s32 v8, v21;
	_ =	sdelay $0x2  }
0x1f8: {  	[tilespmem:v22+s9+$0x0] =	vst.idx.msk $0xffff, v23;
	v22 =	vadd.s32 s11, v57  }
0x1f9: {  	v22 =	vand.u32 $0x1FFF8, v22  }
0x1fa: {  	v23 =	vld.idx.msk [tilespmem:v24+s6+$0x0], $0xffff;
	v22 =	vor.u32 v3, v22;
	_ =	sdelay $0x1  }
0x1fb: {  	v24 =	vadd.s32 v18, v21;
	_ =	sdelay $0x2  }
0x1fc: {  	[tilespmem:v22+s9+$0x0] =	vst.idx.msk $0xffff, v23;
	v22 =	vadd.s32 s11, v0  }
0x1fd: {  	v22 =	vand.u32 $0x1FFF8, v22  }
0x1fe: {  	v23 =	vld.idx.msk [tilespmem:v24+s6+$0x0], $0xffff;
	v22 =	vor.u32 v3, v22;
	_ =	sdelay $0x1  }
0x1ff: {  	v24 =	vadd.s32 v1, v21;
	_ =	sdelay $0x2  }
0x200: {  	[tilespmem:v22+s9+$0x0] =	vst.idx.msk $0xffff, v23;
	v22 =	vadd.s32 s11, v6  }
0x201: {  	v22 =	vand.u32 $0x1FFF8, v22  }
0x202: {  	v23 =	vld.idx.msk [tilespmem:v24+s6+$0x0], $0xffff;
	v22 =	vor.u32 v3, v22;
	_ =	sdelay $0x1  }
0x203: {  	v24 =	vadd.s32 v29, v21;
	_ =	sdelay $0x2  }
0x204: {  	[tilespmem:v22+s9+$0x0] =	vst.idx.msk $0xffff, v23;
	v22 =	vadd.s32 s11, v30  }
0x205: {  	v22 =	vand.u32 $0x1FFF8, v22  }
0x206: {  	v23 =	vld.idx.msk [tilespmem:v24+s6+$0x0], $0xffff;
	v22 =	vor.u32 v9, v22;
	_ =	sdelay $0x1  }
0x207: {  	v24 =	vadd.s32 v10, v21;
	_ =	sdelay $0x2  }
0x208: {  	[tilespmem:v22+s9+$0x0] =	vst.idx.msk $0xffff, v23;
	v22 =	vadd.s32 s11, v2  }
0x209: {  	v22 =	vand.u32 $0x1FFF8, v22  }
0x20a: {  	v23 =	vld.idx.msk [tilespmem:v24+s6+$0x0], $0xffff;
	v22 =	vor.u32 v7, v22;
	_ =	sdelay $0x1  }
0x20b: {  	v24 =	vadd.s32 v11, v21;
	_ =	sdelay $0x2  }
0x20c: {  	[tilespmem:v22+s9+$0x0] =	vst.idx.msk $0xffff, v23;
	v22 =	vadd.s32 s11, v5  }
0x20d: {  	v22 =	vand.u32 $0x1FFF8, v22  }
0x20e: {  	v23 =	vld.idx.msk [tilespmem:v24+s6+$0x0], $0xffff;
	v22 =	vor.u32 v7, v22  }
0x20f: {  	v24 =	vadd.s32 v31, v21;
	_ =	sdelay $0x3  }
0x210: {  	[tilespmem:v22+s9+$0x0] =	vst.idx.msk $0xffff, v23  }
0x211: {  	v23 =	vld.idx.msk [tilespmem:v24+s6+$0x0], $0xffff  }
0x212: {  	v24 =	vld [tilespmem:$0x1FEF0];
	_ =	sdelay $0x2  }
0x213: {  	v22 =	vadd.s32 s11, v32  }
0x214: {  	v22 =	vand.u32 $0x1FFF8, v22  }
0x215: {  	v22 =	vor.u32 v24, v22;
	_ =	sdelay $0x1  }
0x216: {  	v24 =	vadd.s32 v12, v21;
	_ =	sdelay $0x2  }
0x217: {  	[tilespmem:v22+s9+$0x0] =	vst.idx.msk $0xffff, v23;
	v22 =	vadd.s32 s11, v13  }
0x218: {  	v22 =	vand.u32 $0x1FFF8, v22  }
0x219: {  	v23 =	vld.idx.msk [tilespmem:v24+s6+$0x0], $0xffff;
	v22 =	vor.u32 v3, v22;
	_ =	sdelay $0x1  }
0x21a: {  	v24 =	vadd.s32 v2, v21;
	_ =	sdelay $0x2  }
0x21b: {  	[tilespmem:v22+s9+$0x0] =	vst.idx.msk $0xffff, v23;
	v22 =	vadd.s32 s11, v14  }
0x21c: {  	v22 =	vand.u32 $0x1FFF8, v22  }
0x21d: {  	v23 =	vld.idx.msk [tilespmem:v24+s6+$0x0], $0xffff;
	v22 =	vor.u32 v3, v22;
	_ =	sdelay $0x1  }
0x21e: {  	v21 =	vadd.s32 v5, v21;
	_ =	sdelay $0x2  }
0x21f: {  	[tilespmem:v22+s9+$0x0] =	vst.idx.msk $0xffff, v23;
	v22 =	vadd.s32 s11, v15  }
0x220: {  	v22 =	vand.u32 $0x1FFF8, v22  }
0x221: {  	v21 =	vld.idx.msk [tilespmem:v21+s6+$0x0], $0xffff;
	v22 =	vor.u32 v3, v22;
	_ =	sdelay $0x4  }
0x222: {  	[tilespmem:v22+s9+$0x0] =	vst.idx.msk $0xffff, v21;
	v21 =	vadd.s32 s11, v62  }
0x223: {  	v21 =	vand.u32 $0x1FFF8, v21  }
0x224: {  	v19 =	vld.idx.msk [tilespmem:v19+s7+$0x0], $0xffff;
	v21 =	vor.u32 v63, v21;
	_ =	sdelay $0x4  }
0x225: {  	[tilespmem:v21+s9+$0x0] =	vst.idx.msk $0xffff, v19;
	v21 =	vld [tilespmem:$0x1FF10];
	_ =	sdelay $0x2  }
0x226: {  	v19 =	vadd.s32 s11, v33  }
0x227: {  	v19 =	vand.u32 $0x1FFF8, v19  }
0x228: {  	p0 =	sne.s32 s12, $0x1F8;
	v20 =	vld.idx.msk [tilespmem:v20+s7+$0x0], $0xffff;
	v19 =	vor.u32 v21, v19  }
.Ltmp0:
0x229: {  	_ = 	snop;
	(pc) =	sbr.rel @p0 .LBB2_2-.Ltmp0, $2  }
0x22a: {  	_ =	sdelay $0x2  }
0x22b: {  	v21 =	vmov s12;
	s12 =	sadd.s32 $0x8, s12;
	[tilespmem:v19+s9+$0x0] =	vst.idx.msk $0xffff, v20;
	v19 =	vadd.s32 s11, v34  }
0x22c: {  	_ =	sdelay $0x3  }
0x22d: {  	v22 =	vld.idx.msk [tilespmem:v17+s7+$0x0], $0xffff  }
0x22e: {  	v17 =	vld [tilespmem:$0x1FEA0]  }
0x22f: {  	v23 =	vld [tilespmem:$0x1FED0];
	_ =	sdelay $0x2  }
0x230: {  	v20 =	vshll.u32 v21, $0x3  }
0x231: {  	v17 =	vor.u32 v17, v20  }
0x232: {  	v24 =	vor.u32 v23, v17;
	v17 =	vld [tilespmem:$0x1FF20];
	_ =	sdelay $0x2  }
0x233: {  	v19 =	vand.u32 $0x1FFF8, v19  }
0x234: {  	s11 =	sadd.s32 $0x210, s11;
	v19 =	vor.u32 v16, v19  }
0x235: {  	v23 =	vadd.s32 s11, v17;
	v17 =	vld [tilespmem:$0x1FF30];
	_ =	sdelay $0x3  }
0x236: {  	[tilespmem:v19+s9+$0x0] =	vst.idx.msk $0xffff, v22;
	v19 =	vand.u32 $0x1FFF0, v23  }
0x237: {  	v23 =	vor.u32 v17, v19;
	v17 =	vld [tilespmem:$0x1FE90];
	_ =	sdelay $0x4  }
0x238: {  	v19 =	vor.u32 v17, v20;
	v17 =	vld [tilespmem:$0x1FF40];
	_ =	sdelay $0x4  }
0x239: {  	v19 =	vor.u32 v17, v19;
	v17 =	vld [tilespmem:$0x1FF50];
	_ =	sdelay $0x3  }
0x23a: {  	v22 =	vld.idx.msk [tilespmem:v24+s2+$0x0], $0xffff  }
0x23b: {  	[tilespmem:$0x1FE70] =	vst v24;
	v24 =	vadd.s32 s11, v17;
	v17 =	vld [tilespmem:$0x1FEE0];
	_ =	sdelay $0x3  }
0x23c: {  	[tilespmem:v23+s9+$0x0] =	vst.idx.msk $0xffff, v22;
	v22 =	vand.u32 $0x1FFF8, v24  }
0x23d: {  	v22 =	vor.u32 v17, v22;
	v17 =	vld [tilespmem:$0x1FE80];
	_ =	sdelay $0x4  }
0x23e: {  	v20 =	vor.u32 v17, v20;
	v17 =	vld [tilespmem:$0x1FF60];
	_ =	sdelay $0x4  }
0x23f: {  	v20 =	vor.u32 v17, v20;
	v17 =	vld [tilespmem:$0x1FF70];
	_ =	sdelay $0x3  }
0x240: {  	v23 =	vld.idx.msk [tilespmem:v19+s2+$0x0], $0xffff  }
0x241: {  	v24 =	vadd.s32 s11, v17;
	v17 =	vld [tilespmem:$0x1FF80];
	_ =	sdelay $0x3  }
0x242: {  	[tilespmem:v22+s9+$0x0] =	vst.idx.msk $0xffff, v23;
	v22 =	vand.u32 $0x1FFF8, v24  }
0x243: {  	v23 =	vld.idx.msk [tilespmem:v20+s2+$0x0], $0xffff;
	v22 =	vor.u32 v17, v22;
	_ =	sdelay $0x1  }
0x244: {  	v21 =	vmul.u32 $0x38, v21;
	v17 =	vld [tilespmem:$0x1FF90];
	_ =	sdelay $0x1  }
0x245: {  	v24 =	vor.u32 v25, v21  }
0x246: {  	[tilespmem:v22+s9+$0x0] =	vst.idx.msk $0xffff, v23;
	v23 =	vld [tilespmem:$0x1FFA0];
	_ =	sdelay $0x1  }
0x247: {  	v17 =	vadd.s32 s11, v17  }
0x248: {  	v17 =	vand.u32 $0x1FFF8, v17  }
0x249: {  	v22 =	vld.idx.msk [tilespmem:v24+s6+$0x0], $0xffff;
	v17 =	vor.u32 v7, v17  }
0x24a: {  	v23 =	vor.u32 v23, v21;
	_ =	sdelay $0x2  }
0x24b: {  	v24 =	vld [tilespmem:$0x1FFB0]  }
0x24c: {  	[tilespmem:v17+s9+$0x0] =	vst.idx.msk $0xffff, v22  }
0x24d: {  	v22 =	vld.idx.msk [tilespmem:v23+s6+$0x0], $0xffff  }
0x24e: {  	v23 =	vld [tilespmem:$0x1FFC0];
	_ =	sdelay $0x1  }
0x24f: {  	v24 =	vadd.s32 s11, v24  }
0x250: {  	v17 =	vand.u32 $0x1FFF8, v24;
	v24 =	vld [tilespmem:$0x1FFD0]  }
0x251: {  	v17 =	vor.u32 v7, v17  }
0x252: {  	v23 =	vor.u32 v23, v21;
	_ =	sdelay $0x2  }
0x253: {  	v24 =	vadd.s32 s11, v24  }
0x254: {  	[tilespmem:v17+s9+$0x0] =	vst.idx.msk $0xffff, v22;
	v17 =	vand.u32 $0x1FFF8, v24  }
0x255: {  	v17 =	vor.u32 v7, v17;
	v22 =	vld.idx.msk [tilespmem:v23+s6+$0x0], $0xffff  }
0x256: {  	v23 =	vadd.s32 v35, v21;
	_ =	sdelay $0x2  }
0x257: {  	v24 =	vadd.s32 s11, v36  }
0x258: {  	[tilespmem:v17+s9+$0x0] =	vst.idx.msk $0xffff, v22;
	v17 =	vand.u32 $0x1FFF8, v24  }
0x259: {  	v22 =	vld.idx.msk [tilespmem:v23+s6+$0x0], $0xffff;
	v17 =	vor.u32 v37, v17  }
0x25a: {  	v23 =	vadd.s32 v38, v21;
	_ =	sdelay $0x2  }
0x25b: {  	v24 =	vadd.s32 s11, v39  }
0x25c: {  	[tilespmem:v17+s9+$0x0] =	vst.idx.msk $0xffff, v22;
	v17 =	vand.u32 $0x1FFF8, v24  }
0x25d: {  	v22 =	vld.idx.msk [tilespmem:v23+s6+$0x0], $0xffff;
	v17 =	vor.u32 v3, v17  }
0x25e: {  	v23 =	vadd.s32 v39, v21;
	_ =	sdelay $0x2  }
0x25f: {  	v24 =	vadd.s32 s11, v40  }
0x260: {  	[tilespmem:v17+s9+$0x0] =	vst.idx.msk $0xffff, v22;
	v17 =	vand.u32 $0x1FFF8, v24  }
0x261: {  	v22 =	vld.idx.msk [tilespmem:v23+s6+$0x0], $0xffff;
	v17 =	vor.u32 v3, v17  }
0x262: {  	v23 =	vadd.s32 v41, v21;
	_ =	sdelay $0x3  }
0x263: {  	[tilespmem:v17+s9+$0x0] =	vst.idx.msk $0xffff, v22  }
0x264: {  	v22 =	vld.idx.msk [tilespmem:v23+s6+$0x0], $0xffff  }
0x265: {  	v23 =	vld [tilespmem:$0x1FEC0];
	_ =	sdelay $0x2  }
0x266: {  	v24 =	vadd.s32 s11, v42  }
0x267: {  	v17 =	vand.u32 $0x1FFF8, v24  }
0x268: {  	v17 =	vor.u32 v23, v17  }
0x269: {  	v23 =	vadd.s32 v43, v21;
	_ =	sdelay $0x2  }
0x26a: {  	v24 =	vadd.s32 s11, v44  }
0x26b: {  	[tilespmem:v17+s9+$0x0] =	vst.idx.msk $0xffff, v22;
	v17 =	vand.u32 $0x1FFF8, v24  }
0x26c: {  	v22 =	vld.idx.msk [tilespmem:v23+s6+$0x0], $0xffff;
	v17 =	vor.u32 v7, v17  }
0x26d: {  	v23 =	vadd.s32 v45, v21;
	_ =	sdelay $0x2  }
0x26e: {  	v24 =	vadd.s32 s11, v46  }
0x26f: {  	[tilespmem:v17+s9+$0x0] =	vst.idx.msk $0xffff, v22;
	v17 =	vand.u32 $0x1FFF8, v24  }
0x270: {  	v22 =	vld.idx.msk [tilespmem:v23+s6+$0x0], $0xffff;
	v17 =	vor.u32 v7, v17  }
0x271: {  	v23 =	vadd.s32 v47, v21;
	_ =	sdelay $0x2  }
0x272: {  	v24 =	vadd.s32 s11, v48  }
0x273: {  	[tilespmem:v17+s9+$0x0] =	vst.idx.msk $0xffff, v22;
	v17 =	vand.u32 $0x1FFF8, v24  }
0x274: {  	v22 =	vld.idx.msk [tilespmem:v23+s6+$0x0], $0xffff;
	v17 =	vor.u32 v7, v17  }
0x275: {  	v23 =	vadd.s32 v49, v21;
	_ =	sdelay $0x2  }
0x276: {  	v24 =	vadd.s32 s11, v50  }
0x277: {  	[tilespmem:v17+s9+$0x0] =	vst.idx.msk $0xffff, v22;
	v17 =	vand.u32 $0x1FFF8, v24  }
0x278: {  	v22 =	vld.idx.msk [tilespmem:v23+s6+$0x0], $0xffff;
	v17 =	vor.u32 v55, v17  }
0x279: {  	v23 =	vadd.s32 v51, v21;
	_ =	sdelay $0x2  }
0x27a: {  	v24 =	vadd.s32 s11, v52  }
0x27b: {  	[tilespmem:v17+s9+$0x0] =	vst.idx.msk $0xffff, v22;
	v17 =	vand.u32 $0x1FFF8, v24  }
0x27c: {  	v22 =	vld.idx.msk [tilespmem:v23+s6+$0x0], $0xffff;
	v17 =	vor.u32 v3, v17  }
0x27d: {  	v23 =	vadd.s32 v53, v21;
	_ =	sdelay $0x2  }
0x27e: {  	v24 =	vadd.s32 s11, v54  }
0x27f: {  	[tilespmem:v17+s9+$0x0] =	vst.idx.msk $0xffff, v22;
	v17 =	vand.u32 $0x1FFF8, v24;
	v24 =	vld [tilespmem:$0x1FFE0]  }
0x280: {  	v22 =	vld.idx.msk [tilespmem:v23+s6+$0x0], $0xffff;
	v17 =	vor.u32 v3, v17  }
0x281: {  	v23 =	vadd.s32 v56, v21;
	_ =	sdelay $0x2  }
0x282: {  	v24 =	vadd.s32 s11, v24  }
0x283: {  	[tilespmem:v17+s9+$0x0] =	vst.idx.msk $0xffff, v22;
	v17 =	vand.u32 $0x1FFF8, v24  }
0x284: {  	v22 =	vld.idx.msk [tilespmem:v23+s6+$0x0], $0xffff;
	v17 =	vor.u32 v58, v17  }
0x285: {  	v23 =	vadd.s32 v59, v21;
	_ =	sdelay $0x2  }
0x286: {  	v24 =	vadd.s32 s11, v60  }
0x287: {  	[tilespmem:v17+s9+$0x0] =	vst.idx.msk $0xffff, v22;
	v17 =	vand.u32 $0x1FFF8, v24  }
0x288: {  	v22 =	vld.idx.msk [tilespmem:v23+s6+$0x0], $0xffff;
	v17 =	vor.u32 v7, v17  }
0x289: {  	v23 =	vadd.s32 v61, v21;
	_ =	sdelay $0x2  }
0x28a: {  	v24 =	vadd.s32 s11, v4  }
0x28b: {  	[tilespmem:v17+s9+$0x0] =	vst.idx.msk $0xffff, v22;
	v17 =	vand.u32 $0x1FFF8, v24  }
0x28c: {  	v22 =	vld.idx.msk [tilespmem:v23+s6+$0x0], $0xffff;
	v17 =	vor.u32 v7, v17  }
0x28d: {  	v23 =	vadd.s32 v26, v21;
	_ =	sdelay $0x2  }
0x28e: {  	v24 =	vadd.s32 s11, v27  }
0x28f: {  	[tilespmem:v17+s9+$0x0] =	vst.idx.msk $0xffff, v22;
	v17 =	vand.u32 $0x1FFF8, v24  }
0x290: {  	v22 =	vld.idx.msk [tilespmem:v23+s6+$0x0], $0xffff;
	v17 =	vor.u32 v28, v17  }
0x291: {  	v23 =	vadd.s32 v8, v21;
	_ =	sdelay $0x2  }
0x292: {  	v24 =	vadd.s32 s11, v57  }
0x293: {  	[tilespmem:v17+s9+$0x0] =	vst.idx.msk $0xffff, v22;
	v17 =	vand.u32 $0x1FFF8, v24  }
0x294: {  	v22 =	vld.idx.msk [tilespmem:v23+s6+$0x0], $0xffff;
	v17 =	vor.u32 v3, v17  }
0x295: {  	v23 =	vadd.s32 v18, v21;
	_ =	sdelay $0x2  }
0x296: {  	v24 =	vadd.s32 s11, v0  }
0x297: {  	[tilespmem:v17+s9+$0x0] =	vst.idx.msk $0xffff, v22;
	v17 =	vand.u32 $0x1FFF8, v24  }
0x298: {  	v22 =	vld.idx.msk [tilespmem:v23+s6+$0x0], $0xffff;
	v17 =	vor.u32 v3, v17  }
0x299: {  	v23 =	vadd.s32 v1, v21;
	_ =	sdelay $0x2  }
0x29a: {  	v6 =	vadd.s32 s11, v6  }
0x29b: {  	v6 =	vand.u32 $0x1FFF8, v6;
	[tilespmem:v17+s9+$0x0] =	vst.idx.msk $0xffff, v22  }
0x29c: {  	v6 =	vor.u32 v3, v6;
	v17 =	vld.idx.msk [tilespmem:v23+s6+$0x0], $0xffff  }
0x29d: {  	v22 =	vadd.s32 v29, v21;
	_ =	sdelay $0x2  }
0x29e: {  	v23 =	vadd.s32 s11, v30  }
0x29f: {  	[tilespmem:v6+s9+$0x0] =	vst.idx.msk $0xffff, v17;
	v6 =	vand.u32 $0x1FFF8, v23  }
0x2a0: {  	v17 =	vld.idx.msk [tilespmem:v22+s6+$0x0], $0xffff;
	v6 =	vor.u32 v9, v6  }
0x2a1: {  	v9 =	vadd.s32 v10, v21;
	_ =	sdelay $0x2  }
0x2a2: {  	v10 =	vadd.s32 s11, v2  }
0x2a3: {  	[tilespmem:v6+s9+$0x0] =	vst.idx.msk $0xffff, v17;
	v6 =	vand.u32 $0x1FFF8, v10  }
0x2a4: {  	v9 =	vld.idx.msk [tilespmem:v9+s6+$0x0], $0xffff;
	v6 =	vor.u32 v7, v6  }
0x2a5: {  	v10 =	vadd.s32 v11, v21;
	_ =	sdelay $0x2  }
0x2a6: {  	v11 =	vadd.s32 s11, v5  }
0x2a7: {  	[tilespmem:v6+s9+$0x0] =	vst.idx.msk $0xffff, v9;
	v6 =	vand.u32 $0x1FFF8, v11  }
0x2a8: {  	v9 =	vld.idx.msk [tilespmem:v10+s6+$0x0], $0xffff;
	v6 =	vor.u32 v7, v6  }
0x2a9: {  	v10 =	vadd.s32 v31, v21;
	_ =	sdelay $0x3  }
0x2aa: {  	[tilespmem:v6+s9+$0x0] =	vst.idx.msk $0xffff, v9  }
0x2ab: {  	v9 =	vld.idx.msk [tilespmem:v10+s6+$0x0], $0xffff  }
0x2ac: {  	v10 =	vld [tilespmem:$0x1FEF0];
	_ =	sdelay $0x2  }
0x2ad: {  	v11 =	vadd.s32 s11, v32  }
0x2ae: {  	v6 =	vand.u32 $0x1FFF8, v11  }
0x2af: {  	v6 =	vor.u32 v10, v6  }
0x2b0: {  	v10 =	vadd.s32 v12, v21;
	_ =	sdelay $0x2  }
0x2b1: {  	v11 =	vadd.s32 s11, v13  }
0x2b2: {  	[tilespmem:v6+s9+$0x0] =	vst.idx.msk $0xffff, v9;
	v6 =	vand.u32 $0x1FFF8, v11  }
0x2b3: {  	v9 =	vld.idx.msk [tilespmem:v10+s6+$0x0], $0xffff;
	v6 =	vor.u32 v3, v6  }
0x2b4: {  	v2 =	vadd.s32 v2, v21;
	_ =	sdelay $0x2  }
0x2b5: {  	v10 =	vadd.s32 s11, v14  }
0x2b6: {  	[tilespmem:v6+s9+$0x0] =	vst.idx.msk $0xffff, v9;
	v6 =	vand.u32 $0x1FFF8, v10  }
0x2b7: {  	v2 =	vld.idx.msk [tilespmem:v2+s6+$0x0], $0xffff;
	v6 =	vor.u32 v3, v6  }
0x2b8: {  	v5 =	vadd.s32 v5, v21;
	_ =	sdelay $0x2  }
0x2b9: {  	v9 =	vadd.s32 s11, v15  }
0x2ba: {  	[tilespmem:v6+s9+$0x0] =	vst.idx.msk $0xffff, v2;
	v2 =	vand.u32 $0x1FFF8, v9  }
0x2bb: {  	v5 =	vld.idx.msk [tilespmem:v5+s6+$0x0], $0xffff;
	v2 =	vor.u32 v3, v2;
	_ =	sdelay $0x4  }
0x2bc: {  	[tilespmem:v2+s9+$0x0] =	vst.idx.msk $0xffff, v5;
	v5 =	vld [tilespmem:$0x1FE70];
	_ =	sdelay $0x5  }
0x2bd: {  	v6 =	vadd.s32 s11, v62  }
0x2be: {  	v2 =	vand.u32 $0x1FFF8, v6  }
0x2bf: {  	v2 =	vor.u32 v63, v2;
	v5 =	vld.idx.msk [tilespmem:v5+s7+$0x0], $0xffff;
	_ =	sdelay $0x3  }
0x2c0: {  	v6 =	vadd.s32 s11, v33  }
0x2c1: {  	[tilespmem:v2+s9+$0x0] =	vst.idx.msk $0xffff, v5;
	v2 =	vand.u32 $0x1FFF8, v6;
	v6 =	vld [tilespmem:$0x1FF10];
	_ =	sdelay $0x4  }
0x2c2: {  	v5 =	vld.idx.msk [tilespmem:v19+s7+$0x0], $0xffff;
	v2 =	vor.u32 v6, v2;
	_ =	sdelay $0x3  }
0x2c3: {  	v6 =	vadd.s32 s11, v34  }
0x2c4: {  	[tilespmem:v2+s9+$0x0] =	vst.idx.msk $0xffff, v5;
	v2 =	vand.u32 $0x1FFF8, v6  }
0x2c5: {  	v2 =	vor.u32 v16, v2;
	v5 =	vld.idx.msk [tilespmem:v20+s7+$0x0], $0xffff;
	_ =	sdelay $0x2  }
0x2c6: {  	s10 =	sadd.s32 $0x1, s10  }
0x2c7: {  	p0 =	sne.s32 s10, s19  }
.Ltmp1:
0x2c8: {  	[tilespmem:v2+s9+$0x0] =	vst.idx.msk $0xffff, v5;
	(pc) =	sbr.rel @p0 .LBB2_1-.Ltmp1, $4  }
0x2c9: {  	[hbm4b:s18+s1] =	stream.linear.scatter [tilespmem:s9], [sflag:$0x2], $0x8400, $0x38;
	[tilespmem:$0x11A00] =	vst v63  }
0x2ca: {  	_ =	swait.ge [sflag:s20], $0x8400  }
0x2cb: {  	[sflag:s20] =	ssyncset.done $0x0  }
0x2cc: {  	[sflag:s20] =	ssyncadd.s32 $0xFFFF7C00  }
0x2cd: {  	_ =	sfence.sel $0x180000  }
0x2ce: {  	[bflag:$0x0] =	sbarrier.arrive $0xFFFF  }
0x2cf: {  	_ =	strace $0x90000047  }
0x2d0: {  	s0 =	stileid.u32;
	[bflag:$0x2] =	sbarrier.arrive $0xFFFF  }
0x2d1: {  	p0 =	sne.s32 s0, $0x0;
	s0 =	rddreg [dreg:$0x5]  }
0x2d2: {  	s0 =	sadd.s32 @!p0 $0x100000, s0  }
0x2d3: {  	[sflag:s0] =	ssyncadd.tile.s32 @!p0 $0x1;
	_ =	shalt  }
.Lfunc_end2:
_tile_overlayer_lowered:
.L_overlay_start_2:
0x2d4: {  	(tag) =	ssettag $0x2  }
0x2d5: {  	s0 =	rddreg [dreg:$0x0];
	s2 =	stileid.u32  }
0x2d6: {  	s1 =	rddreg [dreg:$0x1];
	p0 =	sne.s32 s2, $0x0  }
0x2d7: {  	s3 =	rddreg [dreg:$0x2];
	[bflag:$0x3] =	sbarrier.arrive $0xFFFF;
	s2 =	simm.s32 @!p0 $0x1C02  }
0x2d8: {  	[timem:s3], [sflag:s2] =	dma.local @!p0 [hbm:s0], s1  }
0x2d9: {  	s0 =	simm.s32 @!p0 $0x2  }
0x2da: {  	_ =	swait.ge @!p0 [sflag:s0], s1  }
0x2db: {  	s1 =	ssub.s32 @!p0 $0x0, s1;
	[sflag:s0] =	ssyncset.done @!p0 $0x0  }
0x2dc: {  	[sflag:s0] =	ssyncadd.s32 @!p0 s1  }
0x2dd: {  	[bflag:$0x3] =	sbarrier.arrive $0xFFFF  }
0x2de: {  	_ =	shalt  }

</sc_bundles>
